<compile_context>
chip_gen: v7x
topology: tpu7x:2x2x1
jax: 0.10.2.dev20260603
libtpu: 0.0.44.dev20260713+nightly
codegen_flags: <defaults>
</compile_context>

<pallas_src>
import functools

import jax
import jax.numpy as jnp
from jax import lax
from jax.experimental import pallas as pl
from jax.experimental.pallas import tpu as pltpu
from jax.experimental.pallas import tpu_sc as plsc

_NC = 2
_NS = 16
_NW = _NC * _NS
_L = 16
_NBUF = 3
_CB = 2048


def _split_point(V):
    return (V // (2 * _CB)) * _CB


@functools.lru_cache(maxsize=None)
def _build_pair_table(V, D):
    S = _split_point(V)
    R = V - S
    off = S // _CB

    def body(xa_ref, xb_ref, o_ref):
        o_ref[...] = jnp.concatenate([xa_ref[...].T, xb_ref[...].T], axis=1)

    return pl.pallas_call(
        body,
        grid=(pl.cdiv(R, _CB),),
        in_specs=[
            pl.BlockSpec((D, _CB), lambda i: (0, i)),
            pl.BlockSpec((D, _CB), lambda i: (0, i + off)),
        ],
        out_specs=pl.BlockSpec((_CB, 2 * D), lambda i: (i, 0)),
        out_shape=jax.ShapeDtypeStruct((R, 2 * D), jnp.float32),
    )


@functools.lru_cache(maxsize=None)
def _build_gather(BATCH, HIST, V, D):
    S = _split_point(V)
    BT = 128
    n_bt = BATCH // BT
    n_units = n_bt * HIST
    u_per_w = n_units // _NW
    mesh = plsc.VectorSubcoreMesh(core_axis_name="c", subcore_axis_name="s")

    @functools.partial(
        pl.kernel,
        out_type=jax.ShapeDtypeStruct((HIST, D, BATCH), jnp.float32),
        mesh=mesh,
        scratch_types=[
            pltpu.VMEM((_NBUF, BT), jnp.int32),
            pltpu.VMEM((_NBUF, BT), jnp.int32),
            pltpu.VMEM((_NBUF, BT, 2 * D), jnp.float32),
            pltpu.VMEM((_NBUF, D, BT + 1), jnp.float32),
            pltpu.SemaphoreType.DMA((_NBUF,)),
            pltpu.SemaphoreType.DMA((_NBUF,)),
            pltpu.SemaphoreType.DMA((_NBUF,)),
        ],
        compiler_params=pltpu.CompilerParams(needs_layout_passes=False),
    )
    def k(idx_t, ptab, out, idx_v, pidx_v, rows_v, blk_v,
          sem_idx, sem_in, sem_out):
        wid = lax.axis_index("s") * _NC + lax.axis_index("c")
        u0 = wid * u_per_w

        def hb(u):
            return u // n_bt, lax.rem(u, n_bt)

        def start_idx(u, b):
            h, bt = hb(u)
            pltpu.async_copy(
                idx_t.at[h, pl.ds(bt * BT, BT)], idx_v.at[b], sem_idx.at[b])

        def start_gather(b):
            pltpu.make_async_copy(
                idx_t.at[0, pl.ds(0, BT)], idx_v.at[b], sem_idx.at[b]).wait()
            for t in range(BT // _L):
                raw = idx_v[b, pl.ds(t * _L, _L)]
                pidx_v[b, pl.ds(t * _L, _L)] = jnp.where(raw >= S, raw - S, raw)
            pltpu.async_copy(ptab.at[pidx_v.at[b]], rows_v.at[b], sem_in.at[b])

        def finish_unit(u, b):
            h, bt = hb(u)
            pltpu.make_async_copy(
                ptab.at[pidx_v.at[b]], rows_v.at[b], sem_in.at[b]).wait()

            rows_l = [lax.iota(jnp.int32, _L) + t * _L for t in range(BT // _L)]
            par_l = [jnp.where(idx_v[b, pl.ds(t * _L, _L)] >= S, D, 0)
                     for t in range(BT // _L)]

            @plsc.parallel_loop(0, D, unroll=16)
            def _(d):
                dvec = lax.broadcast_in_dim(d, (_L,), ())
                for t in range(BT // _L):
                    v = plsc.load_gather(
                        rows_v.at[b], [rows_l[t], par_l[t] + dvec])
                    blk_v[b, d, pl.ds(t * _L, _L)] = v
            pltpu.async_copy(
                blk_v.at[b, :, pl.ds(0, BT)],
                out.at[h, :, pl.ds(bt * BT, BT)], sem_out.at[b])

        def wait_out(b):
            pltpu.make_async_copy(
                blk_v.at[b, :, pl.ds(0, BT)],
                out.at[0, :, pl.ds(0, BT)], sem_out.at[b]).wait()

        for b in range(_NBUF):
            start_idx(u0 + b, b)
        for b in range(_NBUF):
            start_gather(b)

        def step(j, carry):
            b = lax.rem(j, _NBUF)

            @pl.when(j >= _NBUF)
            def _():
                wait_out(b)

            finish_unit(u0 + j, b)

            @pl.when(j + _NBUF < u_per_w)
            def _():
                start_idx(u0 + j + _NBUF, b)
                start_gather(b)

            return carry

        lax.fori_loop(0, u_per_w, step, 0)
        for b in range(_NBUF):
            wait_out(b)

    return k


def kernel(indices, table):
    BATCH, HIST = indices.shape
    V, D = table.shape
    idx_t = jnp.transpose(indices).astype(jnp.int32)
    tab_t = jnp.transpose(table)
    ptab = _build_pair_table(V, D)(tab_t, tab_t)
    outp = _build_gather(BATCH, HIST, V, D)(idx_t, ptab)
    return jnp.transpose(outp, (2, 0, 1))

# --- scband reference (transcript-rebuilt; emitter-appended) ---
"""Pipeline reference for scband-prover-63376537420359 (READ-ONLY COPY).

The authoritative reference and input builder live on the scoring server;
editing this copy changes nothing except your own understanding.
"""

import jax, jax.numpy as jnp
import numpy as np

NUM_EMBEDDINGS = 1000000
EMBEDDING_DIM = 64
BATCH = 16384
HIST = 50

def setup_inputs(seed: int = 0) -> dict:
    key = jax.random.key(seed)
    k_idx, k_tab = jax.random.split(key)
    indices = jax.random.randint(k_idx, (BATCH, HIST), 0, NUM_EMBEDDINGS, dtype=jnp.int64 if jax.config.jax_enable_x64 else jnp.int32)
    table = jax.random.normal(k_tab, (NUM_EMBEDDINGS, EMBEDDING_DIM), dtype=jnp.float32) * 0.02
    return {"indices": indices, "table": table}

def reference(indices, table):
    # TermEmbedder is nn.Embedding: pure gather of rows from the embedding table.
    out = jnp.take(table, indices, axis=0)
    return out

if __name__ == "__main__":
    import jax
    _d = setup_inputs()
    print(jax.jit(kernel)(*tuple(_d.values())))

</pallas_src>

<mosaic_0001>
#map = affine_map<(d0, d1) -> (0, 0)>
#map1 = affine_map<(d0, d1) -> (0, 0, 0)>
module attributes {stable_mosaic.version = 14 : i64} {
  func.func @k(%arg0: i32, %arg1: i32, %arg2: memref<50x16384xi32, #tpu.memory_space<hbm>>, %arg3: memref<500288x128xf32, #tpu.memory_space<hbm>>, %arg4: memref<50x64x16384xf32, #tpu.memory_space<hbm>>, %arg5: memref<3x128xi32, #tpu.memory_space<vmem>>, %arg6: memref<3x128xi32, #tpu.memory_space<vmem>>, %arg7: memref<3x128x128xf32, #tpu.memory_space<vmem>>, %arg8: memref<3x64x129xf32, #tpu.memory_space<vmem>>, %arg9: memref<3x!tpu.dma_semaphore, #tpu.memory_space<semaphore_mem>>, %arg10: memref<3x!tpu.dma_semaphore, #tpu.memory_space<semaphore_mem>>, %arg11: memref<3x!tpu.dma_semaphore, #tpu.memory_space<semaphore_mem>>) attributes {dimension_semantics = [#tpu.dimension_semantics<core_parallel>, #tpu.dimension_semantics<subcore_parallel>], iteration_bounds = array<i64: 2, 16>, scalar_prefetch = 0 : i64, scratch_operands = 7 : i64, tpu.core_type = #tpu.core_type<sc_vector_subcore>, window_params = [{transform_indices = #map}, {transform_indices = #map}, {transform_indices = #map1}]} {
    %mul3A = arith.constant 2 : i32
    %mul3A_0 = arith.muli %arg1, %mul3A : i32
    %add3A = arith.addi %mul3A_0, %arg0 : i32
    %mul3A_1 = arith.constant 200 : i32
    %mul3A_2 = arith.muli %add3A, %mul3A_1 : i32
    %add3A_3 = arith.constant 0 : i32
    %add3A_4 = arith.addi %mul3A_2, %add3A_3 : i32
    %jit3A = arith.constant 128 : i32
    %div3A = arith.divsi %add3A_4, %jit3A : i32
    %sign3A = arith.constant 0 : i32
    %sign3A_5 = arith.cmpi sgt, %add3A_4, %sign3A : i32
    %sign3A_6 = arith.extui %sign3A_5 : i1 to i32
    %sign3A_7 = arith.constant 0 : i32
    %sign3A_8 = arith.cmpi slt, %add3A_4, %sign3A_7 : i32
    %sign3A_9 = arith.extui %sign3A_8 : i1 to i32
    %sign3A_10 = arith.subi %sign3A_6, %sign3A_9 : i32
    %sign3A_11 = arith.constant 0 : i32
    %sign3A_12 = arith.cmpi sgt, %jit3A, %sign3A_11 : i32
    %sign3A_13 = arith.extui %sign3A_12 : i1 to i32
    %sign3A_14 = arith.constant 0 : i32
    %sign3A_15 = arith.cmpi slt, %jit3A, %sign3A_14 : i32
    %sign3A_16 = arith.extui %sign3A_15 : i1 to i32
    %sign3A_17 = arith.subi %sign3A_13, %sign3A_16 : i32
    %ne3A = arith.cmpi ne, %sign3A_10, %sign3A_17 : i32
    %rem3A = arith.remsi %add3A_4, %jit3A : i32
    %ne3A_18 = arith.constant 0 : i32
    %ne3A_19 = arith.cmpi ne, %rem3A, %ne3A_18 : i32
    %and3A = arith.andi %ne3A, %ne3A_19 : i1
    %sub3A = arith.constant 1 : i32
    %sub3A_20 = arith.subi %div3A, %sub3A : i32
    %select_n3A = arith.select %and3A, %sub3A_20, %div3A : i32
    %rem3A_21 = arith.constant 128 : i32
    %rem3A_22 = arith.remsi %add3A_4, %rem3A_21 : i32
    %mul3A_23 = arith.constant 128 : i32
    %mul3A_24 = arith.muli %rem3A_22, %mul3A_23 : i32
    %dma_start3A = arith.constant 0 : i32
    %dma_start3A_25 = arith.constant 0 : i32
    %dma_start3A_26 = arith.constant 0 : i32
    %dma_start3A_27 = tpu.memref_slice %arg5[%dma_start3A, %dma_start3A_26] : memref<3x128xi32, #tpu.memory_space<vmem>> -> memref<1x128xi32, #tpu.memory_space<vmem>>
    %dma_start3A_28 = tpu.memref_squeeze %dma_start3A_27 : memref<1x128xi32, #tpu.memory_space<vmem>> -> memref<128xi32, #tpu.memory_space<vmem>>
    %dma_start3A_29 = tpu.memref_slice %arg2[%select_n3A, %mul3A_24] : memref<50x16384xi32, #tpu.memory_space<hbm>> -> memref<1x128xi32, #tpu.memory_space<hbm>>
    %dma_start3A_30 = tpu.memref_squeeze %dma_start3A_29 : memref<1x128xi32, #tpu.memory_space<hbm>> -> memref<128xi32, #tpu.memory_space<hbm>>
    %dma_start3A_31 = tpu.memref_slice %arg9[%dma_start3A_25] : memref<3x!tpu.dma_semaphore, #tpu.memory_space<semaphore_mem>> -> memref<1x!tpu.dma_semaphore, #tpu.memory_space<semaphore_mem>>
    %dma_start3A_32 = tpu.memref_squeeze %dma_start3A_31 : memref<1x!tpu.dma_semaphore, #tpu.memory_space<semaphore_mem>> -> memref<!tpu.dma_semaphore, #tpu.memory_space<semaphore_mem>>
    %dma_start3A_33 = arith.constant 0 : i32
    %dma_start3A_34 = tpu.memref_slice %arg5[%dma_start3A, %dma_start3A_33] : memref<3x128xi32, #tpu.memory_space<vmem>> -> memref<1x128xi32, #tpu.memory_space<vmem>>
    %dma_start3A_35 = tpu.memref_squeeze %dma_start3A_34 : memref<1x128xi32, #tpu.memory_space<vmem>> -> memref<128xi32, #tpu.memory_space<vmem>>
    %dma_start3A_36 = tpu.memref_slice %arg2[%select_n3A, %mul3A_24] : memref<50x16384xi32, #tpu.memory_space<hbm>> -> memref<1x128xi32, #tpu.memory_space<hbm>>
    %dma_start3A_37 = tpu.memref_squeeze %dma_start3A_36 : memref<1x128xi32, #tpu.memory_space<hbm>> -> memref<128xi32, #tpu.memory_space<hbm>>
    tpu.enqueue_dma source(%dma_start3A_37 : memref<128xi32, #tpu.memory_space<hbm>>) target(%dma_start3A_35 : memref<128xi32, #tpu.memory_space<vmem>>) target_semaphore(%dma_start3A_32 : memref<!tpu.dma_semaphore, #tpu.memory_space<semaphore_mem>>)
    %add3A_38 = arith.constant 1 : i32
    %add3A_39 = arith.addi %mul3A_2, %add3A_38 : i32
    %jit3A_40 = arith.constant 128 : i32
    %div3A_41 = arith.divsi %add3A_39, %jit3A_40 : i32
    %sign3A_42 = arith.constant 0 : i32
    %sign3A_43 = arith.cmpi sgt, %add3A_39, %sign3A_42 : i32
    %sign3A_44 = arith.extui %sign3A_43 : i1 to i32
    %sign3A_45 = arith.constant 0 : i32
    %sign3A_46 = arith.cmpi slt, %add3A_39, %sign3A_45 : i32
    %sign3A_47 = arith.extui %sign3A_46 : i1 to i32
    %sign3A_48 = arith.subi %sign3A_44, %sign3A_47 : i32
    %sign3A_49 = arith.constant 0 : i32
    %sign3A_50 = arith.cmpi sgt, %jit3A_40, %sign3A_49 : i32
    %sign3A_51 = arith.extui %sign3A_50 : i1 to i32
    %sign3A_52 = arith.constant 0 : i32
    %sign3A_53 = arith.cmpi slt, %jit3A_40, %sign3A_52 : i32
    %sign3A_54 = arith.extui %sign3A_53 : i1 to i32
    %sign3A_55 = arith.subi %sign3A_51, %sign3A_54 : i32
    %ne3A_56 = arith.cmpi ne, %sign3A_48, %sign3A_55 : i32
    %rem3A_57 = arith.remsi %add3A_39, %jit3A_40 : i32
    %ne3A_58 = arith.constant 0 : i32
    %ne3A_59 = arith.cmpi ne, %rem3A_57, %ne3A_58 : i32
    %and3A_60 = arith.andi %ne3A_56, %ne3A_59 : i1
    %sub3A_61 = arith.constant 1 : i32
    %sub3A_62 = arith.subi %div3A_41, %sub3A_61 : i32
    %select_n3A_63 = arith.select %and3A_60, %sub3A_62, %div3A_41 : i32
    %rem3A_64 = arith.constant 128 : i32
    %rem3A_65 = arith.remsi %add3A_39, %rem3A_64 : i32
    %mul3A_66 = arith.constant 128 : i32
    %mul3A_67 = arith.muli %rem3A_65, %mul3A_66 : i32
    %dma_start3A_68 = arith.constant 1 : i32
    %dma_start3A_69 = arith.constant 1 : i32
    %dma_start3A_70 = arith.constant 0 : i32
    %dma_start3A_71 = tpu.memref_slice %arg5[%dma_start3A_68, %dma_start3A_70] : memref<3x128xi32, #tpu.memory_space<vmem>> -> memref<1x128xi32, #tpu.memory_space<vmem>>
    %dma_start3A_72 = tpu.memref_squeeze %dma_start3A_71 : memref<1x128xi32, #tpu.memory_space<vmem>> -> memref<128xi32, #tpu.memory_space<vmem>>
    %dma_start3A_73 = tpu.memref_slice %arg2[%select_n3A_63, %mul3A_67] : memref<50x16384xi32, #tpu.memory_space<hbm>> -> memref<1x128xi32, #tpu.memory_space<hbm>>
    %dma_start3A_74 = tpu.memref_squeeze %dma_start3A_73 : memref<1x128xi32, #tpu.memory_space<hbm>> -> memref<128xi32, #tpu.memory_space<hbm>>
    %dma_start3A_75 = tpu.memref_slice %arg9[%dma_start3A_69] : memref<3x!tpu.dma_semaphore, #tpu.memory_space<semaphore_mem>> -> memref<1x!tpu.dma_semaphore, #tpu.memory_space<semaphore_mem>>
    %dma_start3A_76 = tpu.memref_squeeze %dma_start3A_75 : memref<1x!tpu.dma_semaphore, #tpu.memory_space<semaphore_mem>> -> memref<!tpu.dma_semaphore, #tpu.memory_space<semaphore_mem>>
    %dma_start3A_77 = arith.constant 0 : i32
    %dma_start3A_78 = tpu.memref_slice %arg5[%dma_start3A_68, %dma_start3A_77] : memref<3x128xi32, #tpu.memory_space<vmem>> -> memref<1x128xi32, #tpu.memory_space<vmem>>
    %dma_start3A_79 = tpu.memref_squeeze %dma_start3A_78 : memref<1x128xi32, #tpu.memory_space<vmem>> -> memref<128xi32, #tpu.memory_space<vmem>>
    %dma_start3A_80 = tpu.memref_slice %arg2[%select_n3A_63, %mul3A_67] : memref<50x16384xi32, #tpu.memory_space<hbm>> -> memref<1x128xi32, #tpu.memory_space<hbm>>
    %dma_start3A_81 = tpu.memref_squeeze %dma_start3A_80 : memref<1x128xi32, #tpu.memory_space<hbm>> -> memref<128xi32, #tpu.memory_space<hbm>>
    tpu.enqueue_dma source(%dma_start3A_81 : memref<128xi32, #tpu.memory_space<hbm>>) target(%dma_start3A_79 : memref<128xi32, #tpu.memory_space<vmem>>) target_semaphore(%dma_start3A_76 : memref<!tpu.dma_semaphore, #tpu.memory_space<semaphore_mem>>)
    %add3A_82 = arith.constant 2 : i32
    %add3A_83 = arith.addi %mul3A_2, %add3A_82 : i32
    %jit3A_84 = arith.constant 128 : i32
    %div3A_85 = arith.divsi %add3A_83, %jit3A_84 : i32
    %sign3A_86 = arith.constant 0 : i32
    %sign3A_87 = arith.cmpi sgt, %add3A_83, %sign3A_86 : i32
    %sign3A_88 = arith.extui %sign3A_87 : i1 to i32
    %sign3A_89 = arith.constant 0 : i32
    %sign3A_90 = arith.cmpi slt, %add3A_83, %sign3A_89 : i32
    %sign3A_91 = arith.extui %sign3A_90 : i1 to i32
    %sign3A_92 = arith.subi %sign3A_88, %sign3A_91 : i32
    %sign3A_93 = arith.constant 0 : i32
    %sign3A_94 = arith.cmpi sgt, %jit3A_84, %sign3A_93 : i32
    %sign3A_95 = arith.extui %sign3A_94 : i1 to i32
    %sign3A_96 = arith.constant 0 : i32
    %sign3A_97 = arith.cmpi slt, %jit3A_84, %sign3A_96 : i32
    %sign3A_98 = arith.extui %sign3A_97 : i1 to i32
    %sign3A_99 = arith.subi %sign3A_95, %sign3A_98 : i32
    %ne3A_100 = arith.cmpi ne, %sign3A_92, %sign3A_99 : i32
    %rem3A_101 = arith.remsi %add3A_83, %jit3A_84 : i32
    %ne3A_102 = arith.constant 0 : i32
    %ne3A_103 = arith.cmpi ne, %rem3A_101, %ne3A_102 : i32
    %and3A_104 = arith.andi %ne3A_100, %ne3A_103 : i1
    %sub3A_105 = arith.constant 1 : i32
    %sub3A_106 = arith.subi %div3A_85, %sub3A_105 : i32
    %select_n3A_107 = arith.select %and3A_104, %sub3A_106, %div3A_85 : i32
    %rem3A_108 = arith.constant 128 : i32
    %rem3A_109 = arith.remsi %add3A_83, %rem3A_108 : i32
    %mul3A_110 = arith.constant 128 : i32
    %mul3A_111 = arith.muli %rem3A_109, %mul3A_110 : i32
    %dma_start3A_112 = arith.constant 2 : i32
    %dma_start3A_113 = arith.constant 2 : i32
    %dma_start3A_114 = arith.constant 0 : i32
    %dma_start3A_115 = tpu.memref_slice %arg5[%dma_start3A_112, %dma_start3A_114] : memref<3x128xi32, #tpu.memory_space<vmem>> -> memref<1x128xi32, #tpu.memory_space<vmem>>
    %dma_start3A_116 = tpu.memref_squeeze %dma_start3A_115 : memref<1x128xi32, #tpu.memory_space<vmem>> -> memref<128xi32, #tpu.memory_space<vmem>>
    %dma_start3A_117 = tpu.memref_slice %arg2[%select_n3A_107, %mul3A_111] : memref<50x16384xi32, #tpu.memory_space<hbm>> -> memref<1x128xi32, #tpu.memory_space<hbm>>
    %dma_start3A_118 = tpu.memref_squeeze %dma_start3A_117 : memref<1x128xi32, #tpu.memory_space<hbm>> -> memref<128xi32, #tpu.memory_space<hbm>>
    %dma_start3A_119 = tpu.memref_slice %arg9[%dma_start3A_113] : memref<3x!tpu.dma_semaphore, #tpu.memory_space<semaphore_mem>> -> memref<1x!tpu.dma_semaphore, #tpu.memory_space<semaphore_mem>>
    %dma_start3A_120 = tpu.memref_squeeze %dma_start3A_119 : memref<1x!tpu.dma_semaphore, #tpu.memory_space<semaphore_mem>> -> memref<!tpu.dma_semaphore, #tpu.memory_space<semaphore_mem>>
    %dma_start3A_121 = arith.constant 0 : i32
    %dma_start3A_122 = tpu.memref_slice %arg5[%dma_start3A_112, %dma_start3A_121] : memref<3x128xi32, #tpu.memory_space<vmem>> -> memref<1x128xi32, #tpu.memory_space<vmem>>
    %dma_start3A_123 = tpu.memref_squeeze %dma_start3A_122 : memref<1x128xi32, #tpu.memory_space<vmem>> -> memref<128xi32, #tpu.memory_space<vmem>>
    %dma_start3A_124 = tpu.memref_slice %arg2[%select_n3A_107, %mul3A_111] : memref<50x16384xi32, #tpu.memory_space<hbm>> -> memref<1x128xi32, #tpu.memory_space<hbm>>
    %dma_start3A_125 = tpu.memref_squeeze %dma_start3A_124 : memref<1x128xi32, #tpu.memory_space<hbm>> -> memref<128xi32, #tpu.memory_space<hbm>>
    tpu.enqueue_dma source(%dma_start3A_125 : memref<128xi32, #tpu.memory_space<hbm>>) target(%dma_start3A_123 : memref<128xi32, #tpu.memory_space<vmem>>) target_semaphore(%dma_start3A_120 : memref<!tpu.dma_semaphore, #tpu.memory_space<semaphore_mem>>)
    %dma_wait3A = arith.constant 0 : i32
    %dma_wait3A_126 = arith.constant 0 : i32
    %dma_wait3A_127 = arith.constant 0 : i32
    %dma_wait3A_128 = arith.constant 0 : i32
    %dma_wait3A_129 = tpu.memref_slice %arg5[%dma_wait3A_126, %dma_wait3A_128] : memref<3x128xi32, #tpu.memory_space<vmem>> -> memref<1x128xi32, #tpu.memory_space<vmem>>
    %dma_wait3A_130 = tpu.memref_squeeze %dma_wait3A_129 : memref<1x128xi32, #tpu.memory_space<vmem>> -> memref<128xi32, #tpu.memory_space<vmem>>
    %dma_wait3A_131 = arith.constant 0 : i32
    %dma_wait3A_132 = tpu.memref_slice %arg2[%dma_wait3A, %dma_wait3A_131] : memref<50x16384xi32, #tpu.memory_space<hbm>> -> memref<1x128xi32, #tpu.memory_space<hbm>>
    %dma_wait3A_133 = tpu.memref_squeeze %dma_wait3A_132 : memref<1x128xi32, #tpu.memory_space<hbm>> -> memref<128xi32, #tpu.memory_space<hbm>>
    %dma_wait3A_134 = tpu.memref_slice %arg9[%dma_wait3A_127] : memref<3x!tpu.dma_semaphore, #tpu.memory_space<semaphore_mem>> -> memref<1x!tpu.dma_semaphore, #tpu.memory_space<semaphore_mem>>
    %dma_wait3A_135 = tpu.memref_squeeze %dma_wait3A_134 : memref<1x!tpu.dma_semaphore, #tpu.memory_space<semaphore_mem>> -> memref<!tpu.dma_semaphore, #tpu.memory_space<semaphore_mem>>
    %dma_wait3A_136 = arith.constant 0 : i32
    %dma_wait3A_137 = tpu.memref_slice %arg5[%dma_wait3A_126, %dma_wait3A_136] : memref<3x128xi32, #tpu.memory_space<vmem>> -> memref<1x128xi32, #tpu.memory_space<vmem>>
    %dma_wait3A_138 = tpu.memref_squeeze %dma_wait3A_137 : memref<1x128xi32, #tpu.memory_space<vmem>> -> memref<128xi32, #tpu.memory_space<vmem>>
    %dma_wait3A_139 = arith.constant 0 : i32
    %dma_wait3A_140 = tpu.memref_slice %arg2[%dma_wait3A, %dma_wait3A_139] : memref<50x16384xi32, #tpu.memory_space<hbm>> -> memref<1x128xi32, #tpu.memory_space<hbm>>
    %dma_wait3A_141 = tpu.memref_squeeze %dma_wait3A_140 : memref<1x128xi32, #tpu.memory_space<hbm>> -> memref<128xi32, #tpu.memory_space<hbm>>
    tpu.wait_dma2 semaphore(%dma_wait3A_135 : memref<!tpu.dma_semaphore, #tpu.memory_space<semaphore_mem>>) src(%dma_wait3A_141 : memref<128xi32, #tpu.memory_space<hbm>>) dst(%dma_wait3A_138 : memref<128xi32, #tpu.memory_space<vmem>>)
    %get3A = arith.constant 0 : i32
    %get3A_142 = arith.index_cast %get3A : i32 to index
    %get3A_143 = arith.constant 0 : index
    %get3A_144 = tpu.vector_load %arg5[%get3A_142, %get3A_143] {strides = array<i32>} : memref<3x128xi32, #tpu.memory_space<vmem>>, vector<16xi32>,
    %ge3A = arith.constant 499712 : i32
    %ge3A_145 = vector.broadcast %ge3A : i32 to vector<16xi32>
    %ge3A_146 = arith.cmpi sge, %get3A_144, %ge3A_145 : vector<16xi32>
    %sub3A_147 = arith.constant 499712 : i32
    %sub3A_148 = vector.broadcast %sub3A_147 : i32 to vector<16xi32>
    %sub3A_149 = arith.subi %get3A_144, %sub3A_148 : vector<16xi32>
    %select_n3A_150 = arith.select %ge3A_146, %sub3A_149, %get3A_144 : vector<16xi1>, vector<16xi32>
    %swap3A = arith.constant 0 : i32
    %swap3A_151 = arith.index_cast %swap3A : i32 to index
    %swap3A_152 = arith.constant 0 : index
    %swap3A_153 = tpu.vector_load %arg6[%swap3A_151, %swap3A_152] {strides = array<i32>} : memref<3x128xi32, #tpu.memory_space<vmem>>, vector<16xi32>,
    tpu.vector_store %arg6[%swap3A_151, %swap3A_152], %select_n3A_150 {strides = array<i32>} : memref<3x128xi32, #tpu.memory_space<vmem>>, vector<16xi32>,
    %get3A_154 = arith.constant 0 : i32
    %get3A_155 = arith.index_cast %get3A_154 : i32 to index
    %get3A_156 = arith.constant 16 : index
    %get3A_157 = tpu.vector_load %arg5[%get3A_155, %get3A_156] {strides = array<i32>} : memref<3x128xi32, #tpu.memory_space<vmem>>, vector<16xi32>,
    %ge3A_158 = arith.constant 499712 : i32
    %ge3A_159 = vector.broadcast %ge3A_158 : i32 to vector<16xi32>
    %ge3A_160 = arith.cmpi sge, %get3A_157, %ge3A_159 : vector<16xi32>
    %sub3A_161 = arith.constant 499712 : i32
    %sub3A_162 = vector.broadcast %sub3A_161 : i32 to vector<16xi32>
    %sub3A_163 = arith.subi %get3A_157, %sub3A_162 : vector<16xi32>
    %select_n3A_164 = arith.select %ge3A_160, %sub3A_163, %get3A_157 : vector<16xi1>, vector<16xi32>
    %swap3A_165 = arith.constant 0 : i32
    %swap3A_166 = arith.index_cast %swap3A_165 : i32 to index
    %swap3A_167 = arith.constant 16 : index
    %swap3A_168 = tpu.vector_load %arg6[%swap3A_166, %swap3A_167] {strides = array<i32>} : memref<3x128xi32, #tpu.memory_space<vmem>>, vector<16xi32>,
    tpu.vector_store %arg6[%swap3A_166, %swap3A_167], %select_n3A_164 {strides = array<i32>} : memref<3x128xi32, #tpu.memory_space<vmem>>, vector<16xi32>,
    %get3A_169 = arith.constant 0 : i32
    %get3A_170 = arith.index_cast %get3A_169 : i32 to index
    %get3A_171 = arith.constant 32 : index
    %get3A_172 = tpu.vector_load %arg5[%get3A_170, %get3A_171] {strides = array<i32>} : memref<3x128xi32, #tpu.memory_space<vmem>>, vector<16xi32>,
    %ge3A_173 = arith.constant 499712 : i32
    %ge3A_174 = vector.broadcast %ge3A_173 : i32 to vector<16xi32>
    %ge3A_175 = arith.cmpi sge, %get3A_172, %ge3A_174 : vector<16xi32>
    %sub3A_176 = arith.constant 499712 : i32
    %sub3A_177 = vector.broadcast %sub3A_176 : i32 to vector<16xi32>
    %sub3A_178 = arith.subi %get3A_172, %sub3A_177 : vector<16xi32>
    %select_n3A_179 = arith.select %ge3A_175, %sub3A_178, %get3A_172 : vector<16xi1>, vector<16xi32>
    %swap3A_180 = arith.constant 0 : i32
    %swap3A_181 = arith.index_cast %swap3A_180 : i32 to index
    %swap3A_182 = arith.constant 32 : index
    %swap3A_183 = tpu.vector_load %arg6[%swap3A_181, %swap3A_182] {strides = array<i32>} : memref<3x128xi32, #tpu.memory_space<vmem>>, vector<16xi32>,
    tpu.vector_store %arg6[%swap3A_181, %swap3A_182], %select_n3A_179 {strides = array<i32>} : memref<3x128xi32, #tpu.memory_space<vmem>>, vector<16xi32>,
    %get3A_184 = arith.constant 0 : i32
    %get3A_185 = arith.index_cast %get3A_184 : i32 to index
    %get3A_186 = arith.constant 48 : index
    %get3A_187 = tpu.vector_load %arg5[%get3A_185, %get3A_186] {strides = array<i32>} : memref<3x128xi32, #tpu.memory_space<vmem>>, vector<16xi32>,
    %ge3A_188 = arith.constant 499712 : i32
    %ge3A_189 = vector.broadcast %ge3A_188 : i32 to vector<16xi32>
    %ge3A_190 = arith.cmpi sge, %get3A_187, %ge3A_189 : vector<16xi32>
    %sub3A_191 = arith.constant 499712 : i32
    %sub3A_192 = vector.broadcast %sub3A_191 : i32 to vector<16xi32>
    %sub3A_193 = arith.subi %get3A_187, %sub3A_192 : vector<16xi32>
    %select_n3A_194 = arith.select %ge3A_190, %sub3A_193, %get3A_187 : vector<16xi1>, vector<16xi32>
    %swap3A_195 = arith.constant 0 : i32
    %swap3A_196 = arith.index_cast %swap3A_195 : i32 to index
    %swap3A_197 = arith.constant 48 : index
    %swap3A_198 = tpu.vector_load %arg6[%swap3A_196, %swap3A_197] {strides = array<i32>} : memref<3x128xi32, #tpu.memory_space<vmem>>, vector<16xi32>,
    tpu.vector_store %arg6[%swap3A_196, %swap3A_197], %select_n3A_194 {strides = array<i32>} : memref<3x128xi32, #tpu.memory_space<vmem>>, vector<16xi32>,
    %get3A_199 = arith.constant 0 : i32
    %get3A_200 = arith.index_cast %get3A_199 : i32 to index
    %get3A_201 = arith.constant 64 : index
    %get3A_202 = tpu.vector_load %arg5[%get3A_200, %get3A_201] {strides = array<i32>} : memref<3x128xi32, #tpu.memory_space<vmem>>, vector<16xi32>,
    %ge3A_203 = arith.constant 499712 : i32
    %ge3A_204 = vector.broadcast %ge3A_203 : i32 to vector<16xi32>
    %ge3A_205 = arith.cmpi sge, %get3A_202, %ge3A_204 : vector<16xi32>
    %sub3A_206 = arith.constant 499712 : i32
    %sub3A_207 = vector.broadcast %sub3A_206 : i32 to vector<16xi32>
    %sub3A_208 = arith.subi %get3A_202, %sub3A_207 : vector<16xi32>
    %select_n3A_209 = arith.select %ge3A_205, %sub3A_208, %get3A_202 : vector<16xi1>, vector<16xi32>
    %swap3A_210 = arith.constant 0 : i32
    %swap3A_211 = arith.index_cast %swap3A_210 : i32 to index
    %swap3A_212 = arith.constant 64 : index
    %swap3A_213 = tpu.vector_load %arg6[%swap3A_211, %swap3A_212] {strides = array<i32>} : memref<3x128xi32, #tpu.memory_space<vmem>>, vector<16xi32>,
    tpu.vector_store %arg6[%swap3A_211, %swap3A_212], %select_n3A_209 {strides = array<i32>} : memref<3x128xi32, #tpu.memory_space<vmem>>, vector<16xi32>,
    %get3A_214 = arith.constant 0 : i32
    %get3A_215 = arith.index_cast %get3A_214 : i32 to index
    %get3A_216 = arith.constant 80 : index
    %get3A_217 = tpu.vector_load %arg5[%get3A_215, %get3A_216] {strides = array<i32>} : memref<3x128xi32, #tpu.memory_space<vmem>>, vector<16xi32>,
    %ge3A_218 = arith.constant 499712 : i32
    %ge3A_219 = vector.broadcast %ge3A_218 : i32 to vector<16xi32>
    %ge3A_220 = arith.cmpi sge, %get3A_217, %ge3A_219 : vector<16xi32>
    %sub3A_221 = arith.constant 499712 : i32
    %sub3A_222 = vector.broadcast %sub3A_221 : i32 to vector<16xi32>
    %sub3A_223 = arith.subi %get3A_217, %sub3A_222 : vector<16xi32>
    %select_n3A_224 = arith.select %ge3A_220, %sub3A_223, %get3A_217 : vector<16xi1>, vector<16xi32>
    %swap3A_225 = arith.constant 0 : i32
    %swap3A_226 = arith.index_cast %swap3A_225 : i32 to index
    %swap3A_227 = arith.constant 80 : index
    %swap3A_228 = tpu.vector_load %arg6[%swap3A_226, %swap3A_227] {strides = array<i32>} : memref<3x128xi32, #tpu.memory_space<vmem>>, vector<16xi32>,
    tpu.vector_store %arg6[%swap3A_226, %swap3A_227], %select_n3A_224 {strides = array<i32>} : memref<3x128xi32, #tpu.memory_space<vmem>>, vector<16xi32>,
    %get3A_229 = arith.constant 0 : i32
    %get3A_230 = arith.index_cast %get3A_229 : i32 to index
    %get3A_231 = arith.constant 96 : index
    %get3A_232 = tpu.vector_load %arg5[%get3A_230, %get3A_231] {strides = array<i32>} : memref<3x128xi32, #tpu.memory_space<vmem>>, vector<16xi32>,
    %ge3A_233 = arith.constant 499712 : i32
    %ge3A_234 = vector.broadcast %ge3A_233 : i32 to vector<16xi32>
    %ge3A_235 = arith.cmpi sge, %get3A_232, %ge3A_234 : vector<16xi32>
    %sub3A_236 = arith.constant 499712 : i32
    %sub3A_237 = vector.broadcast %sub3A_236 : i32 to vector<16xi32>
    %sub3A_238 = arith.subi %get3A_232, %sub3A_237 : vector<16xi32>
    %select_n3A_239 = arith.select %ge3A_235, %sub3A_238, %get3A_232 : vector<16xi1>, vector<16xi32>
    %swap3A_240 = arith.constant 0 : i32
    %swap3A_241 = arith.index_cast %swap3A_240 : i32 to index
    %swap3A_242 = arith.constant 96 : index
    %swap3A_243 = tpu.vector_load %arg6[%swap3A_241, %swap3A_242] {strides = array<i32>} : memref<3x128xi32, #tpu.memory_space<vmem>>, vector<16xi32>,
    tpu.vector_store %arg6[%swap3A_241, %swap3A_242], %select_n3A_239 {strides = array<i32>} : memref<3x128xi32, #tpu.memory_space<vmem>>, vector<16xi32>,
    %get3A_244 = arith.constant 0 : i32
    %get3A_245 = arith.index_cast %get3A_244 : i32 to index
    %get3A_246 = arith.constant 112 : index
    %get3A_247 = tpu.vector_load %arg5[%get3A_245, %get3A_246] {strides = array<i32>} : memref<3x128xi32, #tpu.memory_space<vmem>>, vector<16xi32>,
    %ge3A_248 = arith.constant 499712 : i32
    %ge3A_249 = vector.broadcast %ge3A_248 : i32 to vector<16xi32>
    %ge3A_250 = arith.cmpi sge, %get3A_247, %ge3A_249 : vector<16xi32>
    %sub3A_251 = arith.constant 499712 : i32
    %sub3A_252 = vector.broadcast %sub3A_251 : i32 to vector<16xi32>
    %sub3A_253 = arith.subi %get3A_247, %sub3A_252 : vector<16xi32>
    %select_n3A_254 = arith.select %ge3A_250, %sub3A_253, %get3A_247 : vector<16xi1>, vector<16xi32>
    %swap3A_255 = arith.constant 0 : i32
    %swap3A_256 = arith.index_cast %swap3A_255 : i32 to index
    %swap3A_257 = arith.constant 112 : index
    %swap3A_258 = tpu.vector_load %arg6[%swap3A_256, %swap3A_257] {strides = array<i32>} : memref<3x128xi32, #tpu.memory_space<vmem>>, vector<16xi32>,
    tpu.vector_store %arg6[%swap3A_256, %swap3A_257], %select_n3A_254 {strides = array<i32>} : memref<3x128xi32, #tpu.memory_space<vmem>>, vector<16xi32>,
    %dma_start3A_259 = arith.constant 0 : i32
    %dma_start3A_260 = arith.constant 0 : i32
    %dma_start3A_261 = arith.constant 0 : i32
    %dma_start3A_262 = arith.constant 0 : i32
    %dma_start3A_263 = arith.constant 0 : i32
    %dma_start3A_264 = tpu.memref_slice %arg7[%dma_start3A_260, %dma_start3A_262, %dma_start3A_263] : memref<3x128x128xf32, #tpu.memory_space<vmem>> -> memref<1x128x128xf32, #tpu.memory_space<vmem>>
    %dma_start3A_265 = tpu.memref_squeeze %dma_start3A_264 : memref<1x128x128xf32, #tpu.memory_space<vmem>> -> memref<128x128xf32, #tpu.memory_space<vmem>>
    %dma_start3A_266 = arith.constant 0 : i32
    %dma_start3A_267 = tpu.memref_slice %arg6[%dma_start3A_259, %dma_start3A_266] : memref<3x128xi32, #tpu.memory_space<vmem>> -> memref<1x128xi32, #tpu.memory_space<vmem>>
    %dma_start3A_268 = tpu.memref_squeeze %dma_start3A_267 : memref<1x128xi32, #tpu.memory_space<vmem>> -> memref<128xi32, #tpu.memory_space<vmem>>
    %dma_start3A_269 = arith.constant 0 : i32
    %dma_start3A_270 = arith.constant 0 : i32
    %dma_start3A_271 = tpu.memref_slice %arg3[%dma_start3A_269, %dma_start3A_270] : memref<500288x128xf32, #tpu.memory_space<hbm>> -> memref<500288x128xf32, #tpu.memory_space<hbm>>
    %dma_start3A_272 = tpu.memref_slice %arg10[%dma_start3A_261] : memref<3x!tpu.dma_semaphore, #tpu.memory_space<semaphore_mem>> -> memref<1x!tpu.dma_semaphore, #tpu.memory_space<semaphore_mem>>
    %dma_start3A_273 = tpu.memref_squeeze %dma_start3A_272 : memref<1x!tpu.dma_semaphore, #tpu.memory_space<semaphore_mem>> -> memref<!tpu.dma_semaphore, #tpu.memory_space<semaphore_mem>>
    tpu.enqueue_indirect_dma source(%dma_start3A_271 : memref<500288x128xf32, #tpu.memory_space<hbm>>) target(%dma_start3A_265 : memref<128x128xf32, #tpu.memory_space<vmem>>) offsets(%dma_start3A_268 : memref<128xi32, #tpu.memory_space<vmem>>) semaphore(%dma_start3A_273 : memref<!tpu.dma_semaphore, #tpu.memory_space<semaphore_mem>>)
    %dma_wait3A_274 = arith.constant 0 : i32
    %dma_wait3A_275 = arith.constant 1 : i32
    %dma_wait3A_276 = arith.constant 1 : i32
    %dma_wait3A_277 = arith.constant 0 : i32
    %dma_wait3A_278 = tpu.memref_slice %arg5[%dma_wait3A_275, %dma_wait3A_277] : memref<3x128xi32, #tpu.memory_space<vmem>> -> memref<1x128xi32, #tpu.memory_space<vmem>>
    %dma_wait3A_279 = tpu.memref_squeeze %dma_wait3A_278 : memref<1x128xi32, #tpu.memory_space<vmem>> -> memref<128xi32, #tpu.memory_space<vmem>>
    %dma_wait3A_280 = arith.constant 0 : i32
    %dma_wait3A_281 = tpu.memref_slice %arg2[%dma_wait3A_274, %dma_wait3A_280] : memref<50x16384xi32, #tpu.memory_space<hbm>> -> memref<1x128xi32, #tpu.memory_space<hbm>>
    %dma_wait3A_282 = tpu.memref_squeeze %dma_wait3A_281 : memref<1x128xi32, #tpu.memory_space<hbm>> -> memref<128xi32, #tpu.memory_space<hbm>>
    %dma_wait3A_283 = tpu.memref_slice %arg9[%dma_wait3A_276] : memref<3x!tpu.dma_semaphore, #tpu.memory_space<semaphore_mem>> -> memref<1x!tpu.dma_semaphore, #tpu.memory_space<semaphore_mem>>
    %dma_wait3A_284 = tpu.memref_squeeze %dma_wait3A_283 : memref<1x!tpu.dma_semaphore, #tpu.memory_space<semaphore_mem>> -> memref<!tpu.dma_semaphore, #tpu.memory_space<semaphore_mem>>
    %dma_wait3A_285 = arith.constant 0 : i32
    %dma_wait3A_286 = tpu.memref_slice %arg5[%dma_wait3A_275, %dma_wait3A_285] : memref<3x128xi32, #tpu.memory_space<vmem>> -> memref<1x128xi32, #tpu.memory_space<vmem>>
    %dma_wait3A_287 = tpu.memref_squeeze %dma_wait3A_286 : memref<1x128xi32, #tpu.memory_space<vmem>> -> memref<128xi32, #tpu.memory_space<vmem>>
    %dma_wait3A_288 = arith.constant 0 : i32
    %dma_wait3A_289 = tpu.memref_slice %arg2[%dma_wait3A_274, %dma_wait3A_288] : memref<50x16384xi32, #tpu.memory_space<hbm>> -> memref<1x128xi32, #tpu.memory_space<hbm>>
    %dma_wait3A_290 = tpu.memref_squeeze %dma_wait3A_289 : memref<1x128xi32, #tpu.memory_space<hbm>> -> memref<128xi32, #tpu.memory_space<hbm>>
    tpu.wait_dma2 semaphore(%dma_wait3A_284 : memref<!tpu.dma_semaphore, #tpu.memory_space<semaphore_mem>>) src(%dma_wait3A_290 : memref<128xi32, #tpu.memory_space<hbm>>) dst(%dma_wait3A_287 : memref<128xi32, #tpu.memory_space<vmem>>)
    %get3A_291 = arith.constant 1 : i32
    %get3A_292 = arith.index_cast %get3A_291 : i32 to index
    %get3A_293 = arith.constant 0 : index
    %get3A_294 = tpu.vector_load %arg5[%get3A_292, %get3A_293] {strides = array<i32>} : memref<3x128xi32, #tpu.memory_space<vmem>>, vector<16xi32>,
    %ge3A_295 = arith.constant 499712 : i32
    %ge3A_296 = vector.broadcast %ge3A_295 : i32 to vector<16xi32>
    %ge3A_297 = arith.cmpi sge, %get3A_294, %ge3A_296 : vector<16xi32>
    %sub3A_298 = arith.constant 499712 : i32
    %sub3A_299 = vector.broadcast %sub3A_298 : i32 to vector<16xi32>
    %sub3A_300 = arith.subi %get3A_294, %sub3A_299 : vector<16xi32>
    %select_n3A_301 = arith.select %ge3A_297, %sub3A_300, %get3A_294 : vector<16xi1>, vector<16xi32>
    %swap3A_302 = arith.constant 1 : i32
    %swap3A_303 = arith.index_cast %swap3A_302 : i32 to index
    %swap3A_304 = arith.constant 0 : index
    %swap3A_305 = tpu.vector_load %arg6[%swap3A_303, %swap3A_304] {strides = array<i32>} : memref<3x128xi32, #tpu.memory_space<vmem>>, vector<16xi32>,
    tpu.vector_store %arg6[%swap3A_303, %swap3A_304], %select_n3A_301 {strides = array<i32>} : memref<3x128xi32, #tpu.memory_space<vmem>>, vector<16xi32>,
    %get3A_306 = arith.constant 1 : i32
    %get3A_307 = arith.index_cast %get3A_306 : i32 to index
    %get3A_308 = arith.constant 16 : index
    %get3A_309 = tpu.vector_load %arg5[%get3A_307, %get3A_308] {strides = array<i32>} : memref<3x128xi32, #tpu.memory_space<vmem>>, vector<16xi32>,
    %ge3A_310 = arith.constant 499712 : i32
    %ge3A_311 = vector.broadcast %ge3A_310 : i32 to vector<16xi32>
    %ge3A_312 = arith.cmpi sge, %get3A_309, %ge3A_311 : vector<16xi32>
    %sub3A_313 = arith.constant 499712 : i32
    %sub3A_314 = vector.broadcast %sub3A_313 : i32 to vector<16xi32>
    %sub3A_315 = arith.subi %get3A_309, %sub3A_314 : vector<16xi32>
    %select_n3A_316 = arith.select %ge3A_312, %sub3A_315, %get3A_309 : vector<16xi1>, vector<16xi32>
    %swap3A_317 = arith.constant 1 : i32
    %swap3A_318 = arith.index_cast %swap3A_317 : i32 to index
    %swap3A_319 = arith.constant 16 : index
    %swap3A_320 = tpu.vector_load %arg6[%swap3A_318, %swap3A_319] {strides = array<i32>} : memref<3x128xi32, #tpu.memory_space<vmem>>, vector<16xi32>,
    tpu.vector_store %arg6[%swap3A_318, %swap3A_319], %select_n3A_316 {strides = array<i32>} : memref<3x128xi32, #tpu.memory_space<vmem>>, vector<16xi32>,
    %get3A_321 = arith.constant 1 : i32
    %get3A_322 = arith.index_cast %get3A_321 : i32 to index
    %get3A_323 = arith.constant 32 : index
    %get3A_324 = tpu.vector_load %arg5[%get3A_322, %get3A_323] {strides = array<i32>} : memref<3x128xi32, #tpu.memory_space<vmem>>, vector<16xi32>,
    %ge3A_325 = arith.constant 499712 : i32
    %ge3A_326 = vector.broadcast %ge3A_325 : i32 to vector<16xi32>
    %ge3A_327 = arith.cmpi sge, %get3A_324, %ge3A_326 : vector<16xi32>
    %sub3A_328 = arith.constant 499712 : i32
    %sub3A_329 = vector.broadcast %sub3A_328 : i32 to vector<16xi32>
    %sub3A_330 = arith.subi %get3A_324, %sub3A_329 : vector<16xi32>
    %select_n3A_331 = arith.select %ge3A_327, %sub3A_330, %get3A_324 : vector<16xi1>, vector<16xi32>
    %swap3A_332 = arith.constant 1 : i32
    %swap3A_333 = arith.index_cast %swap3A_332 : i32 to index
    %swap3A_334 = arith.constant 32 : index
    %swap3A_335 = tpu.vector_load %arg6[%swap3A_333, %swap3A_334] {strides = array<i32>} : memref<3x128xi32, #tpu.memory_space<vmem>>, vector<16xi32>,
    tpu.vector_store %arg6[%swap3A_333, %swap3A_334], %select_n3A_331 {strides = array<i32>} : memref<3x128xi32, #tpu.memory_space<vmem>>, vector<16xi32>,
    %get3A_336 = arith.constant 1 : i32
    %get3A_337 = arith.index_cast %get3A_336 : i32 to index
    %get3A_338 = arith.constant 48 : index
    %get3A_339 = tpu.vector_load %arg5[%get3A_337, %get3A_338] {strides = array<i32>} : memref<3x128xi32, #tpu.memory_space<vmem>>, vector<16xi32>,
    %ge3A_340 = arith.constant 499712 : i32
    %ge3A_341 = vector.broadcast %ge3A_340 : i32 to vector<16xi32>
    %ge3A_342 = arith.cmpi sge, %get3A_339, %ge3A_341 : vector<16xi32>
    %sub3A_343 = arith.constant 499712 : i32
    %sub3A_344 = vector.broadcast %sub3A_343 : i32 to vector<16xi32>
    %sub3A_345 = arith.subi %get3A_339, %sub3A_344 : vector<16xi32>
    %select_n3A_346 = arith.select %ge3A_342, %sub3A_345, %get3A_339 : vector<16xi1>, vector<16xi32>
    %swap3A_347 = arith.constant 1 : i32
    %swap3A_348 = arith.index_cast %swap3A_347 : i32 to index
    %swap3A_349 = arith.constant 48 : index
    %swap3A_350 = tpu.vector_load %arg6[%swap3A_348, %swap3A_349] {strides = array<i32>} : memref<3x128xi32, #tpu.memory_space<vmem>>, vector<16xi32>,
    tpu.vector_store %arg6[%swap3A_348, %swap3A_349], %select_n3A_346 {strides = array<i32>} : memref<3x128xi32, #tpu.memory_space<vmem>>, vector<16xi32>,
    %get3A_351 = arith.constant 1 : i32
    %get3A_352 = arith.index_cast %get3A_351 : i32 to index
    %get3A_353 = arith.constant 64 : index
    %get3A_354 = tpu.vector_load %arg5[%get3A_352, %get3A_353] {strides = array<i32>} : memref<3x128xi32, #tpu.memory_space<vmem>>, vector<16xi32>,
    %ge3A_355 = arith.constant 499712 : i32
    %ge3A_356 = vector.broadcast %ge3A_355 : i32 to vector<16xi32>
    %ge3A_357 = arith.cmpi sge, %get3A_354, %ge3A_356 : vector<16xi32>
    %sub3A_358 = arith.constant 499712 : i32
    %sub3A_359 = vector.broadcast %sub3A_358 : i32 to vector<16xi32>
    %sub3A_360 = arith.subi %get3A_354, %sub3A_359 : vector<16xi32>
    %select_n3A_361 = arith.select %ge3A_357, %sub3A_360, %get3A_354 : vector<16xi1>, vector<16xi32>
    %swap3A_362 = arith.constant 1 : i32
    %swap3A_363 = arith.index_cast %swap3A_362 : i32 to index
    %swap3A_364 = arith.constant 64 : index
    %swap3A_365 = tpu.vector_load %arg6[%swap3A_363, %swap3A_364] {strides = array<i32>} : memref<3x128xi32, #tpu.memory_space<vmem>>, vector<16xi32>,
    tpu.vector_store %arg6[%swap3A_363, %swap3A_364], %select_n3A_361 {strides = array<i32>} : memref<3x128xi32, #tpu.memory_space<vmem>>, vector<16xi32>,
    %get3A_366 = arith.constant 1 : i32
    %get3A_367 = arith.index_cast %get3A_366 : i32 to index
    %get3A_368 = arith.constant 80 : index
    %get3A_369 = tpu.vector_load %arg5[%get3A_367, %get3A_368] {strides = array<i32>} : memref<3x128xi32, #tpu.memory_space<vmem>>, vector<16xi32>,
    %ge3A_370 = arith.constant 499712 : i32
    %ge3A_371 = vector.broadcast %ge3A_370 : i32 to vector<16xi32>
    %ge3A_372 = arith.cmpi sge, %get3A_369, %ge3A_371 : vector<16xi32>
    %sub3A_373 = arith.constant 499712 : i32
    %sub3A_374 = vector.broadcast %sub3A_373 : i32 to vector<16xi32>
    %sub3A_375 = arith.subi %get3A_369, %sub3A_374 : vector<16xi32>
    %select_n3A_376 = arith.select %ge3A_372, %sub3A_375, %get3A_369 : vector<16xi1>, vector<16xi32>
    %swap3A_377 = arith.constant 1 : i32
    %swap3A_378 = arith.index_cast %swap3A_377 : i32 to index
    %swap3A_379 = arith.constant 80 : index
    %swap3A_380 = tpu.vector_load %arg6[%swap3A_378, %swap3A_379] {strides = array<i32>} : memref<3x128xi32, #tpu.memory_space<vmem>>, vector<16xi32>,
    tpu.vector_store %arg6[%swap3A_378, %swap3A_379], %select_n3A_376 {strides = array<i32>} : memref<3x128xi32, #tpu.memory_space<vmem>>, vector<16xi32>,
    %get3A_381 = arith.constant 1 : i32
    %get3A_382 = arith.index_cast %get3A_381 : i32 to index
    %get3A_383 = arith.constant 96 : index
    %get3A_384 = tpu.vector_load %arg5[%get3A_382, %get3A_383] {strides = array<i32>} : memref<3x128xi32, #tpu.memory_space<vmem>>, vector<16xi32>,
    %ge3A_385 = arith.constant 499712 : i32
    %ge3A_386 = vector.broadcast %ge3A_385 : i32 to vector<16xi32>
    %ge3A_387 = arith.cmpi sge, %get3A_384, %ge3A_386 : vector<16xi32>
    %sub3A_388 = arith.constant 499712 : i32
    %sub3A_389 = vector.broadcast %sub3A_388 : i32 to vector<16xi32>
    %sub3A_390 = arith.subi %get3A_384, %sub3A_389 : vector<16xi32>
    %select_n3A_391 = arith.select %ge3A_387, %sub3A_390, %get3A_384 : vector<16xi1>, vector<16xi32>
    %swap3A_392 = arith.constant 1 : i32
    %swap3A_393 = arith.index_cast %swap3A_392 : i32 to index
    %swap3A_394 = arith.constant 96 : index
    %swap3A_395 = tpu.vector_load %arg6[%swap3A_393, %swap3A_394] {strides = array<i32>} : memref<3x128xi32, #tpu.memory_space<vmem>>, vector<16xi32>,
    tpu.vector_store %arg6[%swap3A_393, %swap3A_394], %select_n3A_391 {strides = array<i32>} : memref<3x128xi32, #tpu.memory_space<vmem>>, vector<16xi32>,
    %get3A_396 = arith.constant 1 : i32
    %get3A_397 = arith.index_cast %get3A_396 : i32 to index
    %get3A_398 = arith.constant 112 : index
    %get3A_399 = tpu.vector_load %arg5[%get3A_397, %get3A_398] {strides = array<i32>} : memref<3x128xi32, #tpu.memory_space<vmem>>, vector<16xi32>,
    %ge3A_400 = arith.constant 499712 : i32
    %ge3A_401 = vector.broadcast %ge3A_400 : i32 to vector<16xi32>
    %ge3A_402 = arith.cmpi sge, %get3A_399, %ge3A_401 : vector<16xi32>
    %sub3A_403 = arith.constant 499712 : i32
    %sub3A_404 = vector.broadcast %sub3A_403 : i32 to vector<16xi32>
    %sub3A_405 = arith.subi %get3A_399, %sub3A_404 : vector<16xi32>
    %select_n3A_406 = arith.select %ge3A_402, %sub3A_405, %get3A_399 : vector<16xi1>, vector<16xi32>
    %swap3A_407 = arith.constant 1 : i32
    %swap3A_408 = arith.index_cast %swap3A_407 : i32 to index
    %swap3A_409 = arith.constant 112 : index
    %swap3A_410 = tpu.vector_load %arg6[%swap3A_408, %swap3A_409] {strides = array<i32>} : memref<3x128xi32, #tpu.memory_space<vmem>>, vector<16xi32>,
    tpu.vector_store %arg6[%swap3A_408, %swap3A_409], %select_n3A_406 {strides = array<i32>} : memref<3x128xi32, #tpu.memory_space<vmem>>, vector<16xi32>,
    %dma_start3A_411 = arith.constant 1 : i32
    %dma_start3A_412 = arith.constant 1 : i32
    %dma_start3A_413 = arith.constant 1 : i32
    %dma_start3A_414 = arith.constant 0 : i32
    %dma_start3A_415 = arith.constant 0 : i32
    %dma_start3A_416 = tpu.memref_slice %arg7[%dma_start3A_412, %dma_start3A_414, %dma_start3A_415] : memref<3x128x128xf32, #tpu.memory_space<vmem>> -> memref<1x128x128xf32, #tpu.memory_space<vmem>>
    %dma_start3A_417 = tpu.memref_squeeze %dma_start3A_416 : memref<1x128x128xf32, #tpu.memory_space<vmem>> -> memref<128x128xf32, #tpu.memory_space<vmem>>
    %dma_start3A_418 = arith.constant 0 : i32
    %dma_start3A_419 = tpu.memref_slice %arg6[%dma_start3A_411, %dma_start3A_418] : memref<3x128xi32, #tpu.memory_space<vmem>> -> memref<1x128xi32, #tpu.memory_space<vmem>>
    %dma_start3A_420 = tpu.memref_squeeze %dma_start3A_419 : memref<1x128xi32, #tpu.memory_space<vmem>> -> memref<128xi32, #tpu.memory_space<vmem>>
    %dma_start3A_421 = arith.constant 0 : i32
    %dma_start3A_422 = arith.constant 0 : i32
    %dma_start3A_423 = tpu.memref_slice %arg3[%dma_start3A_421, %dma_start3A_422] : memref<500288x128xf32, #tpu.memory_space<hbm>> -> memref<500288x128xf32, #tpu.memory_space<hbm>>
    %dma_start3A_424 = tpu.memref_slice %arg10[%dma_start3A_413] : memref<3x!tpu.dma_semaphore, #tpu.memory_space<semaphore_mem>> -> memref<1x!tpu.dma_semaphore, #tpu.memory_space<semaphore_mem>>
    %dma_start3A_425 = tpu.memref_squeeze %dma_start3A_424 : memref<1x!tpu.dma_semaphore, #tpu.memory_space<semaphore_mem>> -> memref<!tpu.dma_semaphore, #tpu.memory_space<semaphore_mem>>
    tpu.enqueue_indirect_dma source(%dma_start3A_423 : memref<500288x128xf32, #tpu.memory_space<hbm>>) target(%dma_start3A_417 : memref<128x128xf32, #tpu.memory_space<vmem>>) offsets(%dma_start3A_420 : memref<128xi32, #tpu.memory_space<vmem>>) semaphore(%dma_start3A_425 : memref<!tpu.dma_semaphore, #tpu.memory_space<semaphore_mem>>)
    %dma_wait3A_426 = arith.constant 0 : i32
    %dma_wait3A_427 = arith.constant 2 : i32
    %dma_wait3A_428 = arith.constant 2 : i32
    %dma_wait3A_429 = arith.constant 0 : i32
    %dma_wait3A_430 = tpu.memref_slice %arg5[%dma_wait3A_427, %dma_wait3A_429] : memref<3x128xi32, #tpu.memory_space<vmem>> -> memref<1x128xi32, #tpu.memory_space<vmem>>
    %dma_wait3A_431 = tpu.memref_squeeze %dma_wait3A_430 : memref<1x128xi32, #tpu.memory_space<vmem>> -> memref<128xi32, #tpu.memory_space<vmem>>
    %dma_wait3A_432 = arith.constant 0 : i32
    %dma_wait3A_433 = tpu.memref_slice %arg2[%dma_wait3A_426, %dma_wait3A_432] : memref<50x16384xi32, #tpu.memory_space<hbm>> -> memref<1x128xi32, #tpu.memory_space<hbm>>
    %dma_wait3A_434 = tpu.memref_squeeze %dma_wait3A_433 : memref<1x128xi32, #tpu.memory_space<hbm>> -> memref<128xi32, #tpu.memory_space<hbm>>
    %dma_wait3A_435 = tpu.memref_slice %arg9[%dma_wait3A_428] : memref<3x!tpu.dma_semaphore, #tpu.memory_space<semaphore_mem>> -> memref<1x!tpu.dma_semaphore, #tpu.memory_space<semaphore_mem>>
    %dma_wait3A_436 = tpu.memref_squeeze %dma_wait3A_435 : memref<1x!tpu.dma_semaphore, #tpu.memory_space<semaphore_mem>> -> memref<!tpu.dma_semaphore, #tpu.memory_space<semaphore_mem>>
    %dma_wait3A_437 = arith.constant 0 : i32
    %dma_wait3A_438 = tpu.memref_slice %arg5[%dma_wait3A_427, %dma_wait3A_437] : memref<3x128xi32, #tpu.memory_space<vmem>> -> memref<1x128xi32, #tpu.memory_space<vmem>>
    %dma_wait3A_439 = tpu.memref_squeeze %dma_wait3A_438 : memref<1x128xi32, #tpu.memory_space<vmem>> -> memref<128xi32, #tpu.memory_space<vmem>>
    %dma_wait3A_440 = arith.constant 0 : i32
    %dma_wait3A_441 = tpu.memref_slice %arg2[%dma_wait3A_426, %dma_wait3A_440] : memref<50x16384xi32, #tpu.memory_space<hbm>> -> memref<1x128xi32, #tpu.memory_space<hbm>>
    %dma_wait3A_442 = tpu.memref_squeeze %dma_wait3A_441 : memref<1x128xi32, #tpu.memory_space<hbm>> -> memref<128xi32, #tpu.memory_space<hbm>>
    tpu.wait_dma2 semaphore(%dma_wait3A_436 : memref<!tpu.dma_semaphore, #tpu.memory_space<semaphore_mem>>) src(%dma_wait3A_442 : memref<128xi32, #tpu.memory_space<hbm>>) dst(%dma_wait3A_439 : memref<128xi32, #tpu.memory_space<vmem>>)
    %get3A_443 = arith.constant 2 : i32
    %get3A_444 = arith.index_cast %get3A_443 : i32 to index
    %get3A_445 = arith.constant 0 : index
    %get3A_446 = tpu.vector_load %arg5[%get3A_444, %get3A_445] {strides = array<i32>} : memref<3x128xi32, #tpu.memory_space<vmem>>, vector<16xi32>,
    %ge3A_447 = arith.constant 499712 : i32
    %ge3A_448 = vector.broadcast %ge3A_447 : i32 to vector<16xi32>
    %ge3A_449 = arith.cmpi sge, %get3A_446, %ge3A_448 : vector<16xi32>
    %sub3A_450 = arith.constant 499712 : i32
    %sub3A_451 = vector.broadcast %sub3A_450 : i32 to vector<16xi32>
    %sub3A_452 = arith.subi %get3A_446, %sub3A_451 : vector<16xi32>
    %select_n3A_453 = arith.select %ge3A_449, %sub3A_452, %get3A_446 : vector<16xi1>, vector<16xi32>
    %swap3A_454 = arith.constant 2 : i32
    %swap3A_455 = arith.index_cast %swap3A_454 : i32 to index
    %swap3A_456 = arith.constant 0 : index
    %swap3A_457 = tpu.vector_load %arg6[%swap3A_455, %swap3A_456] {strides = array<i32>} : memref<3x128xi32, #tpu.memory_space<vmem>>, vector<16xi32>,
    tpu.vector_store %arg6[%swap3A_455, %swap3A_456], %select_n3A_453 {strides = array<i32>} : memref<3x128xi32, #tpu.memory_space<vmem>>, vector<16xi32>,
    %get3A_458 = arith.constant 2 : i32
    %get3A_459 = arith.index_cast %get3A_458 : i32 to index
    %get3A_460 = arith.constant 16 : index
    %get3A_461 = tpu.vector_load %arg5[%get3A_459, %get3A_460] {strides = array<i32>} : memref<3x128xi32, #tpu.memory_space<vmem>>, vector<16xi32>,
    %ge3A_462 = arith.constant 499712 : i32
    %ge3A_463 = vector.broadcast %ge3A_462 : i32 to vector<16xi32>
    %ge3A_464 = arith.cmpi sge, %get3A_461, %ge3A_463 : vector<16xi32>
    %sub3A_465 = arith.constant 499712 : i32
    %sub3A_466 = vector.broadcast %sub3A_465 : i32 to vector<16xi32>
    %sub3A_467 = arith.subi %get3A_461, %sub3A_466 : vector<16xi32>
    %select_n3A_468 = arith.select %ge3A_464, %sub3A_467, %get3A_461 : vector<16xi1>, vector<16xi32>
    %swap3A_469 = arith.constant 2 : i32
    %swap3A_470 = arith.index_cast %swap3A_469 : i32 to index
    %swap3A_471 = arith.constant 16 : index
    %swap3A_472 = tpu.vector_load %arg6[%swap3A_470, %swap3A_471] {strides = array<i32>} : memref<3x128xi32, #tpu.memory_space<vmem>>, vector<16xi32>,
    tpu.vector_store %arg6[%swap3A_470, %swap3A_471], %select_n3A_468 {strides = array<i32>} : memref<3x128xi32, #tpu.memory_space<vmem>>, vector<16xi32>,
    %get3A_473 = arith.constant 2 : i32
    %get3A_474 = arith.index_cast %get3A_473 : i32 to index
    %get3A_475 = arith.constant 32 : index
    %get3A_476 = tpu.vector_load %arg5[%get3A_474, %get3A_475] {strides = array<i32>} : memref<3x128xi32, #tpu.memory_space<vmem>>, vector<16xi32>,
    %ge3A_477 = arith.constant 499712 : i32
    %ge3A_478 = vector.broadcast %ge3A_477 : i32 to vector<16xi32>
    %ge3A_479 = arith.cmpi sge, %get3A_476, %ge3A_478 : vector<16xi32>
    %sub3A_480 = arith.constant 499712 : i32
    %sub3A_481 = vector.broadcast %sub3A_480 : i32 to vector<16xi32>
    %sub3A_482 = arith.subi %get3A_476, %sub3A_481 : vector<16xi32>
    %select_n3A_483 = arith.select %ge3A_479, %sub3A_482, %get3A_476 : vector<16xi1>, vector<16xi32>
    %swap3A_484 = arith.constant 2 : i32
    %swap3A_485 = arith.index_cast %swap3A_484 : i32 to index
    %swap3A_486 = arith.constant 32 : index
    %swap3A_487 = tpu.vector_load %arg6[%swap3A_485, %swap3A_486] {strides = array<i32>} : memref<3x128xi32, #tpu.memory_space<vmem>>, vector<16xi32>,
    tpu.vector_store %arg6[%swap3A_485, %swap3A_486], %select_n3A_483 {strides = array<i32>} : memref<3x128xi32, #tpu.memory_space<vmem>>, vector<16xi32>,
    %get3A_488 = arith.constant 2 : i32
    %get3A_489 = arith.index_cast %get3A_488 : i32 to index
    %get3A_490 = arith.constant 48 : index
    %get3A_491 = tpu.vector_load %arg5[%get3A_489, %get3A_490] {strides = array<i32>} : memref<3x128xi32, #tpu.memory_space<vmem>>, vector<16xi32>,
    %ge3A_492 = arith.constant 499712 : i32
    %ge3A_493 = vector.broadcast %ge3A_492 : i32 to vector<16xi32>
    %ge3A_494 = arith.cmpi sge, %get3A_491, %ge3A_493 : vector<16xi32>
    %sub3A_495 = arith.constant 499712 : i32
    %sub3A_496 = vector.broadcast %sub3A_495 : i32 to vector<16xi32>
    %sub3A_497 = arith.subi %get3A_491, %sub3A_496 : vector<16xi32>
    %select_n3A_498 = arith.select %ge3A_494, %sub3A_497, %get3A_491 : vector<16xi1>, vector<16xi32>
    %swap3A_499 = arith.constant 2 : i32
    %swap3A_500 = arith.index_cast %swap3A_499 : i32 to index
    %swap3A_501 = arith.constant 48 : index
    %swap3A_502 = tpu.vector_load %arg6[%swap3A_500, %swap3A_501] {strides = array<i32>} : memref<3x128xi32, #tpu.memory_space<vmem>>, vector<16xi32>,
    tpu.vector_store %arg6[%swap3A_500, %swap3A_501], %select_n3A_498 {strides = array<i32>} : memref<3x128xi32, #tpu.memory_space<vmem>>, vector<16xi32>,
    %get3A_503 = arith.constant 2 : i32
    %get3A_504 = arith.index_cast %get3A_503 : i32 to index
    %get3A_505 = arith.constant 64 : index
    %get3A_506 = tpu.vector_load %arg5[%get3A_504, %get3A_505] {strides = array<i32>} : memref<3x128xi32, #tpu.memory_space<vmem>>, vector<16xi32>,
    %ge3A_507 = arith.constant 499712 : i32
    %ge3A_508 = vector.broadcast %ge3A_507 : i32 to vector<16xi32>
    %ge3A_509 = arith.cmpi sge, %get3A_506, %ge3A_508 : vector<16xi32>
    %sub3A_510 = arith.constant 499712 : i32
    %sub3A_511 = vector.broadcast %sub3A_510 : i32 to vector<16xi32>
    %sub3A_512 = arith.subi %get3A_506, %sub3A_511 : vector<16xi32>
    %select_n3A_513 = arith.select %ge3A_509, %sub3A_512, %get3A_506 : vector<16xi1>, vector<16xi32>
    %swap3A_514 = arith.constant 2 : i32
    %swap3A_515 = arith.index_cast %swap3A_514 : i32 to index
    %swap3A_516 = arith.constant 64 : index
    %swap3A_517 = tpu.vector_load %arg6[%swap3A_515, %swap3A_516] {strides = array<i32>} : memref<3x128xi32, #tpu.memory_space<vmem>>, vector<16xi32>,
    tpu.vector_store %arg6[%swap3A_515, %swap3A_516], %select_n3A_513 {strides = array<i32>} : memref<3x128xi32, #tpu.memory_space<vmem>>, vector<16xi32>,
    %get3A_518 = arith.constant 2 : i32
    %get3A_519 = arith.index_cast %get3A_518 : i32 to index
    %get3A_520 = arith.constant 80 : index
    %get3A_521 = tpu.vector_load %arg5[%get3A_519, %get3A_520] {strides = array<i32>} : memref<3x128xi32, #tpu.memory_space<vmem>>, vector<16xi32>,
    %ge3A_522 = arith.constant 499712 : i32
    %ge3A_523 = vector.broadcast %ge3A_522 : i32 to vector<16xi32>
    %ge3A_524 = arith.cmpi sge, %get3A_521, %ge3A_523 : vector<16xi32>
    %sub3A_525 = arith.constant 499712 : i32
    %sub3A_526 = vector.broadcast %sub3A_525 : i32 to vector<16xi32>
    %sub3A_527 = arith.subi %get3A_521, %sub3A_526 : vector<16xi32>
    %select_n3A_528 = arith.select %ge3A_524, %sub3A_527, %get3A_521 : vector<16xi1>, vector<16xi32>
    %swap3A_529 = arith.constant 2 : i32
    %swap3A_530 = arith.index_cast %swap3A_529 : i32 to index
    %swap3A_531 = arith.constant 80 : index
    %swap3A_532 = tpu.vector_load %arg6[%swap3A_530, %swap3A_531] {strides = array<i32>} : memref<3x128xi32, #tpu.memory_space<vmem>>, vector<16xi32>,
    tpu.vector_store %arg6[%swap3A_530, %swap3A_531], %select_n3A_528 {strides = array<i32>} : memref<3x128xi32, #tpu.memory_space<vmem>>, vector<16xi32>,
    %get3A_533 = arith.constant 2 : i32
    %get3A_534 = arith.index_cast %get3A_533 : i32 to index
    %get3A_535 = arith.constant 96 : index
    %get3A_536 = tpu.vector_load %arg5[%get3A_534, %get3A_535] {strides = array<i32>} : memref<3x128xi32, #tpu.memory_space<vmem>>, vector<16xi32>,
    %ge3A_537 = arith.constant 499712 : i32
    %ge3A_538 = vector.broadcast %ge3A_537 : i32 to vector<16xi32>
    %ge3A_539 = arith.cmpi sge, %get3A_536, %ge3A_538 : vector<16xi32>
    %sub3A_540 = arith.constant 499712 : i32
    %sub3A_541 = vector.broadcast %sub3A_540 : i32 to vector<16xi32>
    %sub3A_542 = arith.subi %get3A_536, %sub3A_541 : vector<16xi32>
    %select_n3A_543 = arith.select %ge3A_539, %sub3A_542, %get3A_536 : vector<16xi1>, vector<16xi32>
    %swap3A_544 = arith.constant 2 : i32
    %swap3A_545 = arith.index_cast %swap3A_544 : i32 to index
    %swap3A_546 = arith.constant 96 : index
    %swap3A_547 = tpu.vector_load %arg6[%swap3A_545, %swap3A_546] {strides = array<i32>} : memref<3x128xi32, #tpu.memory_space<vmem>>, vector<16xi32>,
    tpu.vector_store %arg6[%swap3A_545, %swap3A_546], %select_n3A_543 {strides = array<i32>} : memref<3x128xi32, #tpu.memory_space<vmem>>, vector<16xi32>,
    %get3A_548 = arith.constant 2 : i32
    %get3A_549 = arith.index_cast %get3A_548 : i32 to index
    %get3A_550 = arith.constant 112 : index
    %get3A_551 = tpu.vector_load %arg5[%get3A_549, %get3A_550] {strides = array<i32>} : memref<3x128xi32, #tpu.memory_space<vmem>>, vector<16xi32>,
    %ge3A_552 = arith.constant 499712 : i32
    %ge3A_553 = vector.broadcast %ge3A_552 : i32 to vector<16xi32>
    %ge3A_554 = arith.cmpi sge, %get3A_551, %ge3A_553 : vector<16xi32>
    %sub3A_555 = arith.constant 499712 : i32
    %sub3A_556 = vector.broadcast %sub3A_555 : i32 to vector<16xi32>
    %sub3A_557 = arith.subi %get3A_551, %sub3A_556 : vector<16xi32>
    %select_n3A_558 = arith.select %ge3A_554, %sub3A_557, %get3A_551 : vector<16xi1>, vector<16xi32>
    %swap3A_559 = arith.constant 2 : i32
    %swap3A_560 = arith.index_cast %swap3A_559 : i32 to index
    %swap3A_561 = arith.constant 112 : index
    %swap3A_562 = tpu.vector_load %arg6[%swap3A_560, %swap3A_561] {strides = array<i32>} : memref<3x128xi32, #tpu.memory_space<vmem>>, vector<16xi32>,
    tpu.vector_store %arg6[%swap3A_560, %swap3A_561], %select_n3A_558 {strides = array<i32>} : memref<3x128xi32, #tpu.memory_space<vmem>>, vector<16xi32>,
    %dma_start3A_563 = arith.constant 2 : i32
    %dma_start3A_564 = arith.constant 2 : i32
    %dma_start3A_565 = arith.constant 2 : i32
    %dma_start3A_566 = arith.constant 0 : i32
    %dma_start3A_567 = arith.constant 0 : i32
    %dma_start3A_568 = tpu.memref_slice %arg7[%dma_start3A_564, %dma_start3A_566, %dma_start3A_567] : memref<3x128x128xf32, #tpu.memory_space<vmem>> -> memref<1x128x128xf32, #tpu.memory_space<vmem>>
    %dma_start3A_569 = tpu.memref_squeeze %dma_start3A_568 : memref<1x128x128xf32, #tpu.memory_space<vmem>> -> memref<128x128xf32, #tpu.memory_space<vmem>>
    %dma_start3A_570 = arith.constant 0 : i32
    %dma_start3A_571 = tpu.memref_slice %arg6[%dma_start3A_563, %dma_start3A_570] : memref<3x128xi32, #tpu.memory_space<vmem>> -> memref<1x128xi32, #tpu.memory_space<vmem>>
    %dma_start3A_572 = tpu.memref_squeeze %dma_start3A_571 : memref<1x128xi32, #tpu.memory_space<vmem>> -> memref<128xi32, #tpu.memory_space<vmem>>
    %dma_start3A_573 = arith.constant 0 : i32
    %dma_start3A_574 = arith.constant 0 : i32
    %dma_start3A_575 = tpu.memref_slice %arg3[%dma_start3A_573, %dma_start3A_574] : memref<500288x128xf32, #tpu.memory_space<hbm>> -> memref<500288x128xf32, #tpu.memory_space<hbm>>
    %dma_start3A_576 = tpu.memref_slice %arg10[%dma_start3A_565] : memref<3x!tpu.dma_semaphore, #tpu.memory_space<semaphore_mem>> -> memref<1x!tpu.dma_semaphore, #tpu.memory_space<semaphore_mem>>
    %dma_start3A_577 = tpu.memref_squeeze %dma_start3A_576 : memref<1x!tpu.dma_semaphore, #tpu.memory_space<semaphore_mem>> -> memref<!tpu.dma_semaphore, #tpu.memory_space<semaphore_mem>>
    tpu.enqueue_indirect_dma source(%dma_start3A_575 : memref<500288x128xf32, #tpu.memory_space<hbm>>) target(%dma_start3A_569 : memref<128x128xf32, #tpu.memory_space<vmem>>) offsets(%dma_start3A_572 : memref<128xi32, #tpu.memory_space<vmem>>) semaphore(%dma_start3A_577 : memref<!tpu.dma_semaphore, #tpu.memory_space<semaphore_mem>>)
    %scan3A = arith.constant 0 : i32
    %scan3A_578 = arith.constant 0 : i32
    %scan3A_579 = arith.constant 200 : i32
    %scan3A_580 = arith.addi %scan3A_578, %scan3A_579 : i32
    %scan3A_581 = arith.constant 1 : i32
    scf.for %scan3A_646 = %scan3A_578 to %scan3A_580 step %scan3A_581  : i32 {
      %rem3A_647 = arith.constant 3 : i32
      %rem3A_648 = arith.remsi %scan3A_646, %rem3A_647 : i32
      %ge3A_649 = arith.constant 3 : i32
      %ge3A_650 = arith.cmpi sge, %scan3A_646, %ge3A_649 : i32
      %convert_element_type3A = arith.extui %ge3A_650 : i1 to i32
      %cond3A = arith.constant 0 : i32
      %cond3A_651 = arith.cmpi ne, %convert_element_type3A, %cond3A : i32
      scf.if %cond3A_651 {
        %dma_wait3A_835 = arith.constant 0 : i32
        %dma_wait3A_836 = arith.constant 0 : i32
        %dma_wait3A_837 = arith.constant 0 : i32
        %dma_wait3A_838 = tpu.memref_slice %arg8[%rem3A_648, %dma_wait3A_836, %dma_wait3A_837] : memref<3x64x129xf32, #tpu.memory_space<vmem>> -> memref<1x64x128xf32, #tpu.memory_space<vmem>>
        %dma_wait3A_839 = tpu.memref_squeeze %dma_wait3A_838 : memref<1x64x128xf32, #tpu.memory_space<vmem>> -> memref<64x128xf32, #tpu.memory_space<vmem>>
        %dma_wait3A_840 = arith.constant 0 : i32
        %dma_wait3A_841 = arith.constant 0 : i32
        %dma_wait3A_842 = tpu.memref_slice %arg4[%dma_wait3A_835, %dma_wait3A_840, %dma_wait3A_841] : memref<50x64x16384xf32, #tpu.memory_space<hbm>> -> memref<1x64x128xf32, #tpu.memory_space<hbm>>
        %dma_wait3A_843 = tpu.memref_squeeze %dma_wait3A_842 : memref<1x64x128xf32, #tpu.memory_space<hbm>> -> memref<64x128xf32, #tpu.memory_space<hbm>>
        %dma_wait3A_844 = tpu.memref_slice %arg11[%rem3A_648] : memref<3x!tpu.dma_semaphore, #tpu.memory_space<semaphore_mem>> -> memref<1x!tpu.dma_semaphore, #tpu.memory_space<semaphore_mem>>
        %dma_wait3A_845 = tpu.memref_squeeze %dma_wait3A_844 : memref<1x!tpu.dma_semaphore, #tpu.memory_space<semaphore_mem>> -> memref<!tpu.dma_semaphore, #tpu.memory_space<semaphore_mem>>
        %dma_wait3A_846 = arith.constant 0 : i32
        %dma_wait3A_847 = arith.constant 0 : i32
        %dma_wait3A_848 = tpu.memref_slice %arg4[%dma_wait3A_835, %dma_wait3A_846, %dma_wait3A_847] : memref<50x64x16384xf32, #tpu.memory_space<hbm>> -> memref<1x64x128xf32, #tpu.memory_space<hbm>>
        %dma_wait3A_849 = tpu.memref_squeeze %dma_wait3A_848 : memref<1x64x128xf32, #tpu.memory_space<hbm>> -> memref<64x128xf32, #tpu.memory_space<hbm>>
        %dma_wait3A_850 = arith.constant 0 : i32
        %dma_wait3A_851 = arith.constant 0 : i32
        %dma_wait3A_852 = tpu.memref_slice %arg8[%rem3A_648, %dma_wait3A_850, %dma_wait3A_851] : memref<3x64x129xf32, #tpu.memory_space<vmem>> -> memref<1x64x128xf32, #tpu.memory_space<vmem>>
        %dma_wait3A_853 = tpu.memref_squeeze %dma_wait3A_852 : memref<1x64x128xf32, #tpu.memory_space<vmem>> -> memref<64x128xf32, #tpu.memory_space<vmem>>
        tpu.wait_dma2 semaphore(%dma_wait3A_845 : memref<!tpu.dma_semaphore, #tpu.memory_space<semaphore_mem>>) src(%dma_wait3A_853 : memref<64x128xf32, #tpu.memory_space<vmem>>) dst(%dma_wait3A_849 : memref<64x128xf32, #tpu.memory_space<hbm>>)
      } else {
      }
      %add3A_652 = arith.addi %mul3A_2, %scan3A_646 : i32
      %jit3A_653 = arith.constant 128 : i32
      %div3A_654 = arith.divsi %add3A_652, %jit3A_653 : i32
      %sign3A_655 = arith.constant 0 : i32
      %sign3A_656 = arith.cmpi sgt, %add3A_652, %sign3A_655 : i32
      %sign3A_657 = arith.extui %sign3A_656 : i1 to i32
      %sign3A_658 = arith.constant 0 : i32
      %sign3A_659 = arith.cmpi slt, %add3A_652, %sign3A_658 : i32
      %sign3A_660 = arith.extui %sign3A_659 : i1 to i32
      %sign3A_661 = arith.subi %sign3A_657, %sign3A_660 : i32
      %sign3A_662 = arith.constant 0 : i32
      %sign3A_663 = arith.cmpi sgt, %jit3A_653, %sign3A_662 : i32
      %sign3A_664 = arith.extui %sign3A_663 : i1 to i32
      %sign3A_665 = arith.constant 0 : i32
      %sign3A_666 = arith.cmpi slt, %jit3A_653, %sign3A_665 : i32
      %sign3A_667 = arith.extui %sign3A_666 : i1 to i32
      %sign3A_668 = arith.subi %sign3A_664, %sign3A_667 : i32
      %ne3A_669 = arith.cmpi ne, %sign3A_661, %sign3A_668 : i32
      %rem3A_670 = arith.remsi %add3A_652, %jit3A_653 : i32
      %ne3A_671 = arith.constant 0 : i32
      %ne3A_672 = arith.cmpi ne, %rem3A_670, %ne3A_671 : i32
      %and3A_673 = arith.andi %ne3A_669, %ne3A_672 : i1
      %sub3A_674 = arith.constant 1 : i32
      %sub3A_675 = arith.subi %div3A_654, %sub3A_674 : i32
      %select_n3A_676 = arith.select %and3A_673, %sub3A_675, %div3A_654 : i32
      %rem3A_677 = arith.constant 128 : i32
      %rem3A_678 = arith.remsi %add3A_652, %rem3A_677 : i32
      %dma_wait3A_679 = arith.constant 0 : i32
      %dma_wait3A_680 = arith.constant 0 : i32
      %dma_wait3A_681 = tpu.memref_slice %arg7[%rem3A_648, %dma_wait3A_679, %dma_wait3A_680] : memref<3x128x128xf32, #tpu.memory_space<vmem>> -> memref<1x128x128xf32, #tpu.memory_space<vmem>>
      %dma_wait3A_682 = tpu.memref_squeeze %dma_wait3A_681 : memref<1x128x128xf32, #tpu.memory_space<vmem>> -> memref<128x128xf32, #tpu.memory_space<vmem>>
      %dma_wait3A_683 = arith.constant 0 : i32
      %dma_wait3A_684 = tpu.memref_slice %arg6[%rem3A_648, %dma_wait3A_683] : memref<3x128xi32, #tpu.memory_space<vmem>> -> memref<1x128xi32, #tpu.memory_space<vmem>>
      %dma_wait3A_685 = tpu.memref_squeeze %dma_wait3A_684 : memref<1x128xi32, #tpu.memory_space<vmem>> -> memref<128xi32, #tpu.memory_space<vmem>>
      %dma_wait3A_686 = arith.constant 0 : i32
      %dma_wait3A_687 = arith.constant 0 : i32
      %dma_wait3A_688 = tpu.memref_slice %arg3[%dma_wait3A_686, %dma_wait3A_687] : memref<500288x128xf32, #tpu.memory_space<hbm>> -> memref<500288x128xf32, #tpu.memory_space<hbm>>
      %dma_wait3A_689 = tpu.memref_slice %arg10[%rem3A_648] : memref<3x!tpu.dma_semaphore, #tpu.memory_space<semaphore_mem>> -> memref<1x!tpu.dma_semaphore, #tpu.memory_space<semaphore_mem>>
      %dma_wait3A_690 = tpu.memref_squeeze %dma_wait3A_689 : memref<1x!tpu.dma_semaphore, #tpu.memory_space<semaphore_mem>> -> memref<!tpu.dma_semaphore, #tpu.memory_space<semaphore_mem>>
      tpu.wait_indirect_dma semaphore(%dma_wait3A_690 : memref<!tpu.dma_semaphore, #tpu.memory_space<semaphore_mem>>) src(%dma_wait3A_688 : memref<500288x128xf32, #tpu.memory_space<hbm>>) dst(%dma_wait3A_682 : memref<128x128xf32, #tpu.memory_space<vmem>>)
      %iota3A = tpu.iota {dimensions = array<i32: 0>} : vector<16xi32>
      %add3A_691 = arith.constant 0 : i32
      %add3A_692 = vector.broadcast %add3A_691 : i32 to vector<16xi32>
      %add3A_693 = arith.addi %iota3A, %add3A_692 : vector<16xi32>
      %iota3A_694 = tpu.iota {dimensions = array<i32: 0>} : vector<16xi32>
      %add3A_695 = arith.constant 16 : i32
      %add3A_696 = vector.broadcast %add3A_695 : i32 to vector<16xi32>
      %add3A_697 = arith.addi %iota3A_694, %add3A_696 : vector<16xi32>
      %iota3A_698 = tpu.iota {dimensions = array<i32: 0>} : vector<16xi32>
      %add3A_699 = arith.constant 32 : i32
      %add3A_700 = vector.broadcast %add3A_699 : i32 to vector<16xi32>
      %add3A_701 = arith.addi %iota3A_698, %add3A_700 : vector<16xi32>
      %iota3A_702 = tpu.iota {dimensions = array<i32: 0>} : vector<16xi32>
      %add3A_703 = arith.constant 48 : i32
      %add3A_704 = vector.broadcast %add3A_703 : i32 to vector<16xi32>
      %add3A_705 = arith.addi %iota3A_702, %add3A_704 : vector<16xi32>
      %iota3A_706 = tpu.iota {dimensions = array<i32: 0>} : vector<16xi32>
      %add3A_707 = arith.constant 64 : i32
      %add3A_708 = vector.broadcast %add3A_707 : i32 to vector<16xi32>
      %add3A_709 = arith.addi %iota3A_706, %add3A_708 : vector<16xi32>
      %iota3A_710 = tpu.iota {dimensions = array<i32: 0>} : vector<16xi32>
      %add3A_711 = arith.constant 80 : i32
      %add3A_712 = vector.broadcast %add3A_711 : i32 to vector<16xi32>
      %add3A_713 = arith.addi %iota3A_710, %add3A_712 : vector<16xi32>
      %iota3A_714 = tpu.iota {dimensions = array<i32: 0>} : vector<16xi32>
      %add3A_715 = arith.constant 96 : i32
      %add3A_716 = vector.broadcast %add3A_715 : i32 to vector<16xi32>
      %add3A_717 = arith.addi %iota3A_714, %add3A_716 : vector<16xi32>
      %iota3A_718 = tpu.iota {dimensions = array<i32: 0>} : vector<16xi32>
      %add3A_719 = arith.constant 112 : i32
      %add3A_720 = vector.broadcast %add3A_719 : i32 to vector<16xi32>
      %add3A_721 = arith.addi %iota3A_718, %add3A_720 : vector<16xi32>
      %get3A_722 = arith.index_cast %rem3A_648 : i32 to index
      %get3A_723 = arith.constant 0 : index
      %get3A_724 = tpu.vector_load %arg5[%get3A_722, %get3A_723] {strides = array<i32>} : memref<3x128xi32, #tpu.memory_space<vmem>>, vector<16xi32>,
      %ge3A_725 = arith.constant 499712 : i32
      %ge3A_726 = vector.broadcast %ge3A_725 : i32 to vector<16xi32>
      %ge3A_727 = arith.cmpi sge, %get3A_724, %ge3A_726 : vector<16xi32>
      %jit3A_728 = arith.constant 64 : i32
      %jit3A_729 = arith.constant 0 : i32
      %broadcast_in_dim3A = vector.broadcast %jit3A_728 : i32 to vector<16xi32>
      %broadcast_in_dim3A_730 = vector.broadcast %jit3A_729 : i32 to vector<16xi32>
      %select_n3A_731 = arith.select %ge3A_727, %broadcast_in_dim3A, %broadcast_in_dim3A_730 : vector<16xi1>, vector<16xi32>
      %get3A_732 = arith.index_cast %rem3A_648 : i32 to index
      %get3A_733 = arith.constant 16 : index
      %get3A_734 = tpu.vector_load %arg5[%get3A_732, %get3A_733] {strides = array<i32>} : memref<3x128xi32, #tpu.memory_space<vmem>>, vector<16xi32>,
      %ge3A_735 = arith.constant 499712 : i32
      %ge3A_736 = vector.broadcast %ge3A_735 : i32 to vector<16xi32>
      %ge3A_737 = arith.cmpi sge, %get3A_734, %ge3A_736 : vector<16xi32>
      %jit3A_738 = arith.constant 64 : i32
      %jit3A_739 = arith.constant 0 : i32
      %broadcast_in_dim3A_740 = vector.broadcast %jit3A_738 : i32 to vector<16xi32>
      %broadcast_in_dim3A_741 = vector.broadcast %jit3A_739 : i32 to vector<16xi32>
      %select_n3A_742 = arith.select %ge3A_737, %broadcast_in_dim3A_740, %broadcast_in_dim3A_741 : vector<16xi1>, vector<16xi32>
      %get3A_743 = arith.index_cast %rem3A_648 : i32 to index
      %get3A_744 = arith.constant 32 : index
      %get3A_745 = tpu.vector_load %arg5[%get3A_743, %get3A_744] {strides = array<i32>} : memref<3x128xi32, #tpu.memory_space<vmem>>, vector<16xi32>,
      %ge3A_746 = arith.constant 499712 : i32
      %ge3A_747 = vector.broadcast %ge3A_746 : i32 to vector<16xi32>
      %ge3A_748 = arith.cmpi sge, %get3A_745, %ge3A_747 : vector<16xi32>
      %jit3A_749 = arith.constant 64 : i32
      %jit3A_750 = arith.constant 0 : i32
      %broadcast_in_dim3A_751 = vector.broadcast %jit3A_749 : i32 to vector<16xi32>
      %broadcast_in_dim3A_752 = vector.broadcast %jit3A_750 : i32 to vector<16xi32>
      %select_n3A_753 = arith.select %ge3A_748, %broadcast_in_dim3A_751, %broadcast_in_dim3A_752 : vector<16xi1>, vector<16xi32>
      %get3A_754 = arith.index_cast %rem3A_648 : i32 to index
      %get3A_755 = arith.constant 48 : index
      %get3A_756 = tpu.vector_load %arg5[%get3A_754, %get3A_755] {strides = array<i32>} : memref<3x128xi32, #tpu.memory_space<vmem>>, vector<16xi32>,
      %ge3A_757 = arith.constant 499712 : i32
      %ge3A_758 = vector.broadcast %ge3A_757 : i32 to vector<16xi32>
      %ge3A_759 = arith.cmpi sge, %get3A_756, %ge3A_758 : vector<16xi32>
      %jit3A_760 = arith.constant 64 : i32
      %jit3A_761 = arith.constant 0 : i32
      %broadcast_in_dim3A_762 = vector.broadcast %jit3A_760 : i32 to vector<16xi32>
      %broadcast_in_dim3A_763 = vector.broadcast %jit3A_761 : i32 to vector<16xi32>
      %select_n3A_764 = arith.select %ge3A_759, %broadcast_in_dim3A_762, %broadcast_in_dim3A_763 : vector<16xi1>, vector<16xi32>
      %get3A_765 = arith.index_cast %rem3A_648 : i32 to index
      %get3A_766 = arith.constant 64 : index
      %get3A_767 = tpu.vector_load %arg5[%get3A_765, %get3A_766] {strides = array<i32>} : memref<3x128xi32, #tpu.memory_space<vmem>>, vector<16xi32>,
      %ge3A_768 = arith.constant 499712 : i32
      %ge3A_769 = vector.broadcast %ge3A_768 : i32 to vector<16xi32>
      %ge3A_770 = arith.cmpi sge, %get3A_767, %ge3A_769 : vector<16xi32>
      %jit3A_771 = arith.constant 64 : i32
      %jit3A_772 = arith.constant 0 : i32
      %broadcast_in_dim3A_773 = vector.broadcast %jit3A_771 : i32 to vector<16xi32>
      %broadcast_in_dim3A_774 = vector.broadcast %jit3A_772 : i32 to vector<16xi32>
      %select_n3A_775 = arith.select %ge3A_770, %broadcast_in_dim3A_773, %broadcast_in_dim3A_774 : vector<16xi1>, vector<16xi32>
      %get3A_776 = arith.index_cast %rem3A_648 : i32 to index
      %get3A_777 = arith.constant 80 : index
      %get3A_778 = tpu.vector_load %arg5[%get3A_776, %get3A_777] {strides = array<i32>} : memref<3x128xi32, #tpu.memory_space<vmem>>, vector<16xi32>,
      %ge3A_779 = arith.constant 499712 : i32
      %ge3A_780 = vector.broadcast %ge3A_779 : i32 to vector<16xi32>
      %ge3A_781 = arith.cmpi sge, %get3A_778, %ge3A_780 : vector<16xi32>
      %jit3A_782 = arith.constant 64 : i32
      %jit3A_783 = arith.constant 0 : i32
      %broadcast_in_dim3A_784 = vector.broadcast %jit3A_782 : i32 to vector<16xi32>
      %broadcast_in_dim3A_785 = vector.broadcast %jit3A_783 : i32 to vector<16xi32>
      %select_n3A_786 = arith.select %ge3A_781, %broadcast_in_dim3A_784, %broadcast_in_dim3A_785 : vector<16xi1>, vector<16xi32>
      %get3A_787 = arith.index_cast %rem3A_648 : i32 to index
      %get3A_788 = arith.constant 96 : index
      %get3A_789 = tpu.vector_load %arg5[%get3A_787, %get3A_788] {strides = array<i32>} : memref<3x128xi32, #tpu.memory_space<vmem>>, vector<16xi32>,
      %ge3A_790 = arith.constant 499712 : i32
      %ge3A_791 = vector.broadcast %ge3A_790 : i32 to vector<16xi32>
      %ge3A_792 = arith.cmpi sge, %get3A_789, %ge3A_791 : vector<16xi32>
      %jit3A_793 = arith.constant 64 : i32
      %jit3A_794 = arith.constant 0 : i32
      %broadcast_in_dim3A_795 = vector.broadcast %jit3A_793 : i32 to vector<16xi32>
      %broadcast_in_dim3A_796 = vector.broadcast %jit3A_794 : i32 to vector<16xi32>
      %select_n3A_797 = arith.select %ge3A_792, %broadcast_in_dim3A_795, %broadcast_in_dim3A_796 : vector<16xi1>, vector<16xi32>
      %get3A_798 = arith.index_cast %rem3A_648 : i32 to index
      %get3A_799 = arith.constant 112 : index
      %get3A_800 = tpu.vector_load %arg5[%get3A_798, %get3A_799] {strides = array<i32>} : memref<3x128xi32, #tpu.memory_space<vmem>>, vector<16xi32>,
      %ge3A_801 = arith.constant 499712 : i32
      %ge3A_802 = vector.broadcast %ge3A_801 : i32 to vector<16xi32>
      %ge3A_803 = arith.cmpi sge, %get3A_800, %ge3A_802 : vector<16xi32>
      %jit3A_804 = arith.constant 64 : i32
      %jit3A_805 = arith.constant 0 : i32
      %broadcast_in_dim3A_806 = vector.broadcast %jit3A_804 : i32 to vector<16xi32>
      %broadcast_in_dim3A_807 = vector.broadcast %jit3A_805 : i32 to vector<16xi32>
      %select_n3A_808 = arith.select %ge3A_803, %broadcast_in_dim3A_806, %broadcast_in_dim3A_807 : vector<16xi1>, vector<16xi32>
      %parallel_loop3A = arith.constant 0 : i32
      %parallel_loop3A_809 = arith.constant 64 : i32
      %parallel_loop3A_810 = arith.constant 1 : i32
      scf.for %parallel_loop3A_835 = %parallel_loop3A to %parallel_loop3A_809 step %parallel_loop3A_810  : i32 {
        %parallel_loop3A_836 = vector.broadcast %parallel_loop3A_835 : i32 to vector<16xi32>
        %parallel_loop3A_837 = arith.addi %select_n3A_731, %parallel_loop3A_836 : vector<16xi32>
        %parallel_loop3A_838 = arith.constant 0 : i32
        %parallel_loop3A_839 = arith.constant 0 : i32
        %parallel_loop3A_840 = tpu.memref_slice %arg7[%rem3A_648, %parallel_loop3A_838, %parallel_loop3A_839] : memref<3x128x128xf32, #tpu.memory_space<vmem>> -> memref<1x128x128xf32, #tpu.memory_space<vmem>>
        %parallel_loop3A_841 = tpu.memref_squeeze %parallel_loop3A_840 : memref<1x128x128xf32, #tpu.memory_space<vmem>> -> memref<128x128xf32, #tpu.memory_space<vmem>>
        %parallel_loop3A_842 = tpu.vector_load_idx %parallel_loop3A_841[%add3A_693, %parallel_loop3A_837] : memref<128x128xf32, #tpu.memory_space<vmem>>[vector<16xi32>, vector<16xi32>], vector<16xf32>,
        %parallel_loop3A_843 = arith.index_cast %rem3A_648 : i32 to index
        %parallel_loop3A_844 = arith.index_cast %parallel_loop3A_835 : i32 to index
        %parallel_loop3A_845 = arith.constant 0 : index
        %parallel_loop3A_846 = tpu.vector_load %arg8[%parallel_loop3A_843, %parallel_loop3A_844, %parallel_loop3A_845] {strides = array<i32>} : memref<3x64x129xf32, #tpu.memory_space<vmem>>, vector<16xf32>,
        tpu.vector_store %arg8[%parallel_loop3A_843, %parallel_loop3A_844, %parallel_loop3A_845], %parallel_loop3A_842 {strides = array<i32>} : memref<3x64x129xf32, #tpu.memory_space<vmem>>, vector<16xf32>,
        %parallel_loop3A_847 = arith.addi %select_n3A_742, %parallel_loop3A_836 : vector<16xi32>
        %parallel_loop3A_848 = arith.constant 0 : i32
        %parallel_loop3A_849 = arith.constant 0 : i32
        %parallel_loop3A_850 = tpu.memref_slice %arg7[%rem3A_648, %parallel_loop3A_848, %parallel_loop3A_849] : memref<3x128x128xf32, #tpu.memory_space<vmem>> -> memref<1x128x128xf32, #tpu.memory_space<vmem>>
        %parallel_loop3A_851 = tpu.memref_squeeze %parallel_loop3A_850 : memref<1x128x128xf32, #tpu.memory_space<vmem>> -> memref<128x128xf32, #tpu.memory_space<vmem>>
        %parallel_loop3A_852 = tpu.vector_load_idx %parallel_loop3A_851[%add3A_697, %parallel_loop3A_847] : memref<128x128xf32, #tpu.memory_space<vmem>>[vector<16xi32>, vector<16xi32>], vector<16xf32>,
        %parallel_loop3A_853 = arith.index_cast %rem3A_648 : i32 to index
        %parallel_loop3A_854 = arith.index_cast %parallel_loop3A_835 : i32 to index
        %parallel_loop3A_855 = arith.constant 16 : index
        %parallel_loop3A_856 = tpu.vector_load %arg8[%parallel_loop3A_853, %parallel_loop3A_854, %parallel_loop3A_855] {strides = array<i32>} : memref<3x64x129xf32, #tpu.memory_space<vmem>>, vector<16xf32>,
        tpu.vector_store %arg8[%parallel_loop3A_853, %parallel_loop3A_854, %parallel_loop3A_855], %parallel_loop3A_852 {strides = array<i32>} : memref<3x64x129xf32, #tpu.memory_space<vmem>>, vector<16xf32>,
        %parallel_loop3A_857 = arith.addi %select_n3A_753, %parallel_loop3A_836 : vector<16xi32>
        %parallel_loop3A_858 = arith.constant 0 : i32
        %parallel_loop3A_859 = arith.constant 0 : i32
        %parallel_loop3A_860 = tpu.memref_slice %arg7[%rem3A_648, %parallel_loop3A_858, %parallel_loop3A_859] : memref<3x128x128xf32, #tpu.memory_space<vmem>> -> memref<1x128x128xf32, #tpu.memory_space<vmem>>
        %parallel_loop3A_861 = tpu.memref_squeeze %parallel_loop3A_860 : memref<1x128x128xf32, #tpu.memory_space<vmem>> -> memref<128x128xf32, #tpu.memory_space<vmem>>
        %parallel_loop3A_862 = tpu.vector_load_idx %parallel_loop3A_861[%add3A_701, %parallel_loop3A_857] : memref<128x128xf32, #tpu.memory_space<vmem>>[vector<16xi32>, vector<16xi32>], vector<16xf32>,
        %parallel_loop3A_863 = arith.index_cast %rem3A_648 : i32 to index
        %parallel_loop3A_864 = arith.index_cast %parallel_loop3A_835 : i32 to index
        %parallel_loop3A_865 = arith.constant 32 : index
        %parallel_loop3A_866 = tpu.vector_load %arg8[%parallel_loop3A_863, %parallel_loop3A_864, %parallel_loop3A_865] {strides = array<i32>} : memref<3x64x129xf32, #tpu.memory_space<vmem>>, vector<16xf32>,
        tpu.vector_store %arg8[%parallel_loop3A_863, %parallel_loop3A_864, %parallel_loop3A_865], %parallel_loop3A_862 {strides = array<i32>} : memref<3x64x129xf32, #tpu.memory_space<vmem>>, vector<16xf32>,
        %parallel_loop3A_867 = arith.addi %select_n3A_764, %parallel_loop3A_836 : vector<16xi32>
        %parallel_loop3A_868 = arith.constant 0 : i32
        %parallel_loop3A_869 = arith.constant 0 : i32
        %parallel_loop3A_870 = tpu.memref_slice %arg7[%rem3A_648, %parallel_loop3A_868, %parallel_loop3A_869] : memref<3x128x128xf32, #tpu.memory_space<vmem>> -> memref<1x128x128xf32, #tpu.memory_space<vmem>>
        %parallel_loop3A_871 = tpu.memref_squeeze %parallel_loop3A_870 : memref<1x128x128xf32, #tpu.memory_space<vmem>> -> memref<128x128xf32, #tpu.memory_space<vmem>>
        %parallel_loop3A_872 = tpu.vector_load_idx %parallel_loop3A_871[%add3A_705, %parallel_loop3A_867] : memref<128x128xf32, #tpu.memory_space<vmem>>[vector<16xi32>, vector<16xi32>], vector<16xf32>,
        %parallel_loop3A_873 = arith.index_cast %rem3A_648 : i32 to index
        %parallel_loop3A_874 = arith.index_cast %parallel_loop3A_835 : i32 to index
        %parallel_loop3A_875 = arith.constant 48 : index
        %parallel_loop3A_876 = tpu.vector_load %arg8[%parallel_loop3A_873, %parallel_loop3A_874, %parallel_loop3A_875] {strides = array<i32>} : memref<3x64x129xf32, #tpu.memory_space<vmem>>, vector<16xf32>,
        tpu.vector_store %arg8[%parallel_loop3A_873, %parallel_loop3A_874, %parallel_loop3A_875], %parallel_loop3A_872 {strides = array<i32>} : memref<3x64x129xf32, #tpu.memory_space<vmem>>, vector<16xf32>,
        %parallel_loop3A_877 = arith.addi %select_n3A_775, %parallel_loop3A_836 : vector<16xi32>
        %parallel_loop3A_878 = arith.constant 0 : i32
        %parallel_loop3A_879 = arith.constant 0 : i32
        %parallel_loop3A_880 = tpu.memref_slice %arg7[%rem3A_648, %parallel_loop3A_878, %parallel_loop3A_879] : memref<3x128x128xf32, #tpu.memory_space<vmem>> -> memref<1x128x128xf32, #tpu.memory_space<vmem>>
        %parallel_loop3A_881 = tpu.memref_squeeze %parallel_loop3A_880 : memref<1x128x128xf32, #tpu.memory_space<vmem>> -> memref<128x128xf32, #tpu.memory_space<vmem>>
        %parallel_loop3A_882 = tpu.vector_load_idx %parallel_loop3A_881[%add3A_709, %parallel_loop3A_877] : memref<128x128xf32, #tpu.memory_space<vmem>>[vector<16xi32>, vector<16xi32>], vector<16xf32>,
        %parallel_loop3A_883 = arith.index_cast %rem3A_648 : i32 to index
        %parallel_loop3A_884 = arith.index_cast %parallel_loop3A_835 : i32 to index
        %parallel_loop3A_885 = arith.constant 64 : index
        %parallel_loop3A_886 = tpu.vector_load %arg8[%parallel_loop3A_883, %parallel_loop3A_884, %parallel_loop3A_885] {strides = array<i32>} : memref<3x64x129xf32, #tpu.memory_space<vmem>>, vector<16xf32>,
        tpu.vector_store %arg8[%parallel_loop3A_883, %parallel_loop3A_884, %parallel_loop3A_885], %parallel_loop3A_882 {strides = array<i32>} : memref<3x64x129xf32, #tpu.memory_space<vmem>>, vector<16xf32>,
        %parallel_loop3A_887 = arith.addi %select_n3A_786, %parallel_loop3A_836 : vector<16xi32>
        %parallel_loop3A_888 = arith.constant 0 : i32
        %parallel_loop3A_889 = arith.constant 0 : i32
        %parallel_loop3A_890 = tpu.memref_slice %arg7[%rem3A_648, %parallel_loop3A_888, %parallel_loop3A_889] : memref<3x128x128xf32, #tpu.memory_space<vmem>> -> memref<1x128x128xf32, #tpu.memory_space<vmem>>
        %parallel_loop3A_891 = tpu.memref_squeeze %parallel_loop3A_890 : memref<1x128x128xf32, #tpu.memory_space<vmem>> -> memref<128x128xf32, #tpu.memory_space<vmem>>
        %parallel_loop3A_892 = tpu.vector_load_idx %parallel_loop3A_891[%add3A_713, %parallel_loop3A_887] : memref<128x128xf32, #tpu.memory_space<vmem>>[vector<16xi32>, vector<16xi32>], vector<16xf32>,
        %parallel_loop3A_893 = arith.index_cast %rem3A_648 : i32 to index
        %parallel_loop3A_894 = arith.index_cast %parallel_loop3A_835 : i32 to index
        %parallel_loop3A_895 = arith.constant 80 : index
        %parallel_loop3A_896 = tpu.vector_load %arg8[%parallel_loop3A_893, %parallel_loop3A_894, %parallel_loop3A_895] {strides = array<i32>} : memref<3x64x129xf32, #tpu.memory_space<vmem>>, vector<16xf32>,
        tpu.vector_store %arg8[%parallel_loop3A_893, %parallel_loop3A_894, %parallel_loop3A_895], %parallel_loop3A_892 {strides = array<i32>} : memref<3x64x129xf32, #tpu.memory_space<vmem>>, vector<16xf32>,
        %parallel_loop3A_897 = arith.addi %select_n3A_797, %parallel_loop3A_836 : vector<16xi32>
        %parallel_loop3A_898 = arith.constant 0 : i32
        %parallel_loop3A_899 = arith.constant 0 : i32
        %parallel_loop3A_900 = tpu.memref_slice %arg7[%rem3A_648, %parallel_loop3A_898, %parallel_loop3A_899] : memref<3x128x128xf32, #tpu.memory_space<vmem>> -> memref<1x128x128xf32, #tpu.memory_space<vmem>>
        %parallel_loop3A_901 = tpu.memref_squeeze %parallel_loop3A_900 : memref<1x128x128xf32, #tpu.memory_space<vmem>> -> memref<128x128xf32, #tpu.memory_space<vmem>>
        %parallel_loop3A_902 = tpu.vector_load_idx %parallel_loop3A_901[%add3A_717, %parallel_loop3A_897] : memref<128x128xf32, #tpu.memory_space<vmem>>[vector<16xi32>, vector<16xi32>], vector<16xf32>,
        %parallel_loop3A_903 = arith.index_cast %rem3A_648 : i32 to index
        %parallel_loop3A_904 = arith.index_cast %parallel_loop3A_835 : i32 to index
        %parallel_loop3A_905 = arith.constant 96 : index
        %parallel_loop3A_906 = tpu.vector_load %arg8[%parallel_loop3A_903, %parallel_loop3A_904, %parallel_loop3A_905] {strides = array<i32>} : memref<3x64x129xf32, #tpu.memory_space<vmem>>, vector<16xf32>,
        tpu.vector_store %arg8[%parallel_loop3A_903, %parallel_loop3A_904, %parallel_loop3A_905], %parallel_loop3A_902 {strides = array<i32>} : memref<3x64x129xf32, #tpu.memory_space<vmem>>, vector<16xf32>,
        %parallel_loop3A_907 = arith.addi %select_n3A_808, %parallel_loop3A_836 : vector<16xi32>
        %parallel_loop3A_908 = arith.constant 0 : i32
        %parallel_loop3A_909 = arith.constant 0 : i32
        %parallel_loop3A_910 = tpu.memref_slice %arg7[%rem3A_648, %parallel_loop3A_908, %parallel_loop3A_909] : memref<3x128x128xf32, #tpu.memory_space<vmem>> -> memref<1x128x128xf32, #tpu.memory_space<vmem>>
        %parallel_loop3A_911 = tpu.memref_squeeze %parallel_loop3A_910 : memref<1x128x128xf32, #tpu.memory_space<vmem>> -> memref<128x128xf32, #tpu.memory_space<vmem>>
        %parallel_loop3A_912 = tpu.vector_load_idx %parallel_loop3A_911[%add3A_721, %parallel_loop3A_907] : memref<128x128xf32, #tpu.memory_space<vmem>>[vector<16xi32>, vector<16xi32>], vector<16xf32>,
        %parallel_loop3A_913 = arith.index_cast %rem3A_648 : i32 to index
        %parallel_loop3A_914 = arith.index_cast %parallel_loop3A_835 : i32 to index
        %parallel_loop3A_915 = arith.constant 112 : index
        %parallel_loop3A_916 = tpu.vector_load %arg8[%parallel_loop3A_913, %parallel_loop3A_914, %parallel_loop3A_915] {strides = array<i32>} : memref<3x64x129xf32, #tpu.memory_space<vmem>>, vector<16xf32>,
        tpu.vector_store %arg8[%parallel_loop3A_913, %parallel_loop3A_914, %parallel_loop3A_915], %parallel_loop3A_912 {strides = array<i32>} : memref<3x64x129xf32, #tpu.memory_space<vmem>>, vector<16xf32>,
      } {sc.loop_unroll_factor = 16 : i64, sc.parallel_access}
      %mul3A_811 = arith.constant 128 : i32
      %mul3A_812 = arith.muli %rem3A_678, %mul3A_811 : i32
      %dma_start3A_813 = arith.constant 0 : i32
      %dma_start3A_814 = arith.constant 0 : i32
      %dma_start3A_815 = tpu.memref_slice %arg8[%rem3A_648, %dma_start3A_813, %dma_start3A_814] : memref<3x64x129xf32, #tpu.memory_space<vmem>> -> memref<1x64x128xf32, #tpu.memory_space<vmem>>
      %dma_start3A_816 = tpu.memref_squeeze %dma_start3A_815 : memref<1x64x128xf32, #tpu.memory_space<vmem>> -> memref<64x128xf32, #tpu.memory_space<vmem>>
      %dma_start3A_817 = arith.constant 0 : i32
      %dma_start3A_818 = tpu.memref_slice %arg4[%select_n3A_676, %dma_start3A_817, %mul3A_812] : memref<50x64x16384xf32, #tpu.memory_space<hbm>> -> memref<1x64x128xf32, #tpu.memory_space<hbm>>
      %dma_start3A_819 = tpu.memref_squeeze %dma_start3A_818 : memref<1x64x128xf32, #tpu.memory_space<hbm>> -> memref<64x128xf32, #tpu.memory_space<hbm>>
      %dma_start3A_820 = tpu.memref_slice %arg11[%rem3A_648] : memref<3x!tpu.dma_semaphore, #tpu.memory_space<semaphore_mem>> -> memref<1x!tpu.dma_semaphore, #tpu.memory_space<semaphore_mem>>
      %dma_start3A_821 = tpu.memref_squeeze %dma_start3A_820 : memref<1x!tpu.dma_semaphore, #tpu.memory_space<semaphore_mem>> -> memref<!tpu.dma_semaphore, #tpu.memory_space<semaphore_mem>>
      %dma_start3A_822 = arith.constant 0 : i32
      %dma_start3A_823 = tpu.memref_slice %arg4[%select_n3A_676, %dma_start3A_822, %mul3A_812] : memref<50x64x16384xf32, #tpu.memory_space<hbm>> -> memref<1x64x128xf32, #tpu.memory_space<hbm>>
      %dma_start3A_824 = tpu.memref_squeeze %dma_start3A_823 : memref<1x64x128xf32, #tpu.memory_space<hbm>> -> memref<64x128xf32, #tpu.memory_space<hbm>>
      %dma_start3A_825 = arith.constant 0 : i32
      %dma_start3A_826 = arith.constant 0 : i32
      %dma_start3A_827 = tpu.memref_slice %arg8[%rem3A_648, %dma_start3A_825, %dma_start3A_826] : memref<3x64x129xf32, #tpu.memory_space<vmem>> -> memref<1x64x128xf32, #tpu.memory_space<vmem>>
      %dma_start3A_828 = tpu.memref_squeeze %dma_start3A_827 : memref<1x64x128xf32, #tpu.memory_space<vmem>> -> memref<64x128xf32, #tpu.memory_space<vmem>>
      tpu.enqueue_dma source(%dma_start3A_828 : memref<64x128xf32, #tpu.memory_space<vmem>>) target(%dma_start3A_824 : memref<64x128xf32, #tpu.memory_space<hbm>>) target_semaphore(%dma_start3A_821 : memref<!tpu.dma_semaphore, #tpu.memory_space<semaphore_mem>>)
      %add3A_829 = arith.constant 3 : i32
      %add3A_830 = arith.addi %scan3A_646, %add3A_829 : i32
      %lt3A = arith.constant 200 : i32
      %lt3A_831 = arith.cmpi slt, %add3A_830, %lt3A : i32
      %convert_element_type3A_832 = arith.extui %lt3A_831 : i1 to i32
      %cond3A_833 = arith.constant 0 : i32
      %cond3A_834 = arith.cmpi ne, %convert_element_type3A_832, %cond3A_833 : i32
      scf.if %cond3A_834 {
        %add3A_835 = arith.addi %mul3A_2, %scan3A_646 : i32
        %add3A_836 = arith.constant 3 : i32
        %add3A_837 = arith.addi %add3A_835, %add3A_836 : i32
        %jit3A_838 = arith.constant 128 : i32
        %div3A_839 = arith.divsi %add3A_837, %jit3A_838 : i32
        %sign3A_840 = arith.constant 0 : i32
        %sign3A_841 = arith.cmpi sgt, %add3A_837, %sign3A_840 : i32
        %sign3A_842 = arith.extui %sign3A_841 : i1 to i32
        %sign3A_843 = arith.constant 0 : i32
        %sign3A_844 = arith.cmpi slt, %add3A_837, %sign3A_843 : i32
        %sign3A_845 = arith.extui %sign3A_844 : i1 to i32
        %sign3A_846 = arith.subi %sign3A_842, %sign3A_845 : i32
        %sign3A_847 = arith.constant 0 : i32
        %sign3A_848 = arith.cmpi sgt, %jit3A_838, %sign3A_847 : i32
        %sign3A_849 = arith.extui %sign3A_848 : i1 to i32
        %sign3A_850 = arith.constant 0 : i32
        %sign3A_851 = arith.cmpi slt, %jit3A_838, %sign3A_850 : i32
        %sign3A_852 = arith.extui %sign3A_851 : i1 to i32
        %sign3A_853 = arith.subi %sign3A_849, %sign3A_852 : i32
        %ne3A_854 = arith.cmpi ne, %sign3A_846, %sign3A_853 : i32
        %rem3A_855 = arith.remsi %add3A_837, %jit3A_838 : i32
        %ne3A_856 = arith.constant 0 : i32
        %ne3A_857 = arith.cmpi ne, %rem3A_855, %ne3A_856 : i32
        %and3A_858 = arith.andi %ne3A_854, %ne3A_857 : i1
        %sub3A_859 = arith.constant 1 : i32
        %sub3A_860 = arith.subi %div3A_839, %sub3A_859 : i32
        %select_n3A_861 = arith.select %and3A_858, %sub3A_860, %div3A_839 : i32
        %rem3A_862 = arith.constant 128 : i32
        %rem3A_863 = arith.remsi %add3A_837, %rem3A_862 : i32
        %mul3A_864 = arith.constant 128 : i32
        %mul3A_865 = arith.muli %rem3A_863, %mul3A_864 : i32
        %dma_start3A_866 = arith.constant 0 : i32
        %dma_start3A_867 = tpu.memref_slice %arg5[%rem3A_648, %dma_start3A_866] : memref<3x128xi32, #tpu.memory_space<vmem>> -> memref<1x128xi32, #tpu.memory_space<vmem>>
        %dma_start3A_868 = tpu.memref_squeeze %dma_start3A_867 : memref<1x128xi32, #tpu.memory_space<vmem>> -> memref<128xi32, #tpu.memory_space<vmem>>
        %dma_start3A_869 = tpu.memref_slice %arg2[%select_n3A_861, %mul3A_865] : memref<50x16384xi32, #tpu.memory_space<hbm>> -> memref<1x128xi32, #tpu.memory_space<hbm>>
        %dma_start3A_870 = tpu.memref_squeeze %dma_start3A_869 : memref<1x128xi32, #tpu.memory_space<hbm>> -> memref<128xi32, #tpu.memory_space<hbm>>
        %dma_start3A_871 = tpu.memref_slice %arg9[%rem3A_648] : memref<3x!tpu.dma_semaphore, #tpu.memory_space<semaphore_mem>> -> memref<1x!tpu.dma_semaphore, #tpu.memory_space<semaphore_mem>>
        %dma_start3A_872 = tpu.memref_squeeze %dma_start3A_871 : memref<1x!tpu.dma_semaphore, #tpu.memory_space<semaphore_mem>> -> memref<!tpu.dma_semaphore, #tpu.memory_space<semaphore_mem>>
        %dma_start3A_873 = arith.constant 0 : i32
        %dma_start3A_874 = tpu.memref_slice %arg5[%rem3A_648, %dma_start3A_873] : memref<3x128xi32, #tpu.memory_space<vmem>> -> memref<1x128xi32, #tpu.memory_space<vmem>>
        %dma_start3A_875 = tpu.memref_squeeze %dma_start3A_874 : memref<1x128xi32, #tpu.memory_space<vmem>> -> memref<128xi32, #tpu.memory_space<vmem>>
        %dma_start3A_876 = tpu.memref_slice %arg2[%select_n3A_861, %mul3A_865] : memref<50x16384xi32, #tpu.memory_space<hbm>> -> memref<1x128xi32, #tpu.memory_space<hbm>>
        %dma_start3A_877 = tpu.memref_squeeze %dma_start3A_876 : memref<1x128xi32, #tpu.memory_space<hbm>> -> memref<128xi32, #tpu.memory_space<hbm>>
        tpu.enqueue_dma source(%dma_start3A_877 : memref<128xi32, #tpu.memory_space<hbm>>) target(%dma_start3A_875 : memref<128xi32, #tpu.memory_space<vmem>>) target_semaphore(%dma_start3A_872 : memref<!tpu.dma_semaphore, #tpu.memory_space<semaphore_mem>>)
        %dma_wait3A_878 = arith.constant 0 : i32
        %dma_wait3A_879 = arith.constant 0 : i32
        %dma_wait3A_880 = tpu.memref_slice %arg5[%rem3A_648, %dma_wait3A_879] : memref<3x128xi32, #tpu.memory_space<vmem>> -> memref<1x128xi32, #tpu.memory_space<vmem>>
        %dma_wait3A_881 = tpu.memref_squeeze %dma_wait3A_880 : memref<1x128xi32, #tpu.memory_space<vmem>> -> memref<128xi32, #tpu.memory_space<vmem>>
        %dma_wait3A_882 = arith.constant 0 : i32
        %dma_wait3A_883 = tpu.memref_slice %arg2[%dma_wait3A_878, %dma_wait3A_882] : memref<50x16384xi32, #tpu.memory_space<hbm>> -> memref<1x128xi32, #tpu.memory_space<hbm>>
        %dma_wait3A_884 = tpu.memref_squeeze %dma_wait3A_883 : memref<1x128xi32, #tpu.memory_space<hbm>> -> memref<128xi32, #tpu.memory_space<hbm>>
        %dma_wait3A_885 = tpu.memref_slice %arg9[%rem3A_648] : memref<3x!tpu.dma_semaphore, #tpu.memory_space<semaphore_mem>> -> memref<1x!tpu.dma_semaphore, #tpu.memory_space<semaphore_mem>>
        %dma_wait3A_886 = tpu.memref_squeeze %dma_wait3A_885 : memref<1x!tpu.dma_semaphore, #tpu.memory_space<semaphore_mem>> -> memref<!tpu.dma_semaphore, #tpu.memory_space<semaphore_mem>>
        %dma_wait3A_887 = arith.constant 0 : i32
        %dma_wait3A_888 = tpu.memref_slice %arg5[%rem3A_648, %dma_wait3A_887] : memref<3x128xi32, #tpu.memory_space<vmem>> -> memref<1x128xi32, #tpu.memory_space<vmem>>
        %dma_wait3A_889 = tpu.memref_squeeze %dma_wait3A_888 : memref<1x128xi32, #tpu.memory_space<vmem>> -> memref<128xi32, #tpu.memory_space<vmem>>
        %dma_wait3A_890 = arith.constant 0 : i32
        %dma_wait3A_891 = tpu.memref_slice %arg2[%dma_wait3A_878, %dma_wait3A_890] : memref<50x16384xi32, #tpu.memory_space<hbm>> -> memref<1x128xi32, #tpu.memory_space<hbm>>
        %dma_wait3A_892 = tpu.memref_squeeze %dma_wait3A_891 : memref<1x128xi32, #tpu.memory_space<hbm>> -> memref<128xi32, #tpu.memory_space<hbm>>
        tpu.wait_dma2 semaphore(%dma_wait3A_886 : memref<!tpu.dma_semaphore, #tpu.memory_space<semaphore_mem>>) src(%dma_wait3A_892 : memref<128xi32, #tpu.memory_space<hbm>>) dst(%dma_wait3A_889 : memref<128xi32, #tpu.memory_space<vmem>>)
        %get3A_893 = arith.index_cast %rem3A_648 : i32 to index
        %get3A_894 = arith.constant 0 : index
        %get3A_895 = tpu.vector_load %arg5[%get3A_893, %get3A_894] {strides = array<i32>} : memref<3x128xi32, #tpu.memory_space<vmem>>, vector<16xi32>,
        %ge3A_896 = arith.constant 499712 : i32
        %ge3A_897 = vector.broadcast %ge3A_896 : i32 to vector<16xi32>
        %ge3A_898 = arith.cmpi sge, %get3A_895, %ge3A_897 : vector<16xi32>
        %sub3A_899 = arith.constant 499712 : i32
        %sub3A_900 = vector.broadcast %sub3A_899 : i32 to vector<16xi32>
        %sub3A_901 = arith.subi %get3A_895, %sub3A_900 : vector<16xi32>
        %select_n3A_902 = arith.select %ge3A_898, %sub3A_901, %get3A_895 : vector<16xi1>, vector<16xi32>
        %swap3A_903 = arith.index_cast %rem3A_648 : i32 to index
        %swap3A_904 = arith.constant 0 : index
        %swap3A_905 = tpu.vector_load %arg6[%swap3A_903, %swap3A_904] {strides = array<i32>} : memref<3x128xi32, #tpu.memory_space<vmem>>, vector<16xi32>,
        tpu.vector_store %arg6[%swap3A_903, %swap3A_904], %select_n3A_902 {strides = array<i32>} : memref<3x128xi32, #tpu.memory_space<vmem>>, vector<16xi32>,
        %get3A_906 = arith.index_cast %rem3A_648 : i32 to index
        %get3A_907 = arith.constant 16 : index
        %get3A_908 = tpu.vector_load %arg5[%get3A_906, %get3A_907] {strides = array<i32>} : memref<3x128xi32, #tpu.memory_space<vmem>>, vector<16xi32>,
        %ge3A_909 = arith.constant 499712 : i32
        %ge3A_910 = vector.broadcast %ge3A_909 : i32 to vector<16xi32>
        %ge3A_911 = arith.cmpi sge, %get3A_908, %ge3A_910 : vector<16xi32>
        %sub3A_912 = arith.constant 499712 : i32
        %sub3A_913 = vector.broadcast %sub3A_912 : i32 to vector<16xi32>
        %sub3A_914 = arith.subi %get3A_908, %sub3A_913 : vector<16xi32>
        %select_n3A_915 = arith.select %ge3A_911, %sub3A_914, %get3A_908 : vector<16xi1>, vector<16xi32>
        %swap3A_916 = arith.index_cast %rem3A_648 : i32 to index
        %swap3A_917 = arith.constant 16 : index
        %swap3A_918 = tpu.vector_load %arg6[%swap3A_916, %swap3A_917] {strides = array<i32>} : memref<3x128xi32, #tpu.memory_space<vmem>>, vector<16xi32>,
        tpu.vector_store %arg6[%swap3A_916, %swap3A_917], %select_n3A_915 {strides = array<i32>} : memref<3x128xi32, #tpu.memory_space<vmem>>, vector<16xi32>,
        %get3A_919 = arith.index_cast %rem3A_648 : i32 to index
        %get3A_920 = arith.constant 32 : index
        %get3A_921 = tpu.vector_load %arg5[%get3A_919, %get3A_920] {strides = array<i32>} : memref<3x128xi32, #tpu.memory_space<vmem>>, vector<16xi32>,
        %ge3A_922 = arith.constant 499712 : i32
        %ge3A_923 = vector.broadcast %ge3A_922 : i32 to vector<16xi32>
        %ge3A_924 = arith.cmpi sge, %get3A_921, %ge3A_923 : vector<16xi32>
        %sub3A_925 = arith.constant 499712 : i32
        %sub3A_926 = vector.broadcast %sub3A_925 : i32 to vector<16xi32>
        %sub3A_927 = arith.subi %get3A_921, %sub3A_926 : vector<16xi32>
        %select_n3A_928 = arith.select %ge3A_924, %sub3A_927, %get3A_921 : vector<16xi1>, vector<16xi32>
        %swap3A_929 = arith.index_cast %rem3A_648 : i32 to index
        %swap3A_930 = arith.constant 32 : index
        %swap3A_931 = tpu.vector_load %arg6[%swap3A_929, %swap3A_930] {strides = array<i32>} : memref<3x128xi32, #tpu.memory_space<vmem>>, vector<16xi32>,
        tpu.vector_store %arg6[%swap3A_929, %swap3A_930], %select_n3A_928 {strides = array<i32>} : memref<3x128xi32, #tpu.memory_space<vmem>>, vector<16xi32>,
        %get3A_932 = arith.index_cast %rem3A_648 : i32 to index
        %get3A_933 = arith.constant 48 : index
        %get3A_934 = tpu.vector_load %arg5[%get3A_932, %get3A_933] {strides = array<i32>} : memref<3x128xi32, #tpu.memory_space<vmem>>, vector<16xi32>,
        %ge3A_935 = arith.constant 499712 : i32
        %ge3A_936 = vector.broadcast %ge3A_935 : i32 to vector<16xi32>
        %ge3A_937 = arith.cmpi sge, %get3A_934, %ge3A_936 : vector<16xi32>
        %sub3A_938 = arith.constant 499712 : i32
        %sub3A_939 = vector.broadcast %sub3A_938 : i32 to vector<16xi32>
        %sub3A_940 = arith.subi %get3A_934, %sub3A_939 : vector<16xi32>
        %select_n3A_941 = arith.select %ge3A_937, %sub3A_940, %get3A_934 : vector<16xi1>, vector<16xi32>
        %swap3A_942 = arith.index_cast %rem3A_648 : i32 to index
        %swap3A_943 = arith.constant 48 : index
        %swap3A_944 = tpu.vector_load %arg6[%swap3A_942, %swap3A_943] {strides = array<i32>} : memref<3x128xi32, #tpu.memory_space<vmem>>, vector<16xi32>,
        tpu.vector_store %arg6[%swap3A_942, %swap3A_943], %select_n3A_941 {strides = array<i32>} : memref<3x128xi32, #tpu.memory_space<vmem>>, vector<16xi32>,
        %get3A_945 = arith.index_cast %rem3A_648 : i32 to index
        %get3A_946 = arith.constant 64 : index
        %get3A_947 = tpu.vector_load %arg5[%get3A_945, %get3A_946] {strides = array<i32>} : memref<3x128xi32, #tpu.memory_space<vmem>>, vector<16xi32>,
        %ge3A_948 = arith.constant 499712 : i32
        %ge3A_949 = vector.broadcast %ge3A_948 : i32 to vector<16xi32>
        %ge3A_950 = arith.cmpi sge, %get3A_947, %ge3A_949 : vector<16xi32>
        %sub3A_951 = arith.constant 499712 : i32
        %sub3A_952 = vector.broadcast %sub3A_951 : i32 to vector<16xi32>
        %sub3A_953 = arith.subi %get3A_947, %sub3A_952 : vector<16xi32>
        %select_n3A_954 = arith.select %ge3A_950, %sub3A_953, %get3A_947 : vector<16xi1>, vector<16xi32>
        %swap3A_955 = arith.index_cast %rem3A_648 : i32 to index
        %swap3A_956 = arith.constant 64 : index
        %swap3A_957 = tpu.vector_load %arg6[%swap3A_955, %swap3A_956] {strides = array<i32>} : memref<3x128xi32, #tpu.memory_space<vmem>>, vector<16xi32>,
        tpu.vector_store %arg6[%swap3A_955, %swap3A_956], %select_n3A_954 {strides = array<i32>} : memref<3x128xi32, #tpu.memory_space<vmem>>, vector<16xi32>,
        %get3A_958 = arith.index_cast %rem3A_648 : i32 to index
        %get3A_959 = arith.constant 80 : index
        %get3A_960 = tpu.vector_load %arg5[%get3A_958, %get3A_959] {strides = array<i32>} : memref<3x128xi32, #tpu.memory_space<vmem>>, vector<16xi32>,
        %ge3A_961 = arith.constant 499712 : i32
        %ge3A_962 = vector.broadcast %ge3A_961 : i32 to vector<16xi32>
        %ge3A_963 = arith.cmpi sge, %get3A_960, %ge3A_962 : vector<16xi32>
        %sub3A_964 = arith.constant 499712 : i32
        %sub3A_965 = vector.broadcast %sub3A_964 : i32 to vector<16xi32>
        %sub3A_966 = arith.subi %get3A_960, %sub3A_965 : vector<16xi32>
        %select_n3A_967 = arith.select %ge3A_963, %sub3A_966, %get3A_960 : vector<16xi1>, vector<16xi32>
        %swap3A_968 = arith.index_cast %rem3A_648 : i32 to index
        %swap3A_969 = arith.constant 80 : index
        %swap3A_970 = tpu.vector_load %arg6[%swap3A_968, %swap3A_969] {strides = array<i32>} : memref<3x128xi32, #tpu.memory_space<vmem>>, vector<16xi32>,
        tpu.vector_store %arg6[%swap3A_968, %swap3A_969], %select_n3A_967 {strides = array<i32>} : memref<3x128xi32, #tpu.memory_space<vmem>>, vector<16xi32>,
        %get3A_971 = arith.index_cast %rem3A_648 : i32 to index
        %get3A_972 = arith.constant 96 : index
        %get3A_973 = tpu.vector_load %arg5[%get3A_971, %get3A_972] {strides = array<i32>} : memref<3x128xi32, #tpu.memory_space<vmem>>, vector<16xi32>,
        %ge3A_974 = arith.constant 499712 : i32
        %ge3A_975 = vector.broadcast %ge3A_974 : i32 to vector<16xi32>
        %ge3A_976 = arith.cmpi sge, %get3A_973, %ge3A_975 : vector<16xi32>
        %sub3A_977 = arith.constant 499712 : i32
        %sub3A_978 = vector.broadcast %sub3A_977 : i32 to vector<16xi32>
        %sub3A_979 = arith.subi %get3A_973, %sub3A_978 : vector<16xi32>
        %select_n3A_980 = arith.select %ge3A_976, %sub3A_979, %get3A_973 : vector<16xi1>, vector<16xi32>
        %swap3A_981 = arith.index_cast %rem3A_648 : i32 to index
        %swap3A_982 = arith.constant 96 : index
        %swap3A_983 = tpu.vector_load %arg6[%swap3A_981, %swap3A_982] {strides = array<i32>} : memref<3x128xi32, #tpu.memory_space<vmem>>, vector<16xi32>,
        tpu.vector_store %arg6[%swap3A_981, %swap3A_982], %select_n3A_980 {strides = array<i32>} : memref<3x128xi32, #tpu.memory_space<vmem>>, vector<16xi32>,
        %get3A_984 = arith.index_cast %rem3A_648 : i32 to index
        %get3A_985 = arith.constant 112 : index
        %get3A_986 = tpu.vector_load %arg5[%get3A_984, %get3A_985] {strides = array<i32>} : memref<3x128xi32, #tpu.memory_space<vmem>>, vector<16xi32>,
        %ge3A_987 = arith.constant 499712 : i32
        %ge3A_988 = vector.broadcast %ge3A_987 : i32 to vector<16xi32>
        %ge3A_989 = arith.cmpi sge, %get3A_986, %ge3A_988 : vector<16xi32>
        %sub3A_990 = arith.constant 499712 : i32
        %sub3A_991 = vector.broadcast %sub3A_990 : i32 to vector<16xi32>
        %sub3A_992 = arith.subi %get3A_986, %sub3A_991 : vector<16xi32>
        %select_n3A_993 = arith.select %ge3A_989, %sub3A_992, %get3A_986 : vector<16xi1>, vector<16xi32>
        %swap3A_994 = arith.index_cast %rem3A_648 : i32 to index
        %swap3A_995 = arith.constant 112 : index
        %swap3A_996 = tpu.vector_load %arg6[%swap3A_994, %swap3A_995] {strides = array<i32>} : memref<3x128xi32, #tpu.memory_space<vmem>>, vector<16xi32>,
        tpu.vector_store %arg6[%swap3A_994, %swap3A_995], %select_n3A_993 {strides = array<i32>} : memref<3x128xi32, #tpu.memory_space<vmem>>, vector<16xi32>,
        %dma_start3A_997 = arith.constant 0 : i32
        %dma_start3A_998 = arith.constant 0 : i32
        %dma_start3A_999 = tpu.memref_slice %arg7[%rem3A_648, %dma_start3A_997, %dma_start3A_998] : memref<3x128x128xf32, #tpu.memory_space<vmem>> -> memref<1x128x128xf32, #tpu.memory_space<vmem>>
        %dma_start3A_1000 = tpu.memref_squeeze %dma_start3A_999 : memref<1x128x128xf32, #tpu.memory_space<vmem>> -> memref<128x128xf32, #tpu.memory_space<vmem>>
        %dma_start3A_1001 = arith.constant 0 : i32
        %dma_start3A_1002 = tpu.memref_slice %arg6[%rem3A_648, %dma_start3A_1001] : memref<3x128xi32, #tpu.memory_space<vmem>> -> memref<1x128xi32, #tpu.memory_space<vmem>>
        %dma_start3A_1003 = tpu.memref_squeeze %dma_start3A_1002 : memref<1x128xi32, #tpu.memory_space<vmem>> -> memref<128xi32, #tpu.memory_space<vmem>>
        %dma_start3A_1004 = arith.constant 0 : i32
        %dma_start3A_1005 = arith.constant 0 : i32
        %dma_start3A_1006 = tpu.memref_slice %arg3[%dma_start3A_1004, %dma_start3A_1005] : memref<500288x128xf32, #tpu.memory_space<hbm>> -> memref<500288x128xf32, #tpu.memory_space<hbm>>
        %dma_start3A_1007 = tpu.memref_slice %arg10[%rem3A_648] : memref<3x!tpu.dma_semaphore, #tpu.memory_space<semaphore_mem>> -> memref<1x!tpu.dma_semaphore, #tpu.memory_space<semaphore_mem>>
        %dma_start3A_1008 = tpu.memref_squeeze %dma_start3A_1007 : memref<1x!tpu.dma_semaphore, #tpu.memory_space<semaphore_mem>> -> memref<!tpu.dma_semaphore, #tpu.memory_space<semaphore_mem>>
        tpu.enqueue_indirect_dma source(%dma_start3A_1006 : memref<500288x128xf32, #tpu.memory_space<hbm>>) target(%dma_start3A_1000 : memref<128x128xf32, #tpu.memory_space<vmem>>) offsets(%dma_start3A_1003 : memref<128xi32, #tpu.memory_space<vmem>>) semaphore(%dma_start3A_1008 : memref<!tpu.dma_semaphore, #tpu.memory_space<semaphore_mem>>)
      } else {
      }
    }
    %scan3A_582 = arith.constant 200 : i32
    %dma_wait3A_583 = arith.constant 0 : i32
    %dma_wait3A_584 = arith.constant 0 : i32
    %dma_wait3A_585 = arith.constant 0 : i32
    %dma_wait3A_586 = arith.constant 0 : i32
    %dma_wait3A_587 = arith.constant 0 : i32
    %dma_wait3A_588 = tpu.memref_slice %arg8[%dma_wait3A_583, %dma_wait3A_586, %dma_wait3A_587] : memref<3x64x129xf32, #tpu.memory_space<vmem>> -> memref<1x64x128xf32, #tpu.memory_space<vmem>>
    %dma_wait3A_589 = tpu.memref_squeeze %dma_wait3A_588 : memref<1x64x128xf32, #tpu.memory_space<vmem>> -> memref<64x128xf32, #tpu.memory_space<vmem>>
    %dma_wait3A_590 = arith.constant 0 : i32
    %dma_wait3A_591 = arith.constant 0 : i32
    %dma_wait3A_592 = tpu.memref_slice %arg4[%dma_wait3A_584, %dma_wait3A_590, %dma_wait3A_591] : memref<50x64x16384xf32, #tpu.memory_space<hbm>> -> memref<1x64x128xf32, #tpu.memory_space<hbm>>
    %dma_wait3A_593 = tpu.memref_squeeze %dma_wait3A_592 : memref<1x64x128xf32, #tpu.memory_space<hbm>> -> memref<64x128xf32, #tpu.memory_space<hbm>>
    %dma_wait3A_594 = tpu.memref_slice %arg11[%dma_wait3A_585] : memref<3x!tpu.dma_semaphore, #tpu.memory_space<semaphore_mem>> -> memref<1x!tpu.dma_semaphore, #tpu.memory_space<semaphore_mem>>
    %dma_wait3A_595 = tpu.memref_squeeze %dma_wait3A_594 : memref<1x!tpu.dma_semaphore, #tpu.memory_space<semaphore_mem>> -> memref<!tpu.dma_semaphore, #tpu.memory_space<semaphore_mem>>
    %dma_wait3A_596 = arith.constant 0 : i32
    %dma_wait3A_597 = arith.constant 0 : i32
    %dma_wait3A_598 = tpu.memref_slice %arg4[%dma_wait3A_584, %dma_wait3A_596, %dma_wait3A_597] : memref<50x64x16384xf32, #tpu.memory_space<hbm>> -> memref<1x64x128xf32, #tpu.memory_space<hbm>>
    %dma_wait3A_599 = tpu.memref_squeeze %dma_wait3A_598 : memref<1x64x128xf32, #tpu.memory_space<hbm>> -> memref<64x128xf32, #tpu.memory_space<hbm>>
    %dma_wait3A_600 = arith.constant 0 : i32
    %dma_wait3A_601 = arith.constant 0 : i32
    %dma_wait3A_602 = tpu.memref_slice %arg8[%dma_wait3A_583, %dma_wait3A_600, %dma_wait3A_601] : memref<3x64x129xf32, #tpu.memory_space<vmem>> -> memref<1x64x128xf32, #tpu.memory_space<vmem>>
    %dma_wait3A_603 = tpu.memref_squeeze %dma_wait3A_602 : memref<1x64x128xf32, #tpu.memory_space<vmem>> -> memref<64x128xf32, #tpu.memory_space<vmem>>
    tpu.wait_dma2 semaphore(%dma_wait3A_595 : memref<!tpu.dma_semaphore, #tpu.memory_space<semaphore_mem>>) src(%dma_wait3A_603 : memref<64x128xf32, #tpu.memory_space<vmem>>) dst(%dma_wait3A_599 : memref<64x128xf32, #tpu.memory_space<hbm>>)
    %dma_wait3A_604 = arith.constant 1 : i32
    %dma_wait3A_605 = arith.constant 0 : i32
    %dma_wait3A_606 = arith.constant 1 : i32
    %dma_wait3A_607 = arith.constant 0 : i32
    %dma_wait3A_608 = arith.constant 0 : i32
    %dma_wait3A_609 = tpu.memref_slice %arg8[%dma_wait3A_604, %dma_wait3A_607, %dma_wait3A_608] : memref<3x64x129xf32, #tpu.memory_space<vmem>> -> memref<1x64x128xf32, #tpu.memory_space<vmem>>
    %dma_wait3A_610 = tpu.memref_squeeze %dma_wait3A_609 : memref<1x64x128xf32, #tpu.memory_space<vmem>> -> memref<64x128xf32, #tpu.memory_space<vmem>>
    %dma_wait3A_611 = arith.constant 0 : i32
    %dma_wait3A_612 = arith.constant 0 : i32
    %dma_wait3A_613 = tpu.memref_slice %arg4[%dma_wait3A_605, %dma_wait3A_611, %dma_wait3A_612] : memref<50x64x16384xf32, #tpu.memory_space<hbm>> -> memref<1x64x128xf32, #tpu.memory_space<hbm>>
    %dma_wait3A_614 = tpu.memref_squeeze %dma_wait3A_613 : memref<1x64x128xf32, #tpu.memory_space<hbm>> -> memref<64x128xf32, #tpu.memory_space<hbm>>
    %dma_wait3A_615 = tpu.memref_slice %arg11[%dma_wait3A_606] : memref<3x!tpu.dma_semaphore, #tpu.memory_space<semaphore_mem>> -> memref<1x!tpu.dma_semaphore, #tpu.memory_space<semaphore_mem>>
    %dma_wait3A_616 = tpu.memref_squeeze %dma_wait3A_615 : memref<1x!tpu.dma_semaphore, #tpu.memory_space<semaphore_mem>> -> memref<!tpu.dma_semaphore, #tpu.memory_space<semaphore_mem>>
    %dma_wait3A_617 = arith.constant 0 : i32
    %dma_wait3A_618 = arith.constant 0 : i32
    %dma_wait3A_619 = tpu.memref_slice %arg4[%dma_wait3A_605, %dma_wait3A_617, %dma_wait3A_618] : memref<50x64x16384xf32, #tpu.memory_space<hbm>> -> memref<1x64x128xf32, #tpu.memory_space<hbm>>
    %dma_wait3A_620 = tpu.memref_squeeze %dma_wait3A_619 : memref<1x64x128xf32, #tpu.memory_space<hbm>> -> memref<64x128xf32, #tpu.memory_space<hbm>>
    %dma_wait3A_621 = arith.constant 0 : i32
    %dma_wait3A_622 = arith.constant 0 : i32
    %dma_wait3A_623 = tpu.memref_slice %arg8[%dma_wait3A_604, %dma_wait3A_621, %dma_wait3A_622] : memref<3x64x129xf32, #tpu.memory_space<vmem>> -> memref<1x64x128xf32, #tpu.memory_space<vmem>>
    %dma_wait3A_624 = tpu.memref_squeeze %dma_wait3A_623 : memref<1x64x128xf32, #tpu.memory_space<vmem>> -> memref<64x128xf32, #tpu.memory_space<vmem>>
    tpu.wait_dma2 semaphore(%dma_wait3A_616 : memref<!tpu.dma_semaphore, #tpu.memory_space<semaphore_mem>>) src(%dma_wait3A_624 : memref<64x128xf32, #tpu.memory_space<vmem>>) dst(%dma_wait3A_620 : memref<64x128xf32, #tpu.memory_space<hbm>>)
    %dma_wait3A_625 = arith.constant 2 : i32
    %dma_wait3A_626 = arith.constant 0 : i32
    %dma_wait3A_627 = arith.constant 2 : i32
    %dma_wait3A_628 = arith.constant 0 : i32
    %dma_wait3A_629 = arith.constant 0 : i32
    %dma_wait3A_630 = tpu.memref_slice %arg8[%dma_wait3A_625, %dma_wait3A_628, %dma_wait3A_629] : memref<3x64x129xf32, #tpu.memory_space<vmem>> -> memref<1x64x128xf32, #tpu.memory_space<vmem>>
    %dma_wait3A_631 = tpu.memref_squeeze %dma_wait3A_630 : memref<1x64x128xf32, #tpu.memory_space<vmem>> -> memref<64x128xf32, #tpu.memory_space<vmem>>
    %dma_wait3A_632 = arith.constant 0 : i32
    %dma_wait3A_633 = arith.constant 0 : i32
    %dma_wait3A_634 = tpu.memref_slice %arg4[%dma_wait3A_626, %dma_wait3A_632, %dma_wait3A_633] : memref<50x64x16384xf32, #tpu.memory_space<hbm>> -> memref<1x64x128xf32, #tpu.memory_space<hbm>>
    %dma_wait3A_635 = tpu.memref_squeeze %dma_wait3A_634 : memref<1x64x128xf32, #tpu.memory_space<hbm>> -> memref<64x128xf32, #tpu.memory_space<hbm>>
    %dma_wait3A_636 = tpu.memref_slice %arg11[%dma_wait3A_627] : memref<3x!tpu.dma_semaphore, #tpu.memory_space<semaphore_mem>> -> memref<1x!tpu.dma_semaphore, #tpu.memory_space<semaphore_mem>>
    %dma_wait3A_637 = tpu.memref_squeeze %dma_wait3A_636 : memref<1x!tpu.dma_semaphore, #tpu.memory_space<semaphore_mem>> -> memref<!tpu.dma_semaphore, #tpu.memory_space<semaphore_mem>>
    %dma_wait3A_638 = arith.constant 0 : i32
    %dma_wait3A_639 = arith.constant 0 : i32
    %dma_wait3A_640 = tpu.memref_slice %arg4[%dma_wait3A_626, %dma_wait3A_638, %dma_wait3A_639] : memref<50x64x16384xf32, #tpu.memory_space<hbm>> -> memref<1x64x128xf32, #tpu.memory_space<hbm>>
    %dma_wait3A_641 = tpu.memref_squeeze %dma_wait3A_640 : memref<1x64x128xf32, #tpu.memory_space<hbm>> -> memref<64x128xf32, #tpu.memory_space<hbm>>
    %dma_wait3A_642 = arith.constant 0 : i32
    %dma_wait3A_643 = arith.constant 0 : i32
    %dma_wait3A_644 = tpu.memref_slice %arg8[%dma_wait3A_625, %dma_wait3A_642, %dma_wait3A_643] : memref<3x64x129xf32, #tpu.memory_space<vmem>> -> memref<1x64x128xf32, #tpu.memory_space<vmem>>
    %dma_wait3A_645 = tpu.memref_squeeze %dma_wait3A_644 : memref<1x64x128xf32, #tpu.memory_space<vmem>> -> memref<64x128xf32, #tpu.memory_space<vmem>>
    tpu.wait_dma2 semaphore(%dma_wait3A_637 : memref<!tpu.dma_semaphore, #tpu.memory_space<semaphore_mem>>) src(%dma_wait3A_645 : memref<64x128xf32, #tpu.memory_space<vmem>>) dst(%dma_wait3A_641 : memref<64x128xf32, #tpu.memory_space<hbm>>)
    return
  }
}

module attributes {stable_mosaic.version = 14 : i64} {
  func.func @body(%arg0: i32, %arg1: memref<64x2048xf32, #tpu.memory_space<vmem>>, %arg2: memref<64x2048xf32, #tpu.memory_space<vmem>>, %arg3: memref<2048x128xf32, #tpu.memory_space<vmem>>) attributes {dimension_semantics = [#tpu.dimension_semantics<arbitrary>], iteration_bounds = array<i64: 245>, scalar_prefetch = 0 : i64, scratch_operands = 0 : i64, tpu.core_type = #tpu.core_type<tc>, window_params = [{transform_indices = @transform_0, window_bounds = array<i64: 64, 2048>}, {transform_indices = @transform_1, window_bounds = array<i64: 64, 2048>}, {transform_indices = @transform_2, window_bounds = array<i64: 2048, 128>}]} {
    %get3A = arith.constant 0 : index
    %get3A_0 = arith.constant 0 : index
    %get3A_1 = vector.load %arg1[%get3A, %get3A_0] : memref<64x2048xf32, #tpu.memory_space<vmem>>, vector<64x2048xf32>
    %transpose3A = tpu.transpose %get3A_1, [1, 0] : vector<64x2048xf32> -> vector<2048x64xf32>
    %get3A_2 = arith.constant 0 : index
    %get3A_3 = arith.constant 0 : index
    %get3A_4 = vector.load %arg2[%get3A_2, %get3A_3] : memref<64x2048xf32, #tpu.memory_space<vmem>>, vector<64x2048xf32>
    %transpose3A_5 = tpu.transpose %get3A_4, [1, 0] : vector<64x2048xf32> -> vector<2048x64xf32>
    %concatenate3A = tpu.concatenate %transpose3A, %transpose3A_5 in 1 : vector<2048x64xf32>, vector<2048x64xf32> -> vector<2048x128xf32>
    %swap3A = arith.constant 0 : index
    %swap3A_6 = arith.constant 0 : index
    %swap3A_7 = vector.load %arg3[%swap3A, %swap3A_6] : memref<2048x128xf32, #tpu.memory_space<vmem>>, vector<2048x128xf32>
    tpu.vector_store %arg3[%swap3A, %swap3A_6], %concatenate3A {strides = array<i32>} : memref<2048x128xf32, #tpu.memory_space<vmem>>, vector<2048x128xf32>,
    return
  }
  func.func @transform_0(%arg0: i32) -> (i32, i32) {
    %c0_i32 = arith.constant 0 : i32
    %c0_i32_0 = arith.constant 0 : i32
    return %c0_i32, %arg0 : i32, i32
  }
  func.func @transform_1(%arg0: i32) -> (i32, i32) {
    %add3A = arith.constant 244 : i32
    %add3A_0 = arith.addi %arg0, %add3A : i32
    %c0_i32 = arith.constant 0 : i32
    %c0_i32_1 = arith.constant 0 : i32
    return %c0_i32, %add3A_0 : i32, i32
  }
  func.func @transform_2(%arg0: i32) -> (i32, i32) {
    %c0_i32 = arith.constant 0 : i32
    %c0_i32_0 = arith.constant 0 : i32
    return %arg0, %c0_i32 : i32, i32
  }
}

</mosaic_0001>

<sc_bundles>
// kernel: kernel.4.cloned.1.call-start
scs
__scs_entry_jumppad:
0x0: {  	(pc) =	sbr.rel $0x88, $3  }
0x1: {  	(tag) =	ssettag $0x0;
	lr =	simm.s32 $0x1  }
0x2: {  	[smem:$0x3F9F] =	sst lr;
	_ =	strace $0xD0000000  }
0x3: {  	_ = 	snop  }
0x4: {  	_ = 	snop  }
0x5: {  	_ = 	snop  }
0x6: {  	_ = 	snop  }
0x7: {  	_ = 	snop  }
__scs_overlays_trampoline_lowered:
0x8: {  	[smem:$0x3FAE] =	sst s0  }
0x9: {  	[smem:$0x3FAF] =	sst s1  }
0xa: {  	[smem:$0x3FB0] =	sst s2  }
0xb: {  	[smem:$0x3FB1] =	sst s3  }
0xc: {  	[smem:$0x3FB2] =	sst s4  }
0xd: {  	[smem:$0x3FB3] =	sst s5  }
0xe: {  	[smem:$0x3FB4] =	sst s6  }
0xf: {  	[smem:$0x3FB5] =	sst s7  }
0x10: {  	[smem:$0x3FB6] =	sst s8  }
0x11: {  	[smem:$0x3FB7] =	sst s9;
	s0 =	simm.s32 @!p0 $0x0  }
0x12: {  	s1 =	sld [smem:$0x3F9D];
	s0 =	simm.s32 @p0 $0x1  }
0x13: {  	[smem:$0x3FB8] =	sst s0;
	s0 =	simm.s32 @!p1 $0x0  }
0x14: {  	s2 =	sld [smem:$0x3F9C];
	s0 =	simm.s32 @p1 $0x1  }
0x15: {  	[smem:$0x3FB9] =	sst s0;
	s0 =	simm.s32 @!p2 $0x0  }
0x16: {  	s3 =	sld [smem:$0x3FDB];
	s0 =	simm.s32 @p2 $0x1  }
0x17: {  	s4 =	simm.s32 $0x1BF5;
	[smem:$0x3FBB] =	sst s0  }
0x18: {  	s0 =	sld [smem:$0x3F9E];
	_ =	swait.ge [sflag:s4], $0x0  }
0x19: {  	s7 =	sld [smem:$0x3F9F]  }
0x1a: {  	s8 =	sadd.s32 $0xFFFFE003, lr  }
0x1b: {  	s9 =	sadd.s32 $0xFFFFFEF7, lr;
	s5 =	simm.s32 $0xFFFFFFFF;
	p2 =	slt.u32 s8, $0xFFFFF086  }
0x1c: {  	p1 =	slt.u32 s9, $0xF7A;
	s5 =	simm.s32 @!p2 $0x0  }
0x1d: {  	s5 =	simm.s32 @p1 $0x1;
	p0 =	seq.s32 s7, s2  }
0x1e: {  	s7 =	smul.u32 @!p0 $0xF7A, s2;
	p2 =	seq.s32 @!p0 s5, $0x0  }
0x1f: {  	s9 =	smul.u32 $0xF7A, s1;
	s8 =	simm.s32 @!p0 $0x1BF5;
	p2 =	por !p2, p0  }
0x20: {  	[sflag:s8] =	ssyncset.s32 @!p0 $0xFFFFF086;
	s6 =	sadd.s32 @!p0 s3, s7;
	s7 =	simm.s32 @!p0 $0x108  }
0x21: {  	s3 =	sadd.s32 s3, s9;
	s6 =	sadd.s32 @!p0 $0x88, s6;
	s7 =	simm.s32 @p2 $0x1082  }
0x22: {  	[simem:s7], [sflag:s8] =	dma.local @!p0 [hbm:s6], $0xF7A  }
0x23: {  	s9 =	sor.u32 $0xD0000000, s2;
	s6 =	simm.s32 $0x108;
	_ =	swait.ge @!p0 [sflag:s8], $0x0  }
0x24: {  	s3 =	sadd.s32 $0x88, s3;
	s6 =	simm.s32 @!p1 $0x1082;
	[sflag:s4] =	ssyncset.s32 $0xFFFFF086  }
0x25: {  	[simem:s6], [sflag:s4] =	dma.local [hbm:s3], $0xF7A  }
0x26: {  	[smem:$0x3F9F] =	sst s1;
	(tag) =	ssettag s2;
	_ =	strace s9  }
0x27: {  	s1 =	sld [smem:$0x3FAF]  }
0x28: {  	s2 =	sld [smem:$0x3FB0]  }
0x29: {  	s4 =	sld [smem:$0x3FB2]  }
0x2a: {  	p0 =	seq.s32 s5, $0x0;
	s5 =	sld [smem:$0x3FB3]  }
0x2b: {  	s6 =	sld [smem:$0x3FB4]  }
0x2c: {  	s7 =	sld [smem:$0x3FB5]  }
0x2d: {  	s3 =	simm.s32 $0x108;
	s8 =	sld [smem:$0x3FB6]  }
0x2e: {  	s3 =	simm.s32 @!p0 $0x1082;
	s9 =	sld [smem:$0x3FB7]  }
0x2f: {  	lr =	sadd.s32 s0, s3;
	s0 =	sld [smem:$0x3FAE]  }
0x30: {  	s3 =	sld [smem:$0x3FB1]  }
0x31: {  	[smem:$0x3FBA] =	sst s10  }
0x32: {  	s10 =	sld [smem:$0x3FB8];
	_ =	sdelay $0x3  }
0x33: {  	p0 =	seq.s32 s10, $0x1;
	s10 =	sld [smem:$0x3FBA];
	_ =	sdelay $0x3  }
0x34: {  	[smem:$0x3FBA] =	sst s10  }
0x35: {  	s10 =	sld [smem:$0x3FB9];
	_ =	sdelay $0x3  }
0x36: {  	p1 =	seq.s32 s10, $0x1;
	s10 =	sld [smem:$0x3FBA];
	_ =	sdelay $0x3  }
0x37: {  	[smem:$0x3FBA] =	sst s10  }
0x38: {  	s10 =	sld [smem:$0x3FBB]  }
0x39: {  	_ = 	snop;
	(pc) =	sbr.ind lr, $3  }
0x3a: {  	_ = 	snop  }
0x3b: {  	_ = 	snop  }
0x3c: {  	p2 =	seq.s32 s10, $0x1;
	s10 =	sld [smem:$0x3FBA]  }
0x3d: {  	_ =	shalt  }
0x3e: {  	_ =	shalt  }
0x3f: {  	_ =	shalt  }
0x40: {  	_ =	shalt  }
0x41: {  	_ =	shalt  }
0x42: {  	_ =	shalt  }
0x43: {  	_ =	shalt  }
0x44: {  	_ =	shalt  }
0x45: {  	_ =	shalt  }
0x46: {  	_ =	shalt  }
0x47: {  	_ =	shalt  }
0x48: {  	_ =	shalt  }
0x49: {  	_ =	shalt  }
0x4a: {  	_ =	shalt  }
0x4b: {  	_ =	shalt  }
0x4c: {  	_ =	shalt  }
0x4d: {  	_ =	shalt  }
0x4e: {  	_ =	shalt  }
0x4f: {  	_ =	shalt  }
0x50: {  	_ =	shalt  }
0x51: {  	_ =	shalt  }
0x52: {  	_ =	shalt  }
0x53: {  	_ =	shalt  }
0x54: {  	_ =	shalt  }
0x55: {  	_ =	shalt  }
0x56: {  	_ =	shalt  }
0x57: {  	_ =	shalt  }
0x58: {  	_ =	shalt  }
0x59: {  	_ =	shalt  }
0x5a: {  	_ =	shalt  }
0x5b: {  	_ =	shalt  }
0x5c: {  	_ =	shalt  }
0x5d: {  	_ =	shalt  }
0x5e: {  	_ =	shalt  }
0x5f: {  	_ =	shalt  }
0x60: {  	_ =	shalt  }
0x61: {  	_ =	shalt  }
0x62: {  	_ =	shalt  }
0x63: {  	_ =	shalt  }
0x64: {  	_ =	shalt  }
0x65: {  	_ =	shalt  }
0x66: {  	_ =	shalt  }
0x67: {  	_ =	shalt  }
0x68: {  	_ =	shalt  }
0x69: {  	_ =	shalt  }
0x6a: {  	_ =	shalt  }
0x6b: {  	_ =	shalt  }
0x6c: {  	_ =	shalt  }
0x6d: {  	_ =	shalt  }
0x6e: {  	_ =	shalt  }
0x6f: {  	_ =	shalt  }
0x70: {  	_ =	shalt  }
0x71: {  	_ =	shalt  }
0x72: {  	_ =	shalt  }
0x73: {  	_ =	shalt  }
0x74: {  	_ =	shalt  }
0x75: {  	_ =	shalt  }
0x76: {  	_ =	shalt  }
0x77: {  	_ =	shalt  }
0x78: {  	_ =	shalt  }
0x79: {  	_ =	shalt  }
0x7a: {  	_ =	shalt  }
0x7b: {  	_ =	shalt  }
0x7c: {  	_ =	shalt  }
0x7d: {  	_ =	shalt  }
0x7e: {  	_ =	shalt  }
0x7f: {  	_ =	shalt  }
0x80: {  	_ =	shalt  }
0x81: {  	_ =	shalt  }
0x82: {  	_ =	shalt  }
0x83: {  	_ =	shalt  }
0x84: {  	_ =	shalt  }
0x85: {  	_ =	shalt  }
0x86: {  	_ =	shalt  }
0x87: {  	_ =	shalt  }
.Lfunc_end0:
.L_simem_size_0:
called_computation_lowered:
.L_overlay_start_0:
0x88: {  	s2 =	sld [smem:$0x3FD9]  }
0x89: {  	s3 =	sld [smem:$0x3FFE];
	_ =	sdelay $0x1  }
0x8a: {  	s1 =	srdreg.scid  }
0x8b: {  	s0 =	sand.u32 $0x1, s1  }
0x8c: {  	s17 =	sshll.u32 s0, $0xA;
	s2 =	sadd.s32 s3, s2  }
0x8d: {  	s2 =	sadd.s32 s2, s17  }
0x8e: {  	[smem:$0x3FC6] =	sst s2  }
0x8f: {  	_ = 	snop  }
0x90: {  	s2 =	sld [smem:$0x3FC9]  }
0x91: {  	s18 =	sld [smem:$0x3FD0];
	(tm) =	ssettm $0x1  }
0x92: {  	s4 =	sld [smem:$0x3FFB];
	_ =	sdelay $0x3  }
0x93: {  	_ =	strace s4  }
0x94: {  	s4 =	sld [smem:$0x3FFC];
	_ =	sdelay $0x3  }
0x95: {  	_ =	strace s4  }
0x96: {  	s4 =	sld [smem:$0x3FFD];
	_ =	sdelay $0x3  }
0x97: {  	_ =	strace s4  }
0x98: {  	_ =	strace $0x8FFFFFFF  }
0x99: {  	s19 =	sld [smem:$0x3FDB];
	_ =	sdelay $0x1  }
0x9a: {  	s5 =	simm.s32 $_scs_section_size  }
0x9b: {  	s6 =	simm.s32 $_size__tile_overlayer_lowered;
	s7 =	simm.s32 $_tile_overlayer_lowered  }
0x9c: {  	s22 =	simm.s32 $0x1BFF;
	s21 =	sshll.u32 s7, $0x1;
	s4 =	sadd.s32 s5, s19  }
0x9d: {  	s8 =	simm.s32 $0x0;
	s20 =	sshll.u32 s6, $0x1;
	s6 =	sadd.s32 s21, s4  }
0x9e: {  	[timem:s8], [sflag:s22] =	dma.local [hbm:s6], s20  }
0x9f: {  	_ =	swait.ge [sflag:s22], s20  }
0xa0: {  	s5 =	ssub.s32 $0x0, s20;
	[sflag:s22] =	ssyncset.done $0x0  }
0xa1: {  	[sflag:s22] =	ssyncadd.s32 s5;
	_ =	sdelay $0x1  }
0xa2: {  	s23 =	simm.s32 $0x1B8B  }
0xa3: {  	_ =	swait.ge [sflag:s23], $0x1  }
0xa4: {  	[sflag:s23] =	ssyncset.done $0x0  }
0xa5: {  	s25 =	simm.s32 $0x1B8E;
	s24 =	sld [smem:$0x3FFE];
	[sflag:s23] =	ssyncadd.s32 $0xFFFFFFFF  }
0xa6: {  	s26 =	simm.s32 $execute0_lowered;
	[smem:$0x3FD2] =	sst s25  }
0xa7: {  	s6 =	sshll.u32 s26, $0x1;
	_ =	strace $0x80000046;
	[dreg:$0x1] =	wrdreg $0xFFFFFFFF  }
0xa8: {  	s28 =	simm.s32 $_size_execute0_lowered;
	s4 =	sadd.s32 s4, s6;
	[dreg:$0x0] =	wrdreg $0x0  }
0xa9: {  	s6 =	sshll.u32 s28, $0x1;
	[dreg:$0x2] =	wrdreg s4  }
0xaa: {  	[dreg:$0x3] =	wrdreg s6  }
0xab: {  	[dreg:$0x4] =	wrdreg $0xC0  }
0xac: {  	_ =	task [dreg:s8], $0x5FFFF  }
0xad: {  	[dreg:$0x1] =	wrdreg $0xFFFFFFFF  }
0xae: {  	[dreg:$0x0] =	wrdreg $0x60  }
0xaf: {  	[dreg:$0x2] =	wrdreg s2  }
0xb0: {  	[dreg:$0x3] =	wrdreg s24  }
0xb1: {  	[dreg:$0x4] =	wrdreg s18  }
0xb2: {  	[dreg:$0x5] =	wrdreg $0x9  }
0xb3: {  	_ =	task.clear_ibuf [dreg:s8], $0x6FFFF;
	_ =	strace $0x90000046  }
0xb4: {  	s29 =	simm.s32 $0x9;
	_ =	strace $0x80000048  }
0xb5: {  	_ =	swait.ge [sflag:s29], $0x1  }
0xb6: {  	[sflag:s29] =	ssyncadd.s32 $0xFFFFFFFF  }
0xb7: {  	_ =	strace $0x90000048  }
0xb8: {  	_ =	sfence  }
0xb9: {  	s30 =	sld [smem:$0x0];
	_ =	sdelay $0x2  }
0xba: {  	s31 =	sshll.u32 s1, $0xD;
	s1 =	sshrl.u32 s1, $0x2  }
0xbb: {  	s3 =	sand.u32 $0x4000, s31;
	s1 =	sadd.s32 s1, s30  }
0xbc: {  	s0 =	sor.u32 s3, s0;
	s1 =	sshll.u32 s1, $0x11  }
0xbd: {  	s0 =	sor.u32 s1, s0  }
0xbe: {  	s0 =	sadd.s32 $0x8F2B, s0  }
0xbf: {  	[sflag:s0] =	ssyncadd.remote.s32 $0x1  }
0xc0: {  	_ =	sfence.sel $0xFFFF  }
0xc1: {  	[dreg:$0x0] =	wrdreg $0xFFFFFFFF;
	(pc) =	sbr.abs _section_cstart, $3  }
0xc2: {  	[dreg:$0x1] =	wrdreg $0xFFFFFFFF  }
0xc3: {  	_ =	task.clear_ibuf [dreg:s8], $0x2FFFF;
	_ =	strace $0x9FFFFFFF  }
0xc4: {  	(tm) =	ssettm $0x7FFFFFFF  }
0xc5: {  	_ =	shalt  }
tec
execute0_lowered:
.L_overlay_start_1:
0x0: {  	(tag) =	ssettag $0x1  }
0x1: {  	s0 =	srdreg.scid;
	s1 =	stileid.u32  }
0x2: {  	s0 =	sand.u32 $0x1, s0;
	s1 =	sshll.u32 s1, $0x1  }
0x3: {  	s5 =	rddreg [dreg:$0x0];
	s1 =	sor.u32 s0, s1  }
0x4: {  	s3 =	rddreg [dreg:$0x1];
	s28 =	simm.s32 $0x0;
	s2 =	smul.u32 $0x6400, s1  }
0x5: {  	[smem:$0x7FF] =	sst s28;
	s4 =	smul.u32 $0x12000, s1  }
0x6: {  	s3 =	sadd.s32 $0x400, s3;
	s0 =	ssub.s32 $0x2, s0;
	s6 =	smul.u32 $0xC8, s1  }
0x7: {  	v0 =	vlaneseq.u32;
	s30 =	sshrl.u32 s0, $0x1;
	s25 =	sand.u32 $0xE0000, s2;
	s26 =	sand.u32 $0x1E000, s4  }
0x8: {  	v0 =	vmul.u32 $0x80, v0;
	s0 =	ssub.s32 s0, s30;
	s29 =	sand.u32 $0x380, s6;
	s1 =	sor.u32 s26, s25  }
0x9: {  	[dreg:$0x4] =	wrdreg s6;
	s0 =	smax.u32 s0, $0x1;
	s1 =	sor.u32 s29, s1  }
0xa: {  	v1 =	vor.u32 $0x40, v0;
	v2 =	vor.u32 $0x800, v0;
	v3 =	vor.u32 $0x840, v0;
	_ =	strace $0x80000047;
	[dreg:$0x5] =	wrdreg s3;
	s1 =	sshrl.u32 s1, $0x3  }
0xb: {  	v4 =	vor.u32 $0x1000, v0;
	v5 =	vor.u32 $0x1040, v0;
	v6 =	vor.u32 $0x1800, v0;
	[dreg:$0x9] =	wrdreg s0;
	s1 =	sadd.s32 s5, s1  }
0xc: {  	v7 =	vor.u32 $0x1840, v0;
	v8 =	vor.u32 $0x2000, v0;
	v9 =	vor.u32 $0x2040, v0;
	s31 =	sadd.s32 $0x80, s1;
	[dreg:$0x6] =	wrdreg s1  }
0xd: {  	v10 =	vor.u32 $0x2800, v0;
	v11 =	vor.u32 $0x2840, v0;
	v12 =	vor.u32 $0x3000, v0;
	s1 =	sadd.s32 $0x100, s1;
	[dreg:$0x7] =	wrdreg s31  }
0xe: {  	v13 =	vor.u32 $0x3040, v0;
	v14 =	vor.u32 $0x3800, v0;
	v15 =	vor.u32 $0x3840, v0;
	s2 =	simm.s32 $0x0;
	[dreg:$0x8] =	wrdreg s1  }
.LBB2_1:
0xf: {  	[dreg:$0xa] =	wrdreg s2  }
0x10: {  	s0 =	simm.s32 $0x0;
	s1 =	rddreg [dreg:$0x6]  }
0x11: {  	[tilespmem:s0], [sflag:$0x1] =	stream.linear.gather [hbm4b:s1+s0], $0x80, $0x38;
	[tilespmem:$0x18400] =	vst v63  }
0x12: {  	s17 =	rddreg [dreg:$0x7];
	s18 =	simm.s32 $0x80  }
0x13: {  	[tilespmem:s18], [sflag:$0x2] =	stream.linear.gather [hbm4b:s17+s0], $0x80, $0x38;
	[tilespmem:$0x18400] =	vst v63  }
0x14: {  	s19 =	rddreg [dreg:$0x8];
	s3 =	simm.s32 $0x100;
	s20 =	simm.s32 $0x1  }
0x15: {  	[tilespmem:s3], [sflag:$0x3] =	stream.linear.gather [hbm4b:s19+s0], $0x80, $0x38;
	[tilespmem:$0x18400] =	vst v63  }
0x16: {  	_ =	swait.ge [sflag:s20], $0x80  }
0x17: {  	[sflag:s20] =	ssyncset.done $0x0  }
0x18: {  	[sflag:s20] =	ssyncadd.s32 $0xFFFFFF80  }
0x19: {  	v16 =	vld [tilespmem:$0x0]  }
0x1a: {  	v17 =	vld [tilespmem:$0x10]  }
0x1b: {  	v18 =	vld [tilespmem:$0x20]  }
0x1c: {  	v19 =	vld [tilespmem:$0x30]  }
0x1d: {  	v20 =	vld [tilespmem:$0x40]  }
0x1e: {  	v22 =	vld [tilespmem:$0x50];
	vm0 =	vgt.s32 v16, $0x79FFF;
	v21 =	vadd.s32 $0xFFF86000, v16  }
0x1f: {  	v23 =	vld [tilespmem:$0x60];
	vm5 =	vgt.s32 v17, $0x79FFF;
	v46 =	vadd.s32 $0xFFF86000, v17;
	v16 =	vsel vm0, v21, v16  }
0x20: {  	v47 =	vld [tilespmem:$0x70];
	vm6 =	vgt.s32 v18, $0x79FFF;
	[tilespmem:$0x200] =	vst v16;
	v16 =	vsel vm5, v46, v17;
	v17 =	vadd.s32 $0xFFF86000, v18  }
0x21: {  	vm7 =	vgt.s32 v19, $0x79FFF;
	[tilespmem:$0x210] =	vst v16;
	v16 =	vsel vm6, v17, v18;
	v17 =	vadd.s32 $0xFFF86000, v19  }
0x22: {  	vm8 =	vgt.s32 v20, $0x79FFF;
	[tilespmem:$0x220] =	vst v16;
	v16 =	vsel vm7, v17, v19;
	v17 =	vadd.s32 $0xFFF86000, v20  }
0x23: {  	vm9 =	vgt.s32 v22, $0x79FFF;
	[tilespmem:$0x230] =	vst v16;
	v16 =	vsel vm8, v17, v20;
	v17 =	vadd.s32 $0xFFF86000, v22  }
0x24: {  	vm10 =	vgt.s32 v23, $0x79FFF;
	[tilespmem:$0x240] =	vst v16;
	v16 =	vsel vm9, v17, v22;
	v17 =	vadd.s32 $0xFFF86000, v23  }
0x25: {  	vm11 =	vgt.s32 v47, $0x79FFF;
	[tilespmem:$0x250] =	vst v16;
	v16 =	vsel vm10, v17, v23;
	v17 =	vadd.s32 $0xFFF86000, v47  }
0x26: {  	s22 =	simm.s32 $0x200;
	[tilespmem:$0x260] =	vst v16;
	v16 =	vsel vm11, v17, v47  }
0x27: {  	s23 =	simm.s32 $0x400;
	s24 =	simm.s32 $0x2;
	s21 =	rddreg [dreg:$0x5];
	[tilespmem:$0x270] =	vst v16  }
0x28: {  	[tilespmem:s23], [sflag:$0x4] =	stream.indirect.gather [hbm4b:s21+s18], $0x80, s22, s18, $0xb8;
	[tilespmem:$0x18400] =	vst v63  }
0x29: {  	_ =	swait.ge [sflag:s24], $0x80  }
0x2a: {  	[sflag:s24] =	ssyncset.done $0x0  }
0x2b: {  	[sflag:s24] =	ssyncadd.s32 $0xFFFFFF80  }
0x2c: {  	v16 =	vld [tilespmem:$0x80]  }
0x2d: {  	v17 =	vld [tilespmem:$0x90]  }
0x2e: {  	v48 =	vld [tilespmem:$0xA0]  }
0x2f: {  	v49 =	vld [tilespmem:$0xB0]  }
0x30: {  	v50 =	vld [tilespmem:$0xC0]  }
0x31: {  	v52 =	vld [tilespmem:$0xD0];
	vm12 =	vgt.s32 v16, $0x79FFF;
	v51 =	vadd.s32 $0xFFF86000, v16  }
0x32: {  	v54 =	vld [tilespmem:$0xE0];
	vm13 =	vgt.s32 v17, $0x79FFF;
	v53 =	vadd.s32 $0xFFF86000, v17;
	v16 =	vsel vm12, v51, v16  }
0x33: {  	v55 =	vld [tilespmem:$0xF0];
	vm14 =	vgt.s32 v48, $0x79FFF;
	[tilespmem:$0x280] =	vst v16;
	v16 =	vsel vm13, v53, v17;
	v17 =	vadd.s32 $0xFFF86000, v48  }
0x34: {  	vm15 =	vgt.s32 v49, $0x79FFF;
	[tilespmem:$0x290] =	vst v16;
	v16 =	vsel vm14, v17, v48;
	v17 =	vadd.s32 $0xFFF86000, v49  }
0x35: {  	vm4 =	vgt.s32 v50, $0x79FFF;
	[tilespmem:$0x2A0] =	vst v16;
	v16 =	vsel vm15, v17, v49;
	v17 =	vadd.s32 $0xFFF86000, v50  }
0x36: {  	vm5 =	vgt.s32 v52, $0x79FFF;
	[tilespmem:$0x2B0] =	vst v16;
	v16 =	vsel vm4, v17, v50;
	v17 =	vadd.s32 $0xFFF86000, v52  }
0x37: {  	vm6 =	vgt.s32 v54, $0x79FFF;
	[tilespmem:$0x2C0] =	vst v16;
	v16 =	vsel vm5, v17, v52;
	v17 =	vadd.s32 $0xFFF86000, v54  }
0x38: {  	vm7 =	vgt.s32 v55, $0x79FFF;
	[tilespmem:$0x2D0] =	vst v16;
	v16 =	vsel vm6, v17, v54;
	v17 =	vadd.s32 $0xFFF86000, v55  }
0x39: {  	[tilespmem:$0x2E0] =	vst v16;
	v16 =	vsel vm7, v17, v55  }
0x3a: {  	s25 =	simm.s32 $0x280;
	s26 =	simm.s32 $0x4400;
	s29 =	simm.s32 $0x3;
	[tilespmem:$0x2F0] =	vst v16  }
0x3b: {  	[tilespmem:s26], [sflag:$0x5] =	stream.indirect.gather [hbm4b:s21+s18], $0x80, s25, s18, $0xb8;
	[tilespmem:$0x18400] =	vst v63  }
0x3c: {  	_ =	swait.ge [sflag:s29], $0x80  }
0x3d: {  	[sflag:s29] =	ssyncset.done $0x0  }
0x3e: {  	[sflag:s29] =	ssyncadd.s32 $0xFFFFFF80  }
0x3f: {  	v16 =	vld [tilespmem:$0x100]  }
0x40: {  	v17 =	vld [tilespmem:$0x110]  }
0x41: {  	v56 =	vld [tilespmem:$0x120]  }
0x42: {  	v57 =	vld [tilespmem:$0x130]  }
0x43: {  	v58 =	vld [tilespmem:$0x140]  }
0x44: {  	v60 =	vld [tilespmem:$0x150];
	vm8 =	vgt.s32 v16, $0x79FFF;
	v59 =	vadd.s32 $0xFFF86000, v16  }
0x45: {  	v62 =	vld [tilespmem:$0x160];
	vm9 =	vgt.s32 v17, $0x79FFF;
	v61 =	vadd.s32 $0xFFF86000, v17;
	v16 =	vsel vm8, v59, v16  }
0x46: {  	v63 =	vld [tilespmem:$0x170];
	vm10 =	vgt.s32 v56, $0x79FFF;
	[tilespmem:$0x300] =	vst v16;
	v16 =	vsel vm9, v61, v17;
	v17 =	vadd.s32 $0xFFF86000, v56  }
0x47: {  	vm11 =	vgt.s32 v57, $0x79FFF;
	[tilespmem:$0x310] =	vst v16;
	v16 =	vsel vm10, v17, v56;
	v17 =	vadd.s32 $0xFFF86000, v57  }
0x48: {  	vm12 =	vgt.s32 v58, $0x79FFF;
	[tilespmem:$0x320] =	vst v16;
	v16 =	vsel vm11, v17, v57;
	v17 =	vadd.s32 $0xFFF86000, v58  }
0x49: {  	vm13 =	vgt.s32 v60, $0x79FFF;
	[tilespmem:$0x330] =	vst v16;
	v16 =	vsel vm12, v17, v58;
	v17 =	vadd.s32 $0xFFF86000, v60  }
0x4a: {  	vm14 =	vgt.s32 v62, $0x79FFF;
	[tilespmem:$0x340] =	vst v16;
	v16 =	vsel vm13, v17, v60;
	v17 =	vadd.s32 $0xFFF86000, v62  }
0x4b: {  	vm15 =	vgt.s32 v63, $0x79FFF;
	[tilespmem:$0x350] =	vst v16;
	v16 =	vsel vm14, v17, v62;
	v17 =	vadd.s32 $0xFFF86000, v63  }
0x4c: {  	s30 =	simm.s32 $0x300;
	[tilespmem:$0x360] =	vst v16;
	v16 =	vsel vm15, v17, v63  }
0x4d: {  	s31 =	simm.s32 $0x8400;
	s11 =	simm.s32 $0xC400;
	s28 =	simm.s32 $0x0;
	[tilespmem:$0x370] =	vst v16  }
0x4e: {  	[tilespmem:s31], [sflag:$0x6] =	stream.indirect.gather [hbm4b:s21+s18], $0x80, s30, s18, $0xb8;
	[tilespmem:$0x18400] =	vst v63  }
.LBB2_2:
0x4f: {  	s0 =	smul.u32 $0xAB, s28;
	_ =	sdelay $0x1  }
0x50: {  	s0 =	sshrl.u32 s0, $0x9  }
0x51: {  	s0 =	sand.u32 $0x7F, s0  }
0x52: {  	s0 =	smul.u32 $0x3, s0;
	_ =	sdelay $0x1  }
0x53: {  	s0 =	ssub.s32 s28, s0  }
0x54: {  	p0 =	slt.u32 s28, $0x3;
	s1 =	sand.u32 $0xFF, s0  }
0x55: {  	s0 =	sadd.s32 @!p0 $0x7, s1  }
0x56: {  	_ =	swait.ge @!p0 [sflag:s0], $0x2000  }
0x57: {  	[sflag:s0] =	ssyncset.done @!p0 $0x0  }
0x58: {  	s29 =	sadd.s32 $0x4, s1;
	[sflag:s0] =	ssyncadd.s32 @!p0 $0xFFFFE000  }
0x59: {  	_ =	swait.ge [sflag:s29], $0x4000  }
0x5a: {  	[sflag:s29] =	ssyncset.done $0x0  }
0x5b: {  	s30 =	sshll.u32 s1, $0x7;
	[sflag:s29] =	ssyncadd.s32 $0xFFFFC000  }
0x5c: {  	v16 =	vld [tilespmem:s30+$0x0];
	_ =	sdelay $0x4  }
0x5d: {  	v20 =	vld [tilespmem:s30+$0x20];
	vm0 =	vgt.s32 v16, $0x79FFF  }
0x5e: {  	s2 =	simm.s32 $0x0;
	v21 =	vld [tilespmem:s30+$0x30];
	v23 =	vsel vm0, v1, v0  }
0x5f: {  	s3 =	simm.s32 $0x1;
	v25 =	vld [tilespmem:s30+$0x40];
	v22 =	vor.u32 s2, v23  }
0x60: {  	s4 =	simm.s32 $0x2;
	v19 =	vld [tilespmem:s30+$0x50];
	v24 =	vor.u32 s3, v23  }
0x61: {  	s5 =	simm.s32 $0x3;
	v18 =	vld [tilespmem:s30+$0x60];
	v26 =	vor.u32 s4, v23  }
0x62: {  	s12 =	simm.s32 $0xF;
	s15 =	smulhi.u32 $0xAAAAAAAB, s28;
	s0 =	sshll.u32 s1, $0xE;
	v17 =	vld [tilespmem:s30+$0x70];
	v27 =	vor.u32 s5, v23  }
0x63: {  	s6 =	simm.s32 $0x4;
	s31 =	sor.u32 $0x400, s0;
	v16 =	vld [tilespmem:s30+$0x10];
	v33 =	vor.u32 s12, v23  }
0x64: {  	s9 =	simm.s32 $0x7;
	s16 =	sshrl.u32 s15, $0x1;
	v28 =	vor.u32 s6, v23;
	v29 =	vld.idx.msk [tilespmem:v22+s31+$0x0], $0xffff  }
0x65: {  	s10 =	simm.s32 $0x8;
	s18 =	smul.u32 $0xFFFD0000, s16;
	v31 =	vor.u32 s9, v23;
	v30 =	vld.idx.msk [tilespmem:v24+s31+$0x0], $0xffff  }
0x66: {  	s7 =	simm.s32 $0x5;
	v32 =	vor.u32 s10, v23;
	v26 =	vld.idx.msk [tilespmem:v26+s31+$0x0], $0xffff  }
0x67: {  	s8 =	simm.s32 $0x6;
	s19 =	sshra.s32 s18, $0x2;
	v22 =	vor.u32 s7, v23;
	v27 =	vld.idx.msk [tilespmem:v27+s31+$0x0], $0xffff  }
0x68: {  	s14 =	simm.s32 $0xA;
	vm9 =	vgt.s32 v16, $0x79FFF;
	v16 =	vmov s19;
	v24 =	vor.u32 s8, v23;
	v33 =	vld.idx.msk [tilespmem:v33+s31+$0x0], $0xffff  }
0x69: {  	s22 =	simm.s32 $0xB;
	v36 =	vor.u32 s14, v23;
	v28 =	vld.idx.msk [tilespmem:v28+s31+$0x0], $0xffff  }
0x6a: {  	s23 =	simm.s32 $0xC;
	v37 =	vor.u32 s22, v23;
	v31 =	vld.idx.msk [tilespmem:v31+s31+$0x0], $0xffff  }
0x6b: {  	s17 =	simm.s32 $0xD;
	v38 =	vor.u32 s23, v23;
	v32 =	vld.idx.msk [tilespmem:v32+s31+$0x0], $0xffff  }
0x6c: {  	s13 =	simm.s32 $0x9;
	v39 =	vor.u32 s17, v23;
	v34 =	vld.idx.msk [tilespmem:v22+s31+$0x0], $0xffff  }
0x6d: {  	v22 =	vor.u32 s13, v23;
	v35 =	vld.idx.msk [tilespmem:v24+s31+$0x0], $0xffff;
	v24 =	vsel vm9, v3, v2;
	[tilespmem:v16+s11+$0xB80 ss:$0x1] =	vst.idx.msk $0xffff, v33  }
0x6e: {  	v36 =	vld.idx.msk [tilespmem:v36+s31+$0x0], $0xffff;
	[tilespmem:v16+s11+$0x80 ss:$0x1] =	vst.idx.msk $0xffff, v30;
	v41 =	vor.u32 s12, v24  }
0x6f: {  	v37 =	vld.idx.msk [tilespmem:v37+s31+$0x0], $0xffff;
	[tilespmem:v16+s11+$0x100 ss:$0x1] =	vst.idx.msk $0xffff, v26;
	v42 =	vor.u32 s3, v24  }
0x70: {  	v38 =	vld.idx.msk [tilespmem:v38+s31+$0x0], $0xffff;
	[tilespmem:v16+s11+$0x180 ss:$0x1] =	vst.idx.msk $0xffff, v27;
	v43 =	vor.u32 s4, v24  }
0x71: {  	v39 =	vld.idx.msk [tilespmem:v39+s31+$0x0], $0xffff;
	[tilespmem:v16+s11+$0x200 ss:$0x1] =	vst.idx.msk $0xffff, v28;
	v44 =	vor.u32 s5, v24  }
0x72: {  	[tilespmem:v16+s11+$0x380 ss:$0x1] =	vst.idx.msk $0xffff, v31;
	v45 =	vor.u32 s6, v24;
	v40 =	vld.idx.msk [tilespmem:v22+s31+$0x0], $0xffff  }
0x73: {  	vm10 =	vgt.s32 v20, $0x79FFF;
	[tilespmem:v16+s11+$0x800 ss:$0x1] =	vst.idx.msk $0xffff, v32;
	v20 =	vor.u32 s7, v24;
	v30 =	vld.idx.msk [tilespmem:v41+s31+$0x0], $0xffff  }
0x74: {  	[tilespmem:v16+s11+$0x900 ss:$0x1] =	vst.idx.msk $0xffff, v36;
	v26 =	vor.u32 s8, v24;
	v54 =	vld.idx.msk [tilespmem:v42+s31+$0x0], $0xffff  }
0x75: {  	[tilespmem:v16+s11+$0x980 ss:$0x1] =	vst.idx.msk $0xffff, v37;
	v28 =	vor.u32 s9, v24;
	v55 =	vld.idx.msk [tilespmem:v43+s31+$0x0], $0xffff  }
0x76: {  	s24 =	simm.s32 $0xE;
	[tilespmem:v16+s11+$0xA00 ss:$0x1] =	vst.idx.msk $0xffff, v38;
	v58 =	vor.u32 s10, v24;
	v56 =	vld.idx.msk [tilespmem:v44+s31+$0x0], $0xffff  }
0x77: {  	v22 =	vor.u32 s24, v23;
	[tilespmem:v16+s11+$0x280 ss:$0x1] =	vst.idx.msk $0xffff, v34;
	v57 =	vld.idx.msk [tilespmem:v45+s31+$0x0], $0xffff  }
0x78: {  	v60 =	vor.u32 s14, v24;
	[tilespmem:v16+s11+$0x300 ss:$0x1] =	vst.idx.msk $0xffff, v35;
	v59 =	vld.idx.msk [tilespmem:v20+s31+$0x0], $0xffff  }
0x79: {  	[tilespmem:v16+s11+$0xA80 ss:$0x1] =	vst.idx.msk $0xffff, v39;
	v31 =	vor.u32 s23, v24;
	v26 =	vld.idx.msk [tilespmem:v26+s31+$0x0], $0xffff  }
0x7a: {  	[tilespmem:v16+s11+$0x0 ss:$0x1] =	vst.idx.msk $0xffff, v29;
	v62 =	vor.u32 s17, v24;
	v28 =	vld.idx.msk [tilespmem:v28+s31+$0x0], $0xffff  }
0x7b: {  	v48 =	vor.u32 s2, v24;
	v32 =	vld.idx.msk [tilespmem:v58+s31+$0x0], $0xffff;
	[tilespmem:v16+s11+$0x880 ss:$0x1] =	vst.idx.msk $0xffff, v40  }
0x7c: {  	v20 =	vor.u32 s13, v24;
	v46 =	vld.idx.msk [tilespmem:v22+s31+$0x0], $0xffff;
	v22 =	vsel vm10, v5, v4;
	[tilespmem:v16+s11+$0xB90 ss:$0x1] =	vst.idx.msk $0xffff, v30  }
0x7d: {  	v35 =	vld.idx.msk [tilespmem:v60+s31+$0x0], $0xffff;
	v27 =	vor.u32 s12, v22;
	[tilespmem:v16+s11+$0x90 ss:$0x1] =	vst.idx.msk $0xffff, v54  }
0x7e: {  	v31 =	vld.idx.msk [tilespmem:v31+s31+$0x0], $0xffff;
	v30 =	vor.u32 s22, v24;
	[tilespmem:v16+s11+$0x110 ss:$0x1] =	vst.idx.msk $0xffff, v55  }
0x7f: {  	v63 =	vor.u32 s24, v24;
	v36 =	vld.idx.msk [tilespmem:v62+s31+$0x0], $0xffff;
	[tilespmem:v16+s11+$0x190 ss:$0x1] =	vst.idx.msk $0xffff, v56  }
0x80: {  	v52 =	vld.idx.msk [tilespmem:v48+s31+$0x0], $0xffff;
	v49 =	vor.u32 s3, v22;
	[tilespmem:v16+s11+$0x210 ss:$0x1] =	vst.idx.msk $0xffff, v57  }
0x81: {  	vm12 =	vgt.s32 v25, $0x79FFF;
	v40 =	vld.idx.msk [tilespmem:v20+s31+$0x0], $0xffff;
	v25 =	vor.u32 s4, v22;
	[tilespmem:v16+s11+$0x290 ss:$0x1] =	vst.idx.msk $0xffff, v59  }
0x82: {  	v50 =	vor.u32 s5, v22;
	[tilespmem:v16+s11+$0x310 ss:$0x1] =	vst.idx.msk $0xffff, v26;
	v27 =	vld.idx.msk [tilespmem:v27+s31+$0x0], $0xffff  }
0x83: {  	v53 =	vor.u32 s6, v22;
	[tilespmem:v16+s11+$0xB00 ss:$0x1] =	vst.idx.msk $0xffff, v46;
	v30 =	vld.idx.msk [tilespmem:v30+s31+$0x0], $0xffff  }
0x84: {  	v54 =	vor.u32 s7, v22;
	[tilespmem:v16+s11+$0x390 ss:$0x1] =	vst.idx.msk $0xffff, v28;
	v29 =	vld.idx.msk [tilespmem:v63+s31+$0x0], $0xffff  }
0x85: {  	v55 =	vor.u32 s8, v22;
	[tilespmem:v16+s11+$0x810 ss:$0x1] =	vst.idx.msk $0xffff, v32;
	v38 =	vld.idx.msk [tilespmem:v49+s31+$0x0], $0xffff  }
0x86: {  	v56 =	vor.u32 s9, v22;
	[tilespmem:v16+s11+$0x910 ss:$0x1] =	vst.idx.msk $0xffff, v35;
	v25 =	vld.idx.msk [tilespmem:v25+s31+$0x0], $0xffff  }
0x87: {  	v28 =	vor.u32 s14, v22;
	[tilespmem:v16+s11+$0xA10 ss:$0x1] =	vst.idx.msk $0xffff, v31;
	v34 =	vld.idx.msk [tilespmem:v50+s31+$0x0], $0xffff  }
0x88: {  	vm11 =	vgt.s32 v21, $0x79FFF;
	v60 =	vor.u32 s23, v22;
	[tilespmem:v16+s11+$0xA90 ss:$0x1] =	vst.idx.msk $0xffff, v36;
	v33 =	vld.idx.msk [tilespmem:v53+s31+$0x0], $0xffff  }
0x89: {  	v21 =	vsel vm11, v7, v6;
	v57 =	vor.u32 s13, v22;
	[tilespmem:v16+s11+$0x10 ss:$0x1] =	vst.idx.msk $0xffff, v52;
	v41 =	vld.idx.msk [tilespmem:v54+s31+$0x0], $0xffff  }
0x8a: {  	v61 =	vor.u32 s12, v21;
	v42 =	vld.idx.msk [tilespmem:v55+s31+$0x0], $0xffff;
	[tilespmem:v16+s11+$0x890 ss:$0x1] =	vst.idx.msk $0xffff, v40  }
0x8b: {  	v59 =	vor.u32 s22, v22;
	v58 =	vld.idx.msk [tilespmem:v56+s31+$0x0], $0xffff;
	[tilespmem:v16+s11+$0xBA0 ss:$0x1] =	vst.idx.msk $0xffff, v27  }
0x8c: {  	v62 =	vor.u32 s24, v22;
	v28 =	vld.idx.msk [tilespmem:v28+s31+$0x0], $0xffff;
	[tilespmem:v16+s11+$0x990 ss:$0x1] =	vst.idx.msk $0xffff, v30  }
0x8d: {  	v48 =	vor.u32 s3, v21;
	v40 =	vld.idx.msk [tilespmem:v60+s31+$0x0], $0xffff;
	[tilespmem:v16+s11+$0xB10 ss:$0x1] =	vst.idx.msk $0xffff, v29  }
0x8e: {  	v49 =	vor.u32 s4, v21;
	v43 =	vld.idx.msk [tilespmem:v57+s31+$0x0], $0xffff;
	[tilespmem:v16+s11+$0xA0 ss:$0x1] =	vst.idx.msk $0xffff, v38  }
0x8f: {  	v50 =	vor.u32 s6, v21;
	[tilespmem:v16+s11+$0x120 ss:$0x1] =	vst.idx.msk $0xffff, v25;
	v27 =	vld.idx.msk [tilespmem:v61+s31+$0x0], $0xffff  }
0x90: {  	v52 =	vor.u32 s9, v21;
	[tilespmem:v16+s11+$0x1A0 ss:$0x1] =	vst.idx.msk $0xffff, v34;
	v30 =	vld.idx.msk [tilespmem:v59+s31+$0x0], $0xffff  }
0x91: {  	v55 =	vor.u32 s13, v21;
	[tilespmem:v16+s11+$0x220 ss:$0x1] =	vst.idx.msk $0xffff, v33;
	v35 =	vld.idx.msk [tilespmem:v62+s31+$0x0], $0xffff  }
0x92: {  	v29 =	vor.u32 s5, v21;
	[tilespmem:v16+s11+$0x2A0 ss:$0x1] =	vst.idx.msk $0xffff, v41;
	v32 =	vld.idx.msk [tilespmem:v48+s31+$0x0], $0xffff  }
0x93: {  	v25 =	vor.u32 s8, v21;
	[tilespmem:v16+s11+$0x320 ss:$0x1] =	vst.idx.msk $0xffff, v42;
	v36 =	vld.idx.msk [tilespmem:v49+s31+$0x0], $0xffff  }
0x94: {  	v20 =	vsel vm12, v9, v8;
	[tilespmem:v16+s11+$0x3A0 ss:$0x1] =	vst.idx.msk $0xffff, v58;
	v61 =	vor.u32 s17, v22;
	v53 =	vld.idx.msk [tilespmem:v50+s31+$0x0], $0xffff  }
0x95: {  	v51 =	vor.u32 s12, v20;
	v33 =	vld.idx.msk [tilespmem:v52+s31+$0x0], $0xffff;
	[tilespmem:v16+s11+$0x8A0 ss:$0x1] =	vst.idx.msk $0xffff, v43  }
0x96: {  	[tilespmem:v16+s11+$0x920 ss:$0x1] =	vst.idx.msk $0xffff, v28;
	v59 =	vor.u32 s3, v20;
	v41 =	vld.idx.msk [tilespmem:v55+s31+$0x0], $0xffff  }
0x97: {  	[tilespmem:v16+s11+$0xA20 ss:$0x1] =	vst.idx.msk $0xffff, v40;
	v62 =	vor.u32 s6, v20;
	v29 =	vld.idx.msk [tilespmem:v29+s31+$0x0], $0xffff  }
0x98: {  	v42 =	vld.idx.msk [tilespmem:v25+s31+$0x0], $0xffff;
	v25 =	vor.u32 s14, v21;
	[tilespmem:v16+s11+$0xBB0 ss:$0x1] =	vst.idx.msk $0xffff, v27  }
0x99: {  	v27 =	vor.u32 s10, v22;
	v45 =	vld.idx.msk [tilespmem:v61+s31+$0x0], $0xffff;
	[tilespmem:v16+s11+$0x9A0 ss:$0x1] =	vst.idx.msk $0xffff, v30  }
0x9a: {  	v30 =	vor.u32 s24, v21;
	[tilespmem:v16+s11+$0xB0 ss:$0x1] =	vst.idx.msk $0xffff, v32;
	v37 =	vld.idx.msk [tilespmem:v51+s31+$0x0], $0xffff  }
0x9b: {  	vm13 =	vgt.s32 v19, $0x79FFF;
	v61 =	vor.u32 s5, v20;
	[tilespmem:v16+s11+$0x230 ss:$0x1] =	vst.idx.msk $0xffff, v53;
	v40 =	vld.idx.msk [tilespmem:v59+s31+$0x0], $0xffff  }
0x9c: {  	vm14 =	vgt.s32 v18, $0x79FFF;
	vm15 =	vgt.s32 v17, $0x79FFF;
	v48 =	vor.u32 s8, v20;
	[tilespmem:v16+s11+$0xB20 ss:$0x1] =	vst.idx.msk $0xffff, v35;
	v35 =	vld.idx.msk [tilespmem:v62+s31+$0x0], $0xffff  }
0x9d: {  	v19 =	vsel vm13, v11, v10;
	v18 =	vsel vm14, v13, v12;
	v63 =	vor.u32 s2, v22;
	v57 =	vld.idx.msk [tilespmem:v25+s31+$0x0], $0xffff  }
0x9e: {  	v17 =	vsel vm15, v15, v14;
	v28 =	vor.u32 s17, v21;
	[tilespmem:v16+s11+$0x130 ss:$0x1] =	vst.idx.msk $0xffff, v36;
	v27 =	vld.idx.msk [tilespmem:v27+s31+$0x0], $0xffff  }
0x9f: {  	v26 =	vor.u32 s12, v19;
	v31 =	vor.u32 s12, v18;
	v51 =	vor.u32 s12, v17;
	s12 =	simm.s32 $0x10;
	[tilespmem:v16+s11+$0x1B0 ss:$0x1] =	vst.idx.msk $0xffff, v29;
	v30 =	vld.idx.msk [tilespmem:v30+s31+$0x0], $0xffff  }
0xa0: {  	v56 =	vor.u32 s12, v23;
	[tilespmem:v16+s11+$0x330 ss:$0x1] =	vst.idx.msk $0xffff, v42;
	v44 =	vld.idx.msk [tilespmem:v61+s31+$0x0], $0xffff  }
0xa1: {  	v29 =	vor.u32 s9, v20;
	[tilespmem:v16+s11+$0xAA0 ss:$0x1] =	vst.idx.msk $0xffff, v45;
	v36 =	vld.idx.msk [tilespmem:v48+s31+$0x0], $0xffff  }
0xa2: {  	v50 =	vor.u32 s14, v20;
	[tilespmem:v16+s11+$0xBC0 ss:$0x1] =	vst.idx.msk $0xffff, v37;
	v37 =	vld.idx.msk [tilespmem:v63+s31+$0x0], $0xffff  }
0xa3: {  	v54 =	vor.u32 s10, v21;
	[tilespmem:v16+s11+$0x3B0 ss:$0x1] =	vst.idx.msk $0xffff, v33;
	v28 =	vld.idx.msk [tilespmem:v28+s31+$0x0], $0xffff  }
0xa4: {  	v58 =	vor.u32 s2, v21;
	[tilespmem:v16+s11+$0x8B0 ss:$0x1] =	vst.idx.msk $0xffff, v41;
	v26 =	vld.idx.msk [tilespmem:v26+s31+$0x0], $0xffff  }
0xa5: {  	v53 =	vor.u32 s17, v20;
	v25 =	vld.idx.msk [tilespmem:v56+s31+$0x0], $0xffff;
	[tilespmem:v16+s11+$0x930 ss:$0x1] =	vst.idx.msk $0xffff, v57  }
0xa6: {  	v29 =	vld.idx.msk [tilespmem:v29+s31+$0x0], $0xffff;
	[tilespmem:v16+s11+$0x820 ss:$0x1] =	vst.idx.msk $0xffff, v27  }
0xa7: {  	v27 =	vor.u32 s23, v21;
	v42 =	vld.idx.msk [tilespmem:v50+s31+$0x0], $0xffff;
	[tilespmem:v16+s11+$0xB30 ss:$0x1] =	vst.idx.msk $0xffff, v30  }
0xa8: {  	v30 =	vor.u32 s6, v19;
	v39 =	vld.idx.msk [tilespmem:v54+s31+$0x0], $0xffff;
	[tilespmem:v16+s11+$0x20 ss:$0x1] =	vst.idx.msk $0xffff, v37  }
0xa9: {  	v54 =	vor.u32 s24, v20;
	[tilespmem:v16+s11+$0xAB0 ss:$0x1] =	vst.idx.msk $0xffff, v28;
	v37 =	vld.idx.msk [tilespmem:v58+s31+$0x0], $0xffff  }
0xaa: {  	v28 =	vor.u32 s5, v19;
	[tilespmem:v16+s11+$0xBD0 ss:$0x1] =	vst.idx.msk $0xffff, v26;
	v41 =	vld.idx.msk [tilespmem:v53+s31+$0x0], $0xffff  }
0xab: {  	v26 =	vor.u32 s7, v21;
	v31 =	vld.idx.msk [tilespmem:v31+s31+$0x0], $0xffff  }
0xac: {  	v49 =	vor.u32 s10, v20;
	[tilespmem:v16+s11+$0x240 ss:$0x1] =	vst.idx.msk $0xffff, v35;
	v27 =	vld.idx.msk [tilespmem:v27+s31+$0x0], $0xffff  }
0xad: {  	v55 =	vor.u32 s2, v20;
	v30 =	vld.idx.msk [tilespmem:v30+s31+$0x0], $0xffff  }
0xae: {  	[tilespmem:v16+s11+$0x1C0 ss:$0x1] =	vst.idx.msk $0xffff, v44;
	v56 =	vld.idx.msk [tilespmem:v54+s31+$0x0], $0xffff  }
0xaf: {  	v52 =	vor.u32 s23, v20;
	[tilespmem:v16+s11+$0x940 ss:$0x1] =	vst.idx.msk $0xffff, v42;
	v28 =	vld.idx.msk [tilespmem:v28+s31+$0x0], $0xffff  }
0xb0: {  	[tilespmem:v16+s11+$0x830 ss:$0x1] =	vst.idx.msk $0xffff, v39;
	v54 =	vor.u32 s6, v18;
	v26 =	vld.idx.msk [tilespmem:v26+s31+$0x0], $0xffff  }
0xb1: {  	v38 =	vld.idx.msk [tilespmem:v49+s31+$0x0], $0xffff;
	[tilespmem:v16+s11+$0x30 ss:$0x1] =	vst.idx.msk $0xffff, v37;
	v49 =	vor.u32 s24, v19  }
0xb2: {  	v53 =	vor.u32 s5, v18;
	[tilespmem:v16+s11+$0xBE0 ss:$0x1] =	vst.idx.msk $0xffff, v31;
	v57 =	vld.idx.msk [tilespmem:v55+s31+$0x0], $0xffff  }
0xb3: {  	v31 =	vor.u32 s22, v21;
	v34 =	vld.idx.msk [tilespmem:v51+s31+$0x0], $0xffff;
	[tilespmem:v16+s11+$0xA30 ss:$0x1] =	vst.idx.msk $0xffff, v27  }
0xb4: {  	v63 =	vor.u32 s7, v20;
	[tilespmem:v16+s11+$0x250 ss:$0x1] =	vst.idx.msk $0xffff, v30;
	v39 =	vld.idx.msk [tilespmem:v52+s31+$0x0], $0xffff  }
0xb5: {  	v61 =	vor.u32 s10, v19;
	[tilespmem:v16+s11+$0xB40 ss:$0x1] =	vst.idx.msk $0xffff, v56;
	v37 =	vld.idx.msk [tilespmem:v54+s31+$0x0], $0xffff  }
0xb6: {  	v60 =	vor.u32 s4, v20;
	[tilespmem:v16+s11+$0x1D0 ss:$0x1] =	vst.idx.msk $0xffff, v28;
	v42 =	vld.idx.msk [tilespmem:v49+s31+$0x0], $0xffff  }
0xb7: {  	v50 =	vor.u32 s2, v19;
	[tilespmem:v16+s11+$0xAC0 ss:$0x1] =	vst.idx.msk $0xffff, v41;
	v41 =	vld.idx.msk [tilespmem:v53+s31+$0x0], $0xffff  }
0xb8: {  	[tilespmem:v16+s11+$0x2B0 ss:$0x1] =	vst.idx.msk $0xffff, v26;
	v26 =	vor.u32 s13, v20;
	v31 =	vld.idx.msk [tilespmem:v31+s31+$0x0], $0xffff  }
0xb9: {  	v48 =	vor.u32 s23, v19;
	[tilespmem:v16+s11+$0x840 ss:$0x1] =	vst.idx.msk $0xffff, v38;
	v32 =	vld.idx.msk [tilespmem:v63+s31+$0x0], $0xffff  }
0xba: {  	v63 =	vor.u32 s14, v19;
	v35 =	vld.idx.msk [tilespmem:v61+s31+$0x0], $0xffff;
	[tilespmem:v16+s11+$0x40 ss:$0x1] =	vst.idx.msk $0xffff, v57  }
0xbb: {  	v51 =	vor.u32 s22, v20;
	[tilespmem:v16+s11+$0xBF0 ss:$0x1] =	vst.idx.msk $0xffff, v34;
	v34 =	vld.idx.msk [tilespmem:v60+s31+$0x0], $0xffff  }
0xbc: {  	[tilespmem:v16+s11+$0xC0 ss:$0x1] =	vst.idx.msk $0xffff, v40;
	v58 =	vor.u32 s7, v19;
	v43 =	vld.idx.msk [tilespmem:v50+s31+$0x0], $0xffff  }
0xbd: {  	v59 =	vor.u32 s8, v19;
	[tilespmem:v16+s11+$0xA40 ss:$0x1] =	vst.idx.msk $0xffff, v39;
	v26 =	vld.idx.msk [tilespmem:v26+s31+$0x0], $0xffff  }
0xbe: {  	[tilespmem:v16+s11+$0x340 ss:$0x1] =	vst.idx.msk $0xffff, v36;
	v60 =	vor.u32 s9, v19;
	v38 =	vld.idx.msk [tilespmem:v48+s31+$0x0], $0xffff  }
0xbf: {  	v30 =	vor.u32 s10, v18;
	[tilespmem:v16+s11+$0x9B0 ss:$0x1] =	vst.idx.msk $0xffff, v31;
	v36 =	vld.idx.msk [tilespmem:v63+s31+$0x0], $0xffff  }
0xc0: {  	v50 =	vor.u32 s6, v17;
	[tilespmem:v16+s11+$0x2C0 ss:$0x1] =	vst.idx.msk $0xffff, v32;
	v33 =	vld.idx.msk [tilespmem:v51+s31+$0x0], $0xffff  }
0xc1: {  	[tilespmem:v16+s11+$0x3C0 ss:$0x1] =	vst.idx.msk $0xffff, v29;
	v27 =	vor.u32 s4, v19;
	v40 =	vld.idx.msk [tilespmem:v58+s31+$0x0], $0xffff  }
0xc2: {  	v61 =	vor.u32 s2, v18;
	[tilespmem:v16+s11+$0x140 ss:$0x1] =	vst.idx.msk $0xffff, v34;
	v34 =	vld.idx.msk [tilespmem:v59+s31+$0x0], $0xffff  }
0xc3: {  	v31 =	vor.u32 s3, v19;
	[tilespmem:v16+s11+$0x850 ss:$0x1] =	vst.idx.msk $0xffff, v35;
	v44 =	vld.idx.msk [tilespmem:v60+s31+$0x0], $0xffff  }
0xc4: {  	v62 =	vor.u32 s13, v19;
	[tilespmem:v16+s11+$0x260 ss:$0x1] =	vst.idx.msk $0xffff, v37;
	v30 =	vld.idx.msk [tilespmem:v30+s31+$0x0], $0xffff  }
0xc5: {  	v56 =	vor.u32 s14, v18;
	[tilespmem:v16+s11+$0xB50 ss:$0x1] =	vst.idx.msk $0xffff, v42;
	v47 =	vld.idx.msk [tilespmem:v50+s31+$0x0], $0xffff  }
0xc6: {  	v58 =	vor.u32 s23, v18;
	[tilespmem:v16+s11+$0x50 ss:$0x1] =	vst.idx.msk $0xffff, v43;
	v27 =	vld.idx.msk [tilespmem:v27+s31+$0x0], $0xffff  }
0xc7: {  	v60 =	vor.u32 s24, v18;
	v42 =	vld.idx.msk [tilespmem:v61+s31+$0x0], $0xffff;
	[tilespmem:v16+s11+$0x8C0 ss:$0x1] =	vst.idx.msk $0xffff, v26  }
0xc8: {  	v29 =	vor.u32 s22, v19;
	[tilespmem:v16+s11+$0xA50 ss:$0x1] =	vst.idx.msk $0xffff, v38;
	v31 =	vld.idx.msk [tilespmem:v31+s31+$0x0], $0xffff  }
0xc9: {  	v28 =	vor.u32 s9, v18;
	v32 =	vld.idx.msk [tilespmem:v62+s31+$0x0], $0xffff;
	[tilespmem:v16+s11+$0x950 ss:$0x1] =	vst.idx.msk $0xffff, v36  }
0xca: {  	v52 =	vor.u32 s4, v18;
	[tilespmem:v16+s11+$0x350 ss:$0x1] =	vst.idx.msk $0xffff, v34;
	v34 =	vld.idx.msk [tilespmem:v56+s31+$0x0], $0xffff  }
0xcb: {  	v26 =	vor.u32 s17, v19;
	v35 =	vld.idx.msk [tilespmem:v58+s31+$0x0], $0xffff  }
0xcc: {  	v51 =	vor.u32 s3, v18;
	[tilespmem:v16+s11+$0x9C0 ss:$0x1] =	vst.idx.msk $0xffff, v33;
	v36 =	vld.idx.msk [tilespmem:v60+s31+$0x0], $0xffff  }
0xcd: {  	v55 =	vor.u32 s13, v18;
	[tilespmem:v16+s11+$0x3D0 ss:$0x1] =	vst.idx.msk $0xffff, v44;
	v29 =	vld.idx.msk [tilespmem:v29+s31+$0x0], $0xffff  }
0xce: {  	[tilespmem:v16+s11+$0x150 ss:$0x1] =	vst.idx.msk $0xffff, v27;
	v27 =	vor.u32 s8, v18;
	v28 =	vld.idx.msk [tilespmem:v28+s31+$0x0], $0xffff  }
0xcf: {  	v60 =	vor.u32 s24, v17;
	v39 =	vld.idx.msk [tilespmem:v52+s31+$0x0], $0xffff  }
0xd0: {  	v57 =	vor.u32 s22, v18;
	v26 =	vld.idx.msk [tilespmem:v26+s31+$0x0], $0xffff;
	[tilespmem:v16+s11+$0xD0 ss:$0x1] =	vst.idx.msk $0xffff, v31  }
0xd1: {  	v54 =	vor.u32 s9, v17;
	[tilespmem:v16+s11+$0x8D0 ss:$0x1] =	vst.idx.msk $0xffff, v32;
	v33 =	vld.idx.msk [tilespmem:v51+s31+$0x0], $0xffff  }
0xd2: {  	v61 =	vor.u32 s2, v17;
	[tilespmem:v16+s11+$0x2D0 ss:$0x1] =	vst.idx.msk $0xffff, v40;
	v40 =	vld.idx.msk [tilespmem:v55+s31+$0x0], $0xffff  }
0xd3: {  	v62 =	vor.u32 s4, v17;
	[tilespmem:v16+s11+$0xB60 ss:$0x1] =	vst.idx.msk $0xffff, v36;
	v27 =	vld.idx.msk [tilespmem:v27+s31+$0x0], $0xffff  }
0xd4: {  	v31 =	vor.u32 s7, v18;
	[tilespmem:v16+s11+$0x9D0 ss:$0x1] =	vst.idx.msk $0xffff, v29;
	v38 =	vld.idx.msk [tilespmem:v60+s31+$0x0], $0xffff  }
0xd5: {  	v59 =	vor.u32 s17, v18;
	[tilespmem:v16+s11+$0x3E0 ss:$0x1] =	vst.idx.msk $0xffff, v28;
	v44 =	vld.idx.msk [tilespmem:v57+s31+$0x0], $0xffff  }
0xd6: {  	v58 =	vor.u32 s23, v17;
	[tilespmem:v16+s11+$0x60 ss:$0x1] =	vst.idx.msk $0xffff, v42;
	v28 =	vld.idx.msk [tilespmem:v54+s31+$0x0], $0xffff  }
0xd7: {  	v29 =	vor.u32 s3, v17;
	[tilespmem:v16+s11+$0x160 ss:$0x1] =	vst.idx.msk $0xffff, v39;
	v39 =	vld.idx.msk [tilespmem:v61+s31+$0x0], $0xffff  }
0xd8: {  	[tilespmem:v16+s11+$0xAD0 ss:$0x1] =	vst.idx.msk $0xffff, v26;
	v26 =	vor.u32 s5, v17;
	v53 =	vld.idx.msk [tilespmem:v62+s31+$0x0], $0xffff  }
0xd9: {  	[tilespmem:v16+s11+$0x1E0 ss:$0x1] =	vst.idx.msk $0xffff, v41;
	v57 =	vor.u32 s22, v17;
	v31 =	vld.idx.msk [tilespmem:v31+s31+$0x0], $0xffff  }
0xda: {  	v51 =	vor.u32 s7, v17;
	[tilespmem:v16+s11+$0xA60 ss:$0x1] =	vst.idx.msk $0xffff, v35;
	v63 =	vld.idx.msk [tilespmem:v59+s31+$0x0], $0xffff  }
0xdb: {  	v59 =	vor.u32 s17, v17;
	[tilespmem:v16+s11+$0xE0 ss:$0x1] =	vst.idx.msk $0xffff, v33;
	v33 =	vld.idx.msk [tilespmem:v58+s31+$0x0], $0xffff  }
0xdc: {  	[tilespmem:v16+s11+$0x960 ss:$0x1] =	vst.idx.msk $0xffff, v34;
	v52 =	vld.idx.msk [tilespmem:v29+s31+$0x0], $0xffff;
	v29 =	vor.u32 s8, v17  }
0xdd: {  	v55 =	vor.u32 s10, v17;
	[tilespmem:v16+s11+$0x9E0 ss:$0x1] =	vst.idx.msk $0xffff, v44;
	v41 =	vld.idx.msk [tilespmem:v26+s31+$0x0], $0xffff  }
0xde: {  	v32 =	vld.idx.msk [tilespmem:v57+s31+$0x0], $0xffff;
	[tilespmem:v16+s11+$0x2E0 ss:$0x1] =	vst.idx.msk $0xffff, v31;
	v31 =	vor.u32 s13, v17  }
0xdf: {  	v56 =	vor.u32 s14, v17;
	[tilespmem:v16+s11+$0xAE0 ss:$0x1] =	vst.idx.msk $0xffff, v63;
	v26 =	vld.idx.msk [tilespmem:v51+s31+$0x0], $0xffff  }
0xe0: {  	s10 =	simm.s32 $0x11;
	[tilespmem:v16+s11+$0x360 ss:$0x1] =	vst.idx.msk $0xffff, v27;
	v34 =	vld.idx.msk [tilespmem:v59+s31+$0x0], $0xffff  }
0xe1: {  	[tilespmem:v16+s11+$0x860 ss:$0x1] =	vst.idx.msk $0xffff, v30;
	s7 =	simm.s32 $0x12;
	v62 =	vor.u32 s10, v23;
	v27 =	vld.idx.msk [tilespmem:v29+s31+$0x0], $0xffff  }
0xe2: {  	v48 =	vor.u32 s7, v23;
	[tilespmem:v16+s11+$0x8E0 ss:$0x1] =	vst.idx.msk $0xffff, v40;
	s13 =	simm.s32 $0x13;
	v29 =	vld.idx.msk [tilespmem:v55+s31+$0x0], $0xffff  }
0xe3: {  	s16 =	simm.s32 $0x14;
	s21 =	sor.u32 $0x20, s30;
	s25 =	sor.u32 $0x60, s30;
	v63 =	vor.u32 s13, v23;
	[tilespmem:v16+s11+$0xF0 ss:$0x1] =	vst.idx.msk $0xffff, v52;
	v30 =	vld.idx.msk [tilespmem:v31+s31+$0x0], $0xffff  }
0xe4: {  	s20 =	sor.u32 $0x30, s30;
	v42 =	vor.u32 s16, v23;
	s22 =	simm.s32 $0x15;
	v31 =	vld.idx.msk [tilespmem:v56+s31+$0x0], $0xffff;
	[dreg:$0xb] =	wrdreg s25  }
0xe5: {  	s18 =	sor.u32 $0x40, s30;
	s15 =	sor.u32 $0x70, s30;
	s19 =	simm.s32 $0x16;
	v44 =	vor.u32 s22, v23;
	[tilespmem:v16+s11+$0x170 ss:$0x1] =	vst.idx.msk $0xffff, v53  }
0xe6: {  	s26 =	sadd.s32 $0xC400, s0;
	v43 =	vor.u32 s19, v23;
	s23 =	simm.s32 $0x17;
	s24 =	simm.s32 $0x18;
	v35 =	vld.idx.msk [tilespmem:v62+s31+$0x0], $0xffff;
	[tilespmem:v16+s11+$0x1F0 ss:$0x1] =	vst.idx.msk $0xffff, v41  }
0xe7: {  	s14 =	simm.s32 $0x1F;
	s17 =	sor.u32 $0x50, s30;
	v36 =	vld.idx.msk [tilespmem:v48+s31+$0x0], $0xffff;
	v41 =	vor.u32 s23, v23;
	[dreg:$0xc] =	wrdreg s26  }
0xe8: {  	v40 =	vor.u32 s24, v23;
	s8 =	sor.u32 $0x10, s30;
	s25 =	simm.s32 $0x20;
	s26 =	smov.u32 s11;
	v37 =	vld.idx.msk [tilespmem:v63+s31+$0x0], $0xffff;
	[tilespmem:v16+s11+$0x270 ss:$0x1] =	vst.idx.msk $0xffff, v47  }
.LBB2_3:
0xe9: {  	p0 =	slt.u32 s25, $0x30;
	v42 =	vld.idx.msk [tilespmem:v42+s31+$0x0], $0xffff;
	s2 =	sadd.s32 $0x9, s12;
	v45 =	vor.u32 s14, v23;
	[tilespmem:v16+s26+$0x2F0 ss:$0x1] =	vst.idx.msk $0xffff, v26  }
0xea: {  	s3 =	sadd.s32 $0xA, s12;
	v26 =	vld.idx.msk [tilespmem:v44+s31+$0x0], $0xffff;
	v44 =	vor.u32 s2, v23;
	[tilespmem:v16+s26+$0x370 ss:$0x1] =	vst.idx.msk $0xffff, v27  }
0xeb: {  	s4 =	sadd.s32 $0xB, s12;
	v27 =	vld.idx.msk [tilespmem:v43+s31+$0x0], $0xffff;
	v43 =	vor.u32 s3, v23;
	[tilespmem:v16+s26+$0x3F0 ss:$0x1] =	vst.idx.msk $0xffff, v28  }
0xec: {  	s6 =	sadd.s32 $0xC, s12;
	v28 =	vld.idx.msk [tilespmem:v41+s31+$0x0], $0xffff;
	v41 =	vor.u32 s4, v23;
	[tilespmem:v16+s26+$0x870 ss:$0x1] =	vst.idx.msk $0xffff, v29  }
0xed: {  	s9 =	sadd.s32 $0xD, s12;
	v29 =	vld.idx.msk [tilespmem:v40+s31+$0x0], $0xffff;
	v40 =	vor.u32 s6, v23;
	[tilespmem:v16+s26+$0x8F0 ss:$0x1] =	vst.idx.msk $0xffff, v30  }
0xee: {  	s5 =	sadd.s32 $0xE, s12;
	v30 =	vor.u32 s9, v23;
	v45 =	vld.idx.msk [tilespmem:v45+s31+$0x0], $0xffff;
	[tilespmem:v16+s26+$0x970 ss:$0x1] =	vst.idx.msk $0xffff, v31  }
0xef: {  	v31 =	vld.idx.msk [tilespmem:v44+s31+$0x0], $0xffff;
	v44 =	vor.u32 s5, v23;
	[tilespmem:v16+s26+$0x9F0 ss:$0x1] =	vst.idx.msk $0xffff, v32  }
0xf0: {  	v32 =	vld.idx.msk [tilespmem:v43+s31+$0x0], $0xffff;
	v43 =	vor.u32 s14, v24;
	[tilespmem:v16+s26+$0xA70 ss:$0x1] =	vst.idx.msk $0xffff, v33  }
0xf1: {  	v33 =	vor.u32 s10, v24;
	v41 =	vld.idx.msk [tilespmem:v41+s31+$0x0], $0xffff;
	[tilespmem:v16+s26+$0xAF0 ss:$0x1] =	vst.idx.msk $0xffff, v34  }
0xf2: {  	v34 =	vor.u32 s7, v24;
	v40 =	vld.idx.msk [tilespmem:v40+s31+$0x0], $0xffff;
	[tilespmem:v16+s26+$0xB70 ss:$0x1] =	vst.idx.msk $0xffff, v38  }
0xf3: {  	v38 =	vor.u32 s13, v24;
	v30 =	vld.idx.msk [tilespmem:v30+s31+$0x0], $0xffff;
	[tilespmem:v16+s26+$0x70 ss:$0x1] =	vst.idx.msk $0xffff, v39;
	s26 =	sadd.s32 $0x1000, s26  }
0xf4: {  	v39 =	vor.u32 s16, v24;
	v44 =	vld.idx.msk [tilespmem:v44+s31+$0x0], $0xffff;
	[tilespmem:v16+s26+$0xB80 ss:$0x1] =	vst.idx.msk $0xffff, v45  }
0xf5: {  	[tilespmem:v16+s26+$0x80 ss:$0x1] =	vst.idx.msk $0xffff, v35;
	v35 =	vor.u32 s22, v24;
	v43 =	vld.idx.msk [tilespmem:v43+s31+$0x0], $0xffff  }
0xf6: {  	v33 =	vld.idx.msk [tilespmem:v33+s31+$0x0], $0xffff;
	[tilespmem:v16+s26+$0x100 ss:$0x1] =	vst.idx.msk $0xffff, v36;
	v36 =	vor.u32 s19, v24  }
0xf7: {  	v34 =	vld.idx.msk [tilespmem:v34+s31+$0x0], $0xffff;
	[tilespmem:v16+s26+$0x180 ss:$0x1] =	vst.idx.msk $0xffff, v37;
	v37 =	vor.u32 s14, v22  }
0xf8: {  	v38 =	vld.idx.msk [tilespmem:v38+s31+$0x0], $0xffff;
	[tilespmem:v16+s26+$0x200 ss:$0x1] =	vst.idx.msk $0xffff, v42;
	v42 =	vor.u32 s23, v24  }
0xf9: {  	v39 =	vld.idx.msk [tilespmem:v39+s31+$0x0], $0xffff;
	[tilespmem:v16+s26+$0x280 ss:$0x1] =	vst.idx.msk $0xffff, v26;
	v26 =	vor.u32 s24, v24  }
0xfa: {  	v35 =	vld.idx.msk [tilespmem:v35+s31+$0x0], $0xffff;
	[tilespmem:v16+s26+$0x300 ss:$0x1] =	vst.idx.msk $0xffff, v27;
	v27 =	vor.u32 s2, v24  }
0xfb: {  	v45 =	vor.u32 s3, v24;
	v36 =	vld.idx.msk [tilespmem:v36+s31+$0x0], $0xffff;
	[tilespmem:v16+s26+$0xB90 ss:$0x1] =	vst.idx.msk $0xffff, v43  }
0xfc: {  	[tilespmem:v16+s26+$0x380 ss:$0x1] =	vst.idx.msk $0xffff, v28;
	v28 =	vor.u32 s4, v24;
	v37 =	vld.idx.msk [tilespmem:v37+s31+$0x0], $0xffff  }
0xfd: {  	v42 =	vld.idx.msk [tilespmem:v42+s31+$0x0], $0xffff;
	[tilespmem:v16+s26+$0x800 ss:$0x1] =	vst.idx.msk $0xffff, v29;
	v29 =	vor.u32 s6, v24  }
0xfe: {  	v26 =	vld.idx.msk [tilespmem:v26+s31+$0x0], $0xffff;
	[tilespmem:v16+s26+$0x880 ss:$0x1] =	vst.idx.msk $0xffff, v31;
	v31 =	vor.u32 s14, v21  }
0xff: {  	v27 =	vld.idx.msk [tilespmem:v27+s31+$0x0], $0xffff;
	[tilespmem:v16+s26+$0x900 ss:$0x1] =	vst.idx.msk $0xffff, v32;
	v32 =	vor.u32 s9, v24  }
0x100: {  	v43 =	vld.idx.msk [tilespmem:v45+s31+$0x0], $0xffff;
	[tilespmem:v16+s26+$0x980 ss:$0x1] =	vst.idx.msk $0xffff, v41;
	v41 =	vor.u32 s5, v24  }
0x101: {  	v45 =	vor.u32 s12, v24;
	v28 =	vld.idx.msk [tilespmem:v28+s31+$0x0], $0xffff;
	[tilespmem:v16+s26+$0xA00 ss:$0x1] =	vst.idx.msk $0xffff, v40  }
0x102: {  	v40 =	vor.u32 s10, v22;
	v29 =	vld.idx.msk [tilespmem:v29+s31+$0x0], $0xffff;
	[tilespmem:v16+s26+$0xBA0 ss:$0x1] =	vst.idx.msk $0xffff, v37  }
0x103: {  	v37 =	vor.u32 s7, v22;
	[tilespmem:v16+s26+$0xA80 ss:$0x1] =	vst.idx.msk $0xffff, v30;
	v30 =	vld.idx.msk [tilespmem:v31+s31+$0x0], $0xffff  }
0x104: {  	v31 =	vor.u32 s13, v22;
	v32 =	vld.idx.msk [tilespmem:v32+s31+$0x0], $0xffff;
	[tilespmem:v16+s26+$0xB00 ss:$0x1] =	vst.idx.msk $0xffff, v44  }
0x105: {  	[tilespmem:v16+s26+$0x0 ss:$0x1] =	vst.idx.msk $0xffff, v25;
	v25 =	vld.idx.msk [tilespmem:v41+s31+$0x0], $0xffff;
	v41 =	vor.u32 s14, v20  }
0x106: {  	v44 =	vld.idx.msk [tilespmem:v45+s31+$0x0], $0xffff;
	[tilespmem:v16+s26+$0x90 ss:$0x1] =	vst.idx.msk $0xffff, v33;
	v33 =	vor.u32 s16, v22  }
0x107: {  	v40 =	vld.idx.msk [tilespmem:v40+s31+$0x0], $0xffff;
	[tilespmem:v16+s26+$0x110 ss:$0x1] =	vst.idx.msk $0xffff, v34;
	v34 =	vor.u32 s22, v22  }
0x108: {  	v37 =	vld.idx.msk [tilespmem:v37+s31+$0x0], $0xffff;
	[tilespmem:v16+s26+$0x190 ss:$0x1] =	vst.idx.msk $0xffff, v38;
	v38 =	vor.u32 s19, v22  }
0x109: {  	v45 =	vor.u32 s23, v22;
	v31 =	vld.idx.msk [tilespmem:v31+s31+$0x0], $0xffff;
	[tilespmem:v16+s26+$0xBB0 ss:$0x1] =	vst.idx.msk $0xffff, v30  }
0x10a: {  	v30 =	vor.u32 s24, v22;
	[tilespmem:v16+s26+$0x210 ss:$0x1] =	vst.idx.msk $0xffff, v39;
	v39 =	vld.idx.msk [tilespmem:v41+s31+$0x0], $0xffff  }
0x10b: {  	v33 =	vld.idx.msk [tilespmem:v33+s31+$0x0], $0xffff;
	[tilespmem:v16+s26+$0x290 ss:$0x1] =	vst.idx.msk $0xffff, v35;
	v35 =	vor.u32 s2, v22  }
0x10c: {  	v34 =	vld.idx.msk [tilespmem:v34+s31+$0x0], $0xffff;
	[tilespmem:v16+s26+$0x310 ss:$0x1] =	vst.idx.msk $0xffff, v36;
	v36 =	vor.u32 s14, v19  }
0x10d: {  	v41 =	vor.u32 s3, v22;
	v38 =	vld.idx.msk [tilespmem:v38+s31+$0x0], $0xffff;
	[tilespmem:v16+s26+$0x390 ss:$0x1] =	vst.idx.msk $0xffff, v42  }
0x10e: {  	v42 =	vld.idx.msk [tilespmem:v45+s31+$0x0], $0xffff;
	[tilespmem:v16+s26+$0x810 ss:$0x1] =	vst.idx.msk $0xffff, v26;
	v26 =	vor.u32 s4, v22  }
0x10f: {  	v30 =	vld.idx.msk [tilespmem:v30+s31+$0x0], $0xffff;
	[tilespmem:v16+s26+$0x890 ss:$0x1] =	vst.idx.msk $0xffff, v27;
	v27 =	vor.u32 s6, v22  }
0x110: {  	v45 =	vor.u32 s9, v22;
	v35 =	vld.idx.msk [tilespmem:v35+s31+$0x0], $0xffff;
	[tilespmem:v16+s26+$0xBC0 ss:$0x1] =	vst.idx.msk $0xffff, v39  }
0x111: {  	v39 =	vor.u32 s5, v22;
	[tilespmem:v16+s26+$0x910 ss:$0x1] =	vst.idx.msk $0xffff, v43;
	v36 =	vld.idx.msk [tilespmem:v36+s31+$0x0], $0xffff  }
0x112: {  	v43 =	vor.u32 s12, v22;
	v41 =	vld.idx.msk [tilespmem:v41+s31+$0x0], $0xffff;
	[tilespmem:v16+s26+$0x990 ss:$0x1] =	vst.idx.msk $0xffff, v28  }
0x113: {  	v28 =	vor.u32 s14, v18;
	v26 =	vld.idx.msk [tilespmem:v26+s31+$0x0], $0xffff;
	[tilespmem:v16+s26+$0xA10 ss:$0x1] =	vst.idx.msk $0xffff, v29  }
0x114: {  	v29 =	vor.u32 s10, v21;
	v27 =	vld.idx.msk [tilespmem:v27+s31+$0x0], $0xffff;
	[tilespmem:v16+s26+$0xA90 ss:$0x1] =	vst.idx.msk $0xffff, v32  }
0x115: {  	v32 =	vor.u32 s7, v21;
	v45 =	vld.idx.msk [tilespmem:v45+s31+$0x0], $0xffff;
	[tilespmem:v16+s26+$0xB10 ss:$0x1] =	vst.idx.msk $0xffff, v25  }
0x116: {  	v25 =	vor.u32 s13, v21;
	[tilespmem:v16+s26+$0x10 ss:$0x1] =	vst.idx.msk $0xffff, v44;
	v39 =	vld.idx.msk [tilespmem:v39+s31+$0x0], $0xffff  }
0x117: {  	v44 =	vor.u32 s16, v21;
	v43 =	vld.idx.msk [tilespmem:v43+s31+$0x0], $0xffff;
	[tilespmem:v16+s26+$0xBD0 ss:$0x1] =	vst.idx.msk $0xffff, v36  }
0x118: {  	v36 =	vor.u32 s22, v21;
	[tilespmem:v16+s26+$0xA0 ss:$0x1] =	vst.idx.msk $0xffff, v40;
	v28 =	vld.idx.msk [tilespmem:v28+s31+$0x0], $0xffff  }
0x119: {  	v29 =	vld.idx.msk [tilespmem:v29+s31+$0x0], $0xffff;
	[tilespmem:v16+s26+$0x120 ss:$0x1] =	vst.idx.msk $0xffff, v37;
	v37 =	vor.u32 s19, v21  }
0x11a: {  	v32 =	vld.idx.msk [tilespmem:v32+s31+$0x0], $0xffff;
	[tilespmem:v16+s26+$0x1A0 ss:$0x1] =	vst.idx.msk $0xffff, v31;
	v31 =	vor.u32 s14, v17  }
0x11b: {  	v40 =	vld.idx.msk [tilespmem:v25+s31+$0x0], $0xffff;
	[tilespmem:v16+s26+$0x220 ss:$0x1] =	vst.idx.msk $0xffff, v33;
	v25 =	vor.u32 s23, v21  }
0x11c: {  	v33 =	vld.idx.msk [tilespmem:v44+s31+$0x0], $0xffff;
	[tilespmem:v16+s26+$0x2A0 ss:$0x1] =	vst.idx.msk $0xffff, v34;
	v34 =	vor.u32 s24, v21  }
0x11d: {  	v36 =	vld.idx.msk [tilespmem:v36+s31+$0x0], $0xffff;
	[tilespmem:v16+s26+$0x320 ss:$0x1] =	vst.idx.msk $0xffff, v38;
	v38 =	vor.u32 s2, v21  }
0x11e: {  	v44 =	vor.u32 s3, v21;
	v37 =	vld.idx.msk [tilespmem:v37+s31+$0x0], $0xffff;
	[tilespmem:v16+s26+$0xBE0 ss:$0x1] =	vst.idx.msk $0xffff, v28  }
0x11f: {  	v28 =	vor.u32 s4, v21;
	[tilespmem:v16+s26+$0x3A0 ss:$0x1] =	vst.idx.msk $0xffff, v42;
	v31 =	vld.idx.msk [tilespmem:v31+s31+$0x0], $0xffff  }
0x120: {  	v42 =	vld.idx.msk [tilespmem:v25+s31+$0x0], $0xffff;
	[tilespmem:v16+s26+$0x820 ss:$0x1] =	vst.idx.msk $0xffff, v30;
	v25 =	vor.u32 s6, v21  }
0x121: {  	v30 =	vor.u32 s25, v23;
	v34 =	vld.idx.msk [tilespmem:v34+s31+$0x0], $0xffff;
	[tilespmem:v16+s26+$0x8A0 ss:$0x1] =	vst.idx.msk $0xffff, v35  }
0x122: {  	v35 =	vld.idx.msk [tilespmem:v38+s31+$0x0], $0xffff;
	[tilespmem:v16+s26+$0x920 ss:$0x1] =	vst.idx.msk $0xffff, v41;
	v38 =	vor.u32 s9, v21  }
0x123: {  	v41 =	vld.idx.msk [tilespmem:v44+s31+$0x0], $0xffff;
	[tilespmem:v16+s26+$0x9A0 ss:$0x1] =	vst.idx.msk $0xffff, v26;
	v26 =	vor.u32 s5, v21  }
0x124: {  	v44 =	vor.u32 s12, v21;
	v28 =	vld.idx.msk [tilespmem:v28+s31+$0x0], $0xffff;
	[tilespmem:v16+s26+$0xA20 ss:$0x1] =	vst.idx.msk $0xffff, v27  }
0x125: {  	v27 =	vor.u32 s10, v20;
	v46 =	vld.idx.msk [tilespmem:v25+s31+$0x0], $0xffff;
	[tilespmem:v16+s26+$0xBF0 ss:$0x1] =	vst.idx.msk $0xffff, v31  }
0x126: {  	v25 =	vld.idx.msk [tilespmem:v30+s31+$0x0], $0xffff;
	v30 =	vor.u32 s7, v20;
	[tilespmem:v16+s26+$0xAA0 ss:$0x1] =	vst.idx.msk $0xffff, v45  }
0x127: {  	v31 =	vor.u32 s13, v20;
	v38 =	vld.idx.msk [tilespmem:v38+s31+$0x0], $0xffff;
	[tilespmem:v16+s26+$0xB20 ss:$0x1] =	vst.idx.msk $0xffff, v39  }
0x128: {  	v39 =	vor.u32 s16, v20;
	[tilespmem:v16+s26+$0x20 ss:$0x1] =	vst.idx.msk $0xffff, v43;
	v26 =	vld.idx.msk [tilespmem:v26+s31+$0x0], $0xffff  }
0x129: {  	v43 =	vld.idx.msk [tilespmem:v44+s31+$0x0], $0xffff;
	[tilespmem:v16+s26+$0xB0 ss:$0x1] =	vst.idx.msk $0xffff, v29;
	v29 =	vor.u32 s22, v20  }
0x12a: {  	v27 =	vld.idx.msk [tilespmem:v27+s31+$0x0], $0xffff;
	[tilespmem:v16+s26+$0x130 ss:$0x1] =	vst.idx.msk $0xffff, v32;
	v32 =	vor.u32 s19, v20  }
0x12b: {  	v30 =	vld.idx.msk [tilespmem:v30+s31+$0x0], $0xffff;
	[tilespmem:v16+s26+$0x1B0 ss:$0x1] =	vst.idx.msk $0xffff, v40;
	v40 =	vor.u32 s23, v20  }
0x12c: {  	v31 =	vld.idx.msk [tilespmem:v31+s31+$0x0], $0xffff;
	[tilespmem:v16+s26+$0x230 ss:$0x1] =	vst.idx.msk $0xffff, v33;
	v33 =	vor.u32 s24, v20  }
0x12d: {  	v39 =	vld.idx.msk [tilespmem:v39+s31+$0x0], $0xffff;
	[tilespmem:v16+s26+$0x2B0 ss:$0x1] =	vst.idx.msk $0xffff, v36;
	v36 =	vor.u32 s2, v20  }
0x12e: {  	v29 =	vld.idx.msk [tilespmem:v29+s31+$0x0], $0xffff;
	[tilespmem:v16+s26+$0x330 ss:$0x1] =	vst.idx.msk $0xffff, v37;
	v37 =	vor.u32 s3, v20  }
0x12f: {  	v32 =	vld.idx.msk [tilespmem:v32+s31+$0x0], $0xffff;
	[tilespmem:v16+s26+$0x3B0 ss:$0x1] =	vst.idx.msk $0xffff, v42;
	v42 =	vor.u32 s4, v20  }
0x130: {  	v40 =	vld.idx.msk [tilespmem:v40+s31+$0x0], $0xffff;
	[tilespmem:v16+s26+$0x830 ss:$0x1] =	vst.idx.msk $0xffff, v34;
	v34 =	vor.u32 s6, v20  }
0x131: {  	v33 =	vld.idx.msk [tilespmem:v33+s31+$0x0], $0xffff;
	[tilespmem:v16+s26+$0x8B0 ss:$0x1] =	vst.idx.msk $0xffff, v35;
	v35 =	vor.u32 s9, v20  }
0x132: {  	v36 =	vld.idx.msk [tilespmem:v36+s31+$0x0], $0xffff;
	[tilespmem:v16+s26+$0x930 ss:$0x1] =	vst.idx.msk $0xffff, v41;
	v41 =	vor.u32 s5, v20  }
0x133: {  	v44 =	vor.u32 s12, v20;
	v37 =	vld.idx.msk [tilespmem:v37+s31+$0x0], $0xffff;
	[tilespmem:v16+s26+$0x9B0 ss:$0x1] =	vst.idx.msk $0xffff, v28  }
0x134: {  	v28 =	vor.u32 s10, v19;
	v42 =	vld.idx.msk [tilespmem:v42+s31+$0x0], $0xffff;
	[tilespmem:v16+s26+$0xA30 ss:$0x1] =	vst.idx.msk $0xffff, v46  }
0x135: {  	v45 =	vor.u32 s7, v19;
	v34 =	vld.idx.msk [tilespmem:v34+s31+$0x0], $0xffff;
	[tilespmem:v16+s26+$0xAB0 ss:$0x1] =	vst.idx.msk $0xffff, v38  }
0x136: {  	v38 =	vor.u32 s13, v19;
	v35 =	vld.idx.msk [tilespmem:v35+s31+$0x0], $0xffff;
	[tilespmem:v16+s26+$0xB30 ss:$0x1] =	vst.idx.msk $0xffff, v26  }
0x137: {  	v26 =	vor.u32 s16, v19;
	[tilespmem:v16+s26+$0x30 ss:$0x1] =	vst.idx.msk $0xffff, v43;
	v41 =	vld.idx.msk [tilespmem:v41+s31+$0x0], $0xffff  }
0x138: {  	v43 =	vld.idx.msk [tilespmem:v44+s31+$0x0], $0xffff;
	[tilespmem:v16+s26+$0xC0 ss:$0x1] =	vst.idx.msk $0xffff, v27;
	v27 =	vor.u32 s22, v19  }
0x139: {  	v28 =	vld.idx.msk [tilespmem:v28+s31+$0x0], $0xffff;
	[tilespmem:v16+s26+$0x140 ss:$0x1] =	vst.idx.msk $0xffff, v30;
	v30 =	vor.u32 s19, v19  }
0x13a: {  	v44 =	vld.idx.msk [tilespmem:v45+s31+$0x0], $0xffff;
	[tilespmem:v16+s26+$0x1C0 ss:$0x1] =	vst.idx.msk $0xffff, v31;
	v31 =	vor.u32 s23, v19  }
0x13b: {  	v38 =	vld.idx.msk [tilespmem:v38+s31+$0x0], $0xffff;
	[tilespmem:v16+s26+$0x240 ss:$0x1] =	vst.idx.msk $0xffff, v39;
	v39 =	vor.u32 s24, v19  }
0x13c: {  	v26 =	vld.idx.msk [tilespmem:v26+s31+$0x0], $0xffff;
	[tilespmem:v16+s26+$0x2C0 ss:$0x1] =	vst.idx.msk $0xffff, v29;
	v29 =	vor.u32 s2, v19  }
0x13d: {  	v27 =	vld.idx.msk [tilespmem:v27+s31+$0x0], $0xffff;
	[tilespmem:v16+s26+$0x340 ss:$0x1] =	vst.idx.msk $0xffff, v32;
	v32 =	vor.u32 s3, v19  }
0x13e: {  	v30 =	vld.idx.msk [tilespmem:v30+s31+$0x0], $0xffff;
	[tilespmem:v16+s26+$0x3C0 ss:$0x1] =	vst.idx.msk $0xffff, v40;
	v40 =	vor.u32 s4, v19  }
0x13f: {  	v31 =	vld.idx.msk [tilespmem:v31+s31+$0x0], $0xffff;
	[tilespmem:v16+s26+$0x840 ss:$0x1] =	vst.idx.msk $0xffff, v33;
	v33 =	vor.u32 s6, v19  }
0x140: {  	v39 =	vld.idx.msk [tilespmem:v39+s31+$0x0], $0xffff;
	[tilespmem:v16+s26+$0x8C0 ss:$0x1] =	vst.idx.msk $0xffff, v36;
	v36 =	vor.u32 s9, v19  }
0x141: {  	v29 =	vld.idx.msk [tilespmem:v29+s31+$0x0], $0xffff;
	[tilespmem:v16+s26+$0x940 ss:$0x1] =	vst.idx.msk $0xffff, v37;
	v37 =	vor.u32 s5, v19  }
0x142: {  	v45 =	vor.u32 s12, v19;
	v32 =	vld.idx.msk [tilespmem:v32+s31+$0x0], $0xffff;
	[tilespmem:v16+s26+$0x9C0 ss:$0x1] =	vst.idx.msk $0xffff, v42  }
0x143: {  	v42 =	vor.u32 s10, v18;
	v40 =	vld.idx.msk [tilespmem:v40+s31+$0x0], $0xffff;
	[tilespmem:v16+s26+$0xA40 ss:$0x1] =	vst.idx.msk $0xffff, v34  }
0x144: {  	v34 =	vor.u32 s7, v18;
	v33 =	vld.idx.msk [tilespmem:v33+s31+$0x0], $0xffff;
	[tilespmem:v16+s26+$0xAC0 ss:$0x1] =	vst.idx.msk $0xffff, v35  }
0x145: {  	v35 =	vor.u32 s13, v18;
	v36 =	vld.idx.msk [tilespmem:v36+s31+$0x0], $0xffff;
	[tilespmem:v16+s26+$0xB40 ss:$0x1] =	vst.idx.msk $0xffff, v41  }
0x146: {  	v41 =	vor.u32 s16, v18;
	[tilespmem:v16+s26+$0x40 ss:$0x1] =	vst.idx.msk $0xffff, v43;
	v37 =	vld.idx.msk [tilespmem:v37+s31+$0x0], $0xffff  }
0x147: {  	v43 =	vld.idx.msk [tilespmem:v45+s31+$0x0], $0xffff;
	[tilespmem:v16+s26+$0xD0 ss:$0x1] =	vst.idx.msk $0xffff, v28;
	v28 =	vor.u32 s22, v18  }
0x148: {  	v42 =	vld.idx.msk [tilespmem:v42+s31+$0x0], $0xffff;
	[tilespmem:v16+s26+$0x150 ss:$0x1] =	vst.idx.msk $0xffff, v44;
	v44 =	vor.u32 s19, v18  }
0x149: {  	v34 =	vld.idx.msk [tilespmem:v34+s31+$0x0], $0xffff;
	[tilespmem:v16+s26+$0x1D0 ss:$0x1] =	vst.idx.msk $0xffff, v38;
	v38 =	vor.u32 s23, v18  }
0x14a: {  	v35 =	vld.idx.msk [tilespmem:v35+s31+$0x0], $0xffff;
	[tilespmem:v16+s26+$0x250 ss:$0x1] =	vst.idx.msk $0xffff, v26;
	v26 =	vor.u32 s24, v18  }
0x14b: {  	v41 =	vld.idx.msk [tilespmem:v41+s31+$0x0], $0xffff;
	[tilespmem:v16+s26+$0x2D0 ss:$0x1] =	vst.idx.msk $0xffff, v27;
	v27 =	vor.u32 s2, v18  }
0x14c: {  	v28 =	vld.idx.msk [tilespmem:v28+s31+$0x0], $0xffff;
	[tilespmem:v16+s26+$0x350 ss:$0x1] =	vst.idx.msk $0xffff, v30;
	v30 =	vor.u32 s3, v18  }
0x14d: {  	v44 =	vld.idx.msk [tilespmem:v44+s31+$0x0], $0xffff;
	[tilespmem:v16+s26+$0x3D0 ss:$0x1] =	vst.idx.msk $0xffff, v31;
	v31 =	vor.u32 s4, v18  }
0x14e: {  	v38 =	vld.idx.msk [tilespmem:v38+s31+$0x0], $0xffff;
	[tilespmem:v16+s26+$0x850 ss:$0x1] =	vst.idx.msk $0xffff, v39;
	v39 =	vor.u32 s6, v18  }
0x14f: {  	v45 =	vld.idx.msk [tilespmem:v26+s31+$0x0], $0xffff;
	[tilespmem:v16+s26+$0x8D0 ss:$0x1] =	vst.idx.msk $0xffff, v29;
	v26 =	vor.u32 s9, v18  }
0x150: {  	v46 =	vld.idx.msk [tilespmem:v27+s31+$0x0], $0xffff;
	[tilespmem:v16+s26+$0x950 ss:$0x1] =	vst.idx.msk $0xffff, v32;
	v27 =	vor.u32 s5, v18  }
0x151: {  	v29 =	vor.u32 s12, v18;
	v32 =	vld.idx.msk [tilespmem:v30+s31+$0x0], $0xffff;
	[tilespmem:v16+s26+$0x9D0 ss:$0x1] =	vst.idx.msk $0xffff, v40  }
0x152: {  	v30 =	vor.u32 s10, v17;
	v40 =	vld.idx.msk [tilespmem:v31+s31+$0x0], $0xffff;
	[tilespmem:v16+s26+$0xA50 ss:$0x1] =	vst.idx.msk $0xffff, v33  }
0x153: {  	v31 =	vor.u32 s7, v17;
	v33 =	vld.idx.msk [tilespmem:v39+s31+$0x0], $0xffff;
	[tilespmem:v16+s26+$0xAD0 ss:$0x1] =	vst.idx.msk $0xffff, v36  }
0x154: {  	v36 =	vor.u32 s13, v17;
	v39 =	vld.idx.msk [tilespmem:v26+s31+$0x0], $0xffff;
	[tilespmem:v16+s26+$0xB50 ss:$0x1] =	vst.idx.msk $0xffff, v37  }
0x155: {  	v26 =	vor.u32 s16, v17;
	[tilespmem:v16+s26+$0x50 ss:$0x1] =	vst.idx.msk $0xffff, v43;
	v37 =	vld.idx.msk [tilespmem:v27+s31+$0x0], $0xffff  }
0x156: {  	v27 =	vor.u32 s22, v17;
	v43 =	vld.idx.msk [tilespmem:v29+s31+$0x0], $0xffff;
	[tilespmem:v16+s26+$0xE0 ss:$0x1] =	vst.idx.msk $0xffff, v42  }
0x157: {  	v29 =	vor.u32 s19, v17;
	v47 =	vld.idx.msk [tilespmem:v30+s31+$0x0], $0xffff;
	[tilespmem:v16+s26+$0x160 ss:$0x1] =	vst.idx.msk $0xffff, v34  }
0x158: {  	v30 =	vor.u32 s23, v17;
	v48 =	vld.idx.msk [tilespmem:v31+s31+$0x0], $0xffff;
	[tilespmem:v16+s26+$0x1E0 ss:$0x1] =	vst.idx.msk $0xffff, v35  }
0x159: {  	v31 =	vor.u32 s24, v17;
	v49 =	vld.idx.msk [tilespmem:v36+s31+$0x0], $0xffff;
	[tilespmem:v16+s26+$0x260 ss:$0x1] =	vst.idx.msk $0xffff, v41  }
0x15a: {  	v34 =	vor.u32 s2, v17;
	v50 =	vld.idx.msk [tilespmem:v26+s31+$0x0], $0xffff;
	[tilespmem:v16+s26+$0x2E0 ss:$0x1] =	vst.idx.msk $0xffff, v28  }
0x15b: {  	v35 =	vor.u32 s3, v17;
	v26 =	vld.idx.msk [tilespmem:v27+s31+$0x0], $0xffff;
	[tilespmem:v16+s26+$0x360 ss:$0x1] =	vst.idx.msk $0xffff, v44  }
0x15c: {  	v36 =	vor.u32 s4, v17;
	v27 =	vld.idx.msk [tilespmem:v29+s31+$0x0], $0xffff;
	[tilespmem:v16+s26+$0x3E0 ss:$0x1] =	vst.idx.msk $0xffff, v38  }
0x15d: {  	v38 =	vor.u32 s6, v17;
	v28 =	vld.idx.msk [tilespmem:v30+s31+$0x0], $0xffff;
	[tilespmem:v16+s26+$0x860 ss:$0x1] =	vst.idx.msk $0xffff, v45  }
0x15e: {  	v41 =	vor.u32 s9, v17;
	v29 =	vld.idx.msk [tilespmem:v31+s31+$0x0], $0xffff;
	[tilespmem:v16+s26+$0x8E0 ss:$0x1] =	vst.idx.msk $0xffff, v46  }
0x15f: {  	v44 =	vor.u32 s5, v17;
	v30 =	vld.idx.msk [tilespmem:v34+s31+$0x0], $0xffff;
	[tilespmem:v16+s26+$0x960 ss:$0x1] =	vst.idx.msk $0xffff, v32  }
0x160: {  	s10 =	sadd.s32 $0x1, s25;
	v45 =	vor.u32 s12, v17;
	s12 =	smov.u32 s25;
	v31 =	vld.idx.msk [tilespmem:v35+s31+$0x0], $0xffff;
	[tilespmem:v16+s26+$0x9E0 ss:$0x1] =	vst.idx.msk $0xffff, v40  }
0x161: {  	s7 =	sadd.s32 $0x2, s25;
	v35 =	vor.u32 s10, v23;
	v32 =	vld.idx.msk [tilespmem:v36+s31+$0x0], $0xffff;
	[tilespmem:v16+s26+$0xA60 ss:$0x1] =	vst.idx.msk $0xffff, v33  }
0x162: {  	s13 =	sadd.s32 $0x3, s25;
	v36 =	vor.u32 s7, v23;
	v33 =	vld.idx.msk [tilespmem:v38+s31+$0x0], $0xffff;
	[tilespmem:v16+s26+$0xAE0 ss:$0x1] =	vst.idx.msk $0xffff, v39  }
0x163: {  	s16 =	sadd.s32 $0x4, s25;
	v40 =	vor.u32 s13, v23;
	v34 =	vld.idx.msk [tilespmem:v41+s31+$0x0], $0xffff;
	[tilespmem:v16+s26+$0xB60 ss:$0x1] =	vst.idx.msk $0xffff, v37  }
.Ltmp0:
0x164: {  	s22 =	sadd.s32 $0x5, s25;
	v42 =	vor.u32 s16, v23;
	[tilespmem:v16+s26+$0x60 ss:$0x1] =	vst.idx.msk $0xffff, v43;
	v38 =	vld.idx.msk [tilespmem:v44+s31+$0x0], $0xffff;
	(pc) =	sbr.rel @p0 .LBB2_3-.Ltmp0, $4  }
0x165: {  	s19 =	sadd.s32 $0x6, s25;
	v44 =	vor.u32 s22, v23;
	v39 =	vld.idx.msk [tilespmem:v45+s31+$0x0], $0xffff;
	[tilespmem:v16+s26+$0xF0 ss:$0x1] =	vst.idx.msk $0xffff, v47  }
0x166: {  	s23 =	sadd.s32 $0x7, s25;
	v43 =	vor.u32 s19, v23;
	v35 =	vld.idx.msk [tilespmem:v35+s31+$0x0], $0xffff;
	[tilespmem:v16+s26+$0x170 ss:$0x1] =	vst.idx.msk $0xffff, v48  }
0x167: {  	s24 =	sadd.s32 $0x8, s25;
	v41 =	vor.u32 s23, v23;
	v36 =	vld.idx.msk [tilespmem:v36+s31+$0x0], $0xffff;
	[tilespmem:v16+s26+$0x1F0 ss:$0x1] =	vst.idx.msk $0xffff, v49  }
0x168: {  	s25 =	sadd.s32 $0x10, s25;
	s14 =	sadd.s32 $0xF, s12;
	v37 =	vld.idx.msk [tilespmem:v40+s31+$0x0], $0xffff;
	v40 =	vor.u32 s24, v23;
	[tilespmem:v16+s26+$0x270 ss:$0x1] =	vst.idx.msk $0xffff, v50  }
0x169: {  	_ =	sdelay $0x3  }
0x16a: {  	[tilespmem:v16+s26+$0x2F0 ss:$0x1] =	vst.idx.msk $0xffff, v26  }
0x16b: {  	[tilespmem:v16+s26+$0x370 ss:$0x1] =	vst.idx.msk $0xffff, v27  }
0x16c: {  	[tilespmem:v16+s26+$0x3F0 ss:$0x1] =	vst.idx.msk $0xffff, v28  }
0x16d: {  	[tilespmem:v16+s26+$0x870 ss:$0x1] =	vst.idx.msk $0xffff, v29  }
0x16e: {  	[tilespmem:v16+s26+$0x8F0 ss:$0x1] =	vst.idx.msk $0xffff, v30  }
0x16f: {  	[tilespmem:v16+s26+$0x970 ss:$0x1] =	vst.idx.msk $0xffff, v31  }
0x170: {  	[tilespmem:v16+s26+$0x9F0 ss:$0x1] =	vst.idx.msk $0xffff, v32  }
0x171: {  	[tilespmem:v16+s26+$0xA70 ss:$0x1] =	vst.idx.msk $0xffff, v33  }
0x172: {  	[tilespmem:v16+s26+$0xAF0 ss:$0x1] =	vst.idx.msk $0xffff, v34  }
0x173: {  	[tilespmem:v16+s26+$0xB70 ss:$0x1] =	vst.idx.msk $0xffff, v38  }
0x174: {  	v61 =	vor.u32 s14, v23;
	v63 =	vld.idx.msk [tilespmem:v42+s31+$0x0], $0xffff;
	s2 =	sadd.s32 $0x1000, s26;
	[tilespmem:v16+s26+$0x70 ss:$0x1] =	vst.idx.msk $0xffff, v39  }
0x175: {  	v42 =	vld.idx.msk [tilespmem:v44+s31+$0x0], $0xffff;
	v58 =	vor.u32 s7, v24;
	[tilespmem:v16+s2+$0x0 ss:$0x1] =	vst.idx.msk $0xffff, v25  }
0x176: {  	s3 =	sadd.s32 $0x9, s12;
	v45 =	vld.idx.msk [tilespmem:v43+s31+$0x0], $0xffff;
	v60 =	vor.u32 s13, v24;
	[tilespmem:v16+s2+$0x80 ss:$0x1] =	vst.idx.msk $0xffff, v35  }
0x177: {  	s4 =	sadd.s32 $0xA, s12;
	v48 =	vld.idx.msk [tilespmem:v41+s31+$0x0], $0xffff;
	v44 =	vor.u32 s3, v23;
	[tilespmem:v16+s2+$0x100 ss:$0x1] =	vst.idx.msk $0xffff, v36  }
0x178: {  	s5 =	sadd.s32 $0xB, s12;
	v50 =	vld.idx.msk [tilespmem:v40+s31+$0x0], $0xffff;
	v46 =	vor.u32 s4, v23;
	[tilespmem:v16+s2+$0x180 ss:$0x1] =	vst.idx.msk $0xffff, v37  }
0x179: {  	s6 =	sadd.s32 $0xC, s12;
	v47 =	vor.u32 s5, v23;
	v26 =	vld.idx.msk [tilespmem:v61+s31+$0x0], $0xffff;
	[tilespmem:v16+s2+$0x200 ss:$0x1] =	vst.idx.msk $0xffff, v63  }
0x17a: {  	s9 =	sadd.s32 $0xD, s12;
	v49 =	vor.u32 s6, v23;
	[tilespmem:v16+s2+$0x280 ss:$0x1] =	vst.idx.msk $0xffff, v42;
	v32 =	vld.idx.msk [tilespmem:v58+s31+$0x0], $0xffff  }
0x17b: {  	s25 =	sadd.s32 $0xE, s12;
	v52 =	vor.u32 s9, v23;
	[tilespmem:v16+s2+$0x300 ss:$0x1] =	vst.idx.msk $0xffff, v45;
	v37 =	vld.idx.msk [tilespmem:v60+s31+$0x0], $0xffff  }
0x17c: {  	v53 =	vor.u32 s25, v23;
	[tilespmem:v16+s2+$0x380 ss:$0x1] =	vst.idx.msk $0xffff, v48;
	v30 =	vld.idx.msk [tilespmem:v44+s31+$0x0], $0xffff  }
0x17d: {  	v38 =	vor.u32 s23, v24;
	[tilespmem:v16+s2+$0x800 ss:$0x1] =	vst.idx.msk $0xffff, v50;
	v54 =	vld.idx.msk [tilespmem:v46+s31+$0x0], $0xffff  }
0x17e: {  	v36 =	vor.u32 s19, v24;
	v55 =	vld.idx.msk [tilespmem:v47+s31+$0x0], $0xffff;
	[tilespmem:v16+s2+$0xB80 ss:$0x1] =	vst.idx.msk $0xffff, v26  }
0x17f: {  	v63 =	vor.u32 s22, v24;
	v57 =	vld.idx.msk [tilespmem:v49+s31+$0x0], $0xffff;
	[tilespmem:v16+s2+$0x110 ss:$0x1] =	vst.idx.msk $0xffff, v32  }
0x180: {  	v62 =	vor.u32 s14, v24;
	v28 =	vld.idx.msk [tilespmem:v52+s31+$0x0], $0xffff;
	[tilespmem:v16+s2+$0x190 ss:$0x1] =	vst.idx.msk $0xffff, v37  }
0x181: {  	v39 =	vor.u32 s24, v24;
	v23 =	vld.idx.msk [tilespmem:v53+s31+$0x0], $0xffff;
	[tilespmem:v16+s2+$0x880 ss:$0x1] =	vst.idx.msk $0xffff, v30  }
0x182: {  	v41 =	vor.u32 s3, v24;
	v34 =	vld.idx.msk [tilespmem:v38+s31+$0x0], $0xffff;
	[tilespmem:v16+s2+$0x900 ss:$0x1] =	vst.idx.msk $0xffff, v54  }
0x183: {  	v45 =	vor.u32 s4, v24;
	v44 =	vld.idx.msk [tilespmem:v36+s31+$0x0], $0xffff;
	[tilespmem:v16+s2+$0x980 ss:$0x1] =	vst.idx.msk $0xffff, v55  }
0x184: {  	v46 =	vor.u32 s5, v24;
	v42 =	vld.idx.msk [tilespmem:v63+s31+$0x0], $0xffff;
	[tilespmem:v16+s2+$0xA00 ss:$0x1] =	vst.idx.msk $0xffff, v57  }
0x185: {  	v47 =	vor.u32 s6, v24;
	v27 =	vld.idx.msk [tilespmem:v62+s31+$0x0], $0xffff;
	[tilespmem:v16+s2+$0xA80 ss:$0x1] =	vst.idx.msk $0xffff, v28  }
0x186: {  	v49 =	vor.u32 s25, v24;
	[tilespmem:v16+s2+$0xB00 ss:$0x1] =	vst.idx.msk $0xffff, v23;
	v28 =	vld.idx.msk [tilespmem:v39+s31+$0x0], $0xffff  }
0x187: {  	v60 =	vor.u32 s19, v22;
	[tilespmem:v16+s2+$0x390 ss:$0x1] =	vst.idx.msk $0xffff, v34;
	v29 =	vld.idx.msk [tilespmem:v41+s31+$0x0], $0xffff  }
0x188: {  	v56 =	vor.u32 s10, v24;
	v50 =	vld.idx.msk [tilespmem:v45+s31+$0x0], $0xffff;
	[tilespmem:v16+s2+$0x310 ss:$0x1] =	vst.idx.msk $0xffff, v44  }
0x189: {  	v62 =	vor.u32 s16, v24;
	v52 =	vld.idx.msk [tilespmem:v46+s31+$0x0], $0xffff;
	[tilespmem:v16+s2+$0x290 ss:$0x1] =	vst.idx.msk $0xffff, v42  }
0x18a: {  	v55 =	vor.u32 s7, v22;
	v33 =	vld.idx.msk [tilespmem:v47+s31+$0x0], $0xffff;
	[tilespmem:v16+s2+$0xB90 ss:$0x1] =	vst.idx.msk $0xffff, v27  }
0x18b: {  	v58 =	vor.u32 s22, v22;
	v23 =	vld.idx.msk [tilespmem:v49+s31+$0x0], $0xffff;
	[tilespmem:v16+s2+$0x810 ss:$0x1] =	vst.idx.msk $0xffff, v28  }
0x18c: {  	v51 =	vor.u32 s14, v22;
	v37 =	vld.idx.msk [tilespmem:v60+s31+$0x0], $0xffff;
	[tilespmem:v16+s2+$0x890 ss:$0x1] =	vst.idx.msk $0xffff, v29  }
0x18d: {  	v63 =	vor.u32 s24, v22;
	v27 =	vld.idx.msk [tilespmem:v56+s31+$0x0], $0xffff;
	[tilespmem:v16+s2+$0x910 ss:$0x1] =	vst.idx.msk $0xffff, v50  }
0x18e: {  	v38 =	vor.u32 s4, v22;
	v40 =	vld.idx.msk [tilespmem:v62+s31+$0x0], $0xffff;
	[tilespmem:v16+s2+$0x990 ss:$0x1] =	vst.idx.msk $0xffff, v52  }
0x18f: {  	v44 =	vor.u32 s25, v22;
	v28 =	vld.idx.msk [tilespmem:v55+s31+$0x0], $0xffff;
	[tilespmem:v16+s2+$0xA10 ss:$0x1] =	vst.idx.msk $0xffff, v33  }
0x190: {  	v56 =	vor.u32 s13, v22;
	v25 =	vld.idx.msk [tilespmem:v58+s31+$0x0], $0xffff;
	[tilespmem:v16+s2+$0xB10 ss:$0x1] =	vst.idx.msk $0xffff, v23  }
0x191: {  	v62 =	vor.u32 s23, v22;
	v59 =	vld.idx.msk [tilespmem:v51+s31+$0x0], $0xffff;
	[tilespmem:v16+s2+$0x320 ss:$0x1] =	vst.idx.msk $0xffff, v37  }
0x192: {  	v39 =	vor.u32 s5, v22;
	v23 =	vld.idx.msk [tilespmem:v63+s31+$0x0], $0xffff;
	[tilespmem:v16+s2+$0x90 ss:$0x1] =	vst.idx.msk $0xffff, v27  }
0x193: {  	v51 =	vor.u32 s12, v24;
	v32 =	vld.idx.msk [tilespmem:v38+s31+$0x0], $0xffff;
	[tilespmem:v16+s2+$0x210 ss:$0x1] =	vst.idx.msk $0xffff, v40  }
0x194: {  	v54 =	vor.u32 s10, v22;
	v50 =	vld.idx.msk [tilespmem:v44+s31+$0x0], $0xffff;
	[tilespmem:v16+s2+$0x120 ss:$0x1] =	vst.idx.msk $0xffff, v28  }
0x195: {  	v47 =	vor.u32 s7, v21;
	v29 =	vld.idx.msk [tilespmem:v56+s31+$0x0], $0xffff;
	[tilespmem:v16+s2+$0x2A0 ss:$0x1] =	vst.idx.msk $0xffff, v25  }
0x196: {  	v61 =	vor.u32 s14, v21;
	v40 =	vld.idx.msk [tilespmem:v62+s31+$0x0], $0xffff;
	[tilespmem:v16+s2+$0xBA0 ss:$0x1] =	vst.idx.msk $0xffff, v59  }
0x197: {  	v60 =	vor.u32 s4, v21;
	v27 =	vld.idx.msk [tilespmem:v39+s31+$0x0], $0xffff;
	[tilespmem:v16+s2+$0x820 ss:$0x1] =	vst.idx.msk $0xffff, v23  }
0x198: {  	v48 =	vor.u32 s9, v24;
	v56 =	vor.u32 s24, v21;
	v24 =	vld.idx.msk [tilespmem:v51+s31+$0x0], $0xffff;
	[tilespmem:v16+s2+$0x920 ss:$0x1] =	vst.idx.msk $0xffff, v32  }
0x199: {  	v36 =	vor.u32 s3, v22;
	v59 =	vld.idx.msk [tilespmem:v54+s31+$0x0], $0xffff;
	[tilespmem:v16+s2+$0xB20 ss:$0x1] =	vst.idx.msk $0xffff, v50  }
0x19a: {  	v52 =	vor.u32 s22, v21;
	v28 =	vld.idx.msk [tilespmem:v47+s31+$0x0], $0xffff;
	[tilespmem:v16+s2+$0x1A0 ss:$0x1] =	vst.idx.msk $0xffff, v29  }
0x19b: {  	v30 =	vld.idx.msk [tilespmem:v61+s31+$0x0], $0xffff;
	[tilespmem:v16+s2+$0x3A0 ss:$0x1] =	vst.idx.msk $0xffff, v40  }
0x19c: {  	v55 =	vor.u32 s23, v21;
	v37 =	vld.idx.msk [tilespmem:v60+s31+$0x0], $0xffff;
	[tilespmem:v16+s2+$0x9A0 ss:$0x1] =	vst.idx.msk $0xffff, v27  }
0x19d: {  	v43 =	vor.u32 s14, v20;
	v34 =	vld.idx.msk [tilespmem:v56+s31+$0x0], $0xffff;
	[tilespmem:v16+s2+$0x10 ss:$0x1] =	vst.idx.msk $0xffff, v24  }
0x19e: {  	v62 =	vor.u32 s5, v21;
	[tilespmem:v16+s2+$0xA0 ss:$0x1] =	vst.idx.msk $0xffff, v59;
	v24 =	vld.idx.msk [tilespmem:v36+s31+$0x0], $0xffff  }
0x19f: {  	v45 =	vor.u32 s12, v22;
	v59 =	vld.idx.msk [tilespmem:v52+s31+$0x0], $0xffff;
	[tilespmem:v16+s2+$0x130 ss:$0x1] =	vst.idx.msk $0xffff, v28  }
0x1a0: {  	v41 =	vor.u32 s6, v22;
	[tilespmem:v16+s2+$0xBB0 ss:$0x1] =	vst.idx.msk $0xffff, v30;
	v30 =	vld.idx.msk [tilespmem:v48+s31+$0x0], $0xffff  }
0x1a1: {  	v58 =	vor.u32 s3, v21;
	v63 =	vld.idx.msk [tilespmem:v55+s31+$0x0], $0xffff;
	[tilespmem:v16+s2+$0x930 ss:$0x1] =	vst.idx.msk $0xffff, v37  }
0x1a2: {  	v57 =	vor.u32 s16, v22;
	v26 =	vld.idx.msk [tilespmem:v43+s31+$0x0], $0xffff;
	[tilespmem:v16+s2+$0x830 ss:$0x1] =	vst.idx.msk $0xffff, v34  }
0x1a3: {  	v39 =	vld.idx.msk [tilespmem:v62+s31+$0x0], $0xffff;
	v43 =	vor.u32 s9, v22;
	[tilespmem:v16+s2+$0x8A0 ss:$0x1] =	vst.idx.msk $0xffff, v24  }
0x1a4: {  	v53 =	vor.u32 s14, v19;
	v22 =	vld.idx.msk [tilespmem:v45+s31+$0x0], $0xffff;
	[tilespmem:v16+s2+$0x2B0 ss:$0x1] =	vst.idx.msk $0xffff, v59  }
0x1a5: {  	v46 =	vor.u32 s10, v21;
	[tilespmem:v16+s2+$0xA90 ss:$0x1] =	vst.idx.msk $0xffff, v30;
	v30 =	vld.idx.msk [tilespmem:v41+s31+$0x0], $0xffff  }
0x1a6: {  	v45 =	vor.u32 s22, v20;
	[tilespmem:v16+s2+$0x3B0 ss:$0x1] =	vst.idx.msk $0xffff, v63;
	v25 =	vld.idx.msk [tilespmem:v58+s31+$0x0], $0xffff  }
0x1a7: {  	v49 =	vor.u32 s13, v21;
	[tilespmem:v16+s2+$0xBC0 ss:$0x1] =	vst.idx.msk $0xffff, v26;
	v26 =	vld.idx.msk [tilespmem:v57+s31+$0x0], $0xffff  }
0x1a8: {  	v52 =	vor.u32 s3, v20;
	[tilespmem:v16+s2+$0x9B0 ss:$0x1] =	vst.idx.msk $0xffff, v39;
	v48 =	vld.idx.msk [tilespmem:v43+s31+$0x0], $0xffff  }
0x1a9: {  	v51 =	vor.u32 s16, v21;
	[tilespmem:v16+s2+$0x20 ss:$0x1] =	vst.idx.msk $0xffff, v22;
	v31 =	vld.idx.msk [tilespmem:v53+s31+$0x0], $0xffff  }
0x1aa: {  	v61 =	vor.u32 s14, v18;
	v53 =	vld.idx.msk [tilespmem:v46+s31+$0x0], $0xffff;
	[tilespmem:v16+s2+$0xA20 ss:$0x1] =	vst.idx.msk $0xffff, v30  }
0x1ab: {  	v54 =	vor.u32 s19, v21;
	[tilespmem:v16+s2+$0x8B0 ss:$0x1] =	vst.idx.msk $0xffff, v25;
	v25 =	vld.idx.msk [tilespmem:v45+s31+$0x0], $0xffff  }
0x1ac: {  	v40 =	vor.u32 s10, v20;
	[tilespmem:v16+s2+$0x220 ss:$0x1] =	vst.idx.msk $0xffff, v26;
	v26 =	vld.idx.msk [tilespmem:v49+s31+$0x0], $0xffff  }
0x1ad: {  	v36 =	vor.u32 s25, v21;
	[tilespmem:v16+s2+$0xAA0 ss:$0x1] =	vst.idx.msk $0xffff, v48;
	v60 =	vld.idx.msk [tilespmem:v52+s31+$0x0], $0xffff  }
0x1ae: {  	v49 =	vor.u32 s23, v20;
	[tilespmem:v16+s2+$0xBD0 ss:$0x1] =	vst.idx.msk $0xffff, v31;
	v57 =	vld.idx.msk [tilespmem:v51+s31+$0x0], $0xffff  }
0x1af: {  	v37 =	vor.u32 s22, v19;
	[tilespmem:v16+s2+$0xB0 ss:$0x1] =	vst.idx.msk $0xffff, v53;
	v33 =	vld.idx.msk [tilespmem:v61+s31+$0x0], $0xffff  }
0x1b0: {  	v43 =	vor.u32 s13, v20;
	v61 =	vld.idx.msk [tilespmem:v54+s31+$0x0], $0xffff;
	[tilespmem:v16+s2+$0x2C0 ss:$0x1] =	vst.idx.msk $0xffff, v25  }
0x1b1: {  	v51 =	vor.u32 s24, v20;
	v46 =	vld.idx.msk [tilespmem:v40+s31+$0x0], $0xffff;
	[tilespmem:v16+s2+$0x1B0 ss:$0x1] =	vst.idx.msk $0xffff, v26  }
0x1b2: {  	v38 =	vor.u32 s12, v21;
	v26 =	vld.idx.msk [tilespmem:v36+s31+$0x0], $0xffff;
	[tilespmem:v16+s2+$0x8C0 ss:$0x1] =	vst.idx.msk $0xffff, v60  }
0x1b3: {  	v44 =	vor.u32 s16, v20;
	v56 =	vld.idx.msk [tilespmem:v49+s31+$0x0], $0xffff;
	[tilespmem:v16+s2+$0x230 ss:$0x1] =	vst.idx.msk $0xffff, v57  }
0x1b4: {  	v42 =	vor.u32 s14, v17;
	v22 =	vld.idx.msk [tilespmem:v37+s31+$0x0], $0xffff;
	[tilespmem:v16+s2+$0xBE0 ss:$0x1] =	vst.idx.msk $0xffff, v33  }
0x1b5: {  	v47 =	vor.u32 s19, v20;
	v50 =	vld.idx.msk [tilespmem:v43+s31+$0x0], $0xffff;
	[tilespmem:v16+s2+$0x330 ss:$0x1] =	vst.idx.msk $0xffff, v61  }
0x1b6: {  	v35 =	vor.u32 s9, v21;
	v63 =	vor.u32 s10, v19;
	v58 =	vld.idx.msk [tilespmem:v51+s31+$0x0], $0xffff;
	[tilespmem:v16+s2+$0xC0 ss:$0x1] =	vst.idx.msk $0xffff, v46  }
0x1b7: {  	v53 =	vor.u32 s4, v20;
	v33 =	vor.u32 s6, v21;
	v21 =	vld.idx.msk [tilespmem:v38+s31+$0x0], $0xffff;
	[tilespmem:v16+s2+$0xB30 ss:$0x1] =	vst.idx.msk $0xffff, v26  }
0x1b8: {  	v39 =	vor.u32 s23, v19;
	v28 =	vld.idx.msk [tilespmem:v44+s31+$0x0], $0xffff;
	[tilespmem:v16+s2+$0x3C0 ss:$0x1] =	vst.idx.msk $0xffff, v56  }
0x1b9: {  	v29 =	vld.idx.msk [tilespmem:v42+s31+$0x0], $0xffff;
	[tilespmem:v16+s2+$0x2D0 ss:$0x1] =	vst.idx.msk $0xffff, v22  }
0x1ba: {  	v55 =	vor.u32 s5, v20;
	v54 =	vld.idx.msk [tilespmem:v47+s31+$0x0], $0xffff;
	[tilespmem:v16+s2+$0x1C0 ss:$0x1] =	vst.idx.msk $0xffff, v50  }
0x1bb: {  	v40 =	vor.u32 s24, v19;
	v25 =	vld.idx.msk [tilespmem:v63+s31+$0x0], $0xffff;
	[tilespmem:v16+s2+$0x840 ss:$0x1] =	vst.idx.msk $0xffff, v58  }
0x1bc: {  	v26 =	vld.idx.msk [tilespmem:v53+s31+$0x0], $0xffff;
	[tilespmem:v16+s2+$0x30 ss:$0x1] =	vst.idx.msk $0xffff, v21  }
0x1bd: {  	v42 =	vor.u32 s7, v20;
	v45 =	vld.idx.msk [tilespmem:v39+s31+$0x0], $0xffff;
	[tilespmem:v16+s2+$0x240 ss:$0x1] =	vst.idx.msk $0xffff, v28  }
0x1be: {  	v62 =	vor.u32 s12, v20;
	v41 =	vld.idx.msk [tilespmem:v33+s31+$0x0], $0xffff;
	[tilespmem:v16+s2+$0xBF0 ss:$0x1] =	vst.idx.msk $0xffff, v29  }
0x1bf: {  	v36 =	vor.u32 s16, v19;
	v33 =	vld.idx.msk [tilespmem:v55+s31+$0x0], $0xffff;
	[tilespmem:v16+s2+$0x340 ss:$0x1] =	vst.idx.msk $0xffff, v54  }
0x1c0: {  	v38 =	vor.u32 s19, v19;
	v47 =	vld.idx.msk [tilespmem:v40+s31+$0x0], $0xffff;
	[tilespmem:v16+s2+$0xD0 ss:$0x1] =	vst.idx.msk $0xffff, v25  }
0x1c1: {  	v53 =	vor.u32 s10, v18;
	v29 =	vld.idx.msk [tilespmem:v35+s31+$0x0], $0xffff;
	[tilespmem:v16+s2+$0x940 ss:$0x1] =	vst.idx.msk $0xffff, v26  }
0x1c2: {  	v57 =	vor.u32 s6, v20;
	v48 =	vld.idx.msk [tilespmem:v42+s31+$0x0], $0xffff;
	[tilespmem:v16+s2+$0x3D0 ss:$0x1] =	vst.idx.msk $0xffff, v45  }
0x1c3: {  	v59 =	vor.u32 s9, v20;
	v61 =	vor.u32 s25, v20;
	v20 =	vld.idx.msk [tilespmem:v62+s31+$0x0], $0xffff;
	[tilespmem:v16+s2+$0xA30 ss:$0x1] =	vst.idx.msk $0xffff, v41  }
0x1c4: {  	v35 =	vor.u32 s13, v19;
	v24 =	vld.idx.msk [tilespmem:v36+s31+$0x0], $0xffff;
	[tilespmem:v16+s2+$0x9C0 ss:$0x1] =	vst.idx.msk $0xffff, v33  }
0x1c5: {  	v42 =	vor.u32 s4, v19;
	v43 =	vld.idx.msk [tilespmem:v38+s31+$0x0], $0xffff;
	[tilespmem:v16+s2+$0x850 ss:$0x1] =	vst.idx.msk $0xffff, v47  }
0x1c6: {  	v44 =	vor.u32 s5, v19;
	v22 =	vld.idx.msk [tilespmem:v53+s31+$0x0], $0xffff;
	[tilespmem:v16+s2+$0xAB0 ss:$0x1] =	vst.idx.msk $0xffff, v29  }
0x1c7: {  	[tilespmem:v16+s2+$0x140 ss:$0x1] =	vst.idx.msk $0xffff, v48;
	v30 =	vld.idx.msk [tilespmem:v57+s31+$0x0], $0xffff  }
0x1c8: {  	v34 =	vor.u32 s7, v19;
	v29 =	vld.idx.msk [tilespmem:v61+s31+$0x0], $0xffff;
	[tilespmem:v16+s2+$0x40 ss:$0x1] =	vst.idx.msk $0xffff, v20  }
0x1c9: {  	v51 =	vor.u32 s12, v19;
	v23 =	vld.idx.msk [tilespmem:v35+s31+$0x0], $0xffff;
	[tilespmem:v16+s2+$0x250 ss:$0x1] =	vst.idx.msk $0xffff, v24  }
0x1ca: {  	v60 =	vor.u32 s23, v18;
	v52 =	vld.idx.msk [tilespmem:v42+s31+$0x0], $0xffff;
	[tilespmem:v16+s2+$0x350 ss:$0x1] =	vst.idx.msk $0xffff, v43  }
0x1cb: {  	v41 =	vor.u32 s3, v19;
	v26 =	vld.idx.msk [tilespmem:v44+s31+$0x0], $0xffff;
	[tilespmem:v16+s2+$0xE0 ss:$0x1] =	vst.idx.msk $0xffff, v22  }
0x1cc: {  	v58 =	vor.u32 s22, v18;
	v27 =	vld.idx.msk [tilespmem:v59+s31+$0x0], $0xffff;
	[tilespmem:v16+s2+$0xA40 ss:$0x1] =	vst.idx.msk $0xffff, v30  }
0x1cd: {  	v46 =	vor.u32 s6, v19;
	v61 =	vor.u32 s24, v18;
	v21 =	vld.idx.msk [tilespmem:v34+s31+$0x0], $0xffff;
	[tilespmem:v16+s2+$0xB40 ss:$0x1] =	vst.idx.msk $0xffff, v29  }
0x1ce: {  	v50 =	vor.u32 s25, v19;
	v48 =	vor.u32 s9, v19;
	v19 =	vld.idx.msk [tilespmem:v51+s31+$0x0], $0xffff;
	[tilespmem:v16+s2+$0x1D0 ss:$0x1] =	vst.idx.msk $0xffff, v23  }
0x1cf: {  	v34 =	vld.idx.msk [tilespmem:v60+s31+$0x0], $0xffff;
	[tilespmem:v16+s2+$0x950 ss:$0x1] =	vst.idx.msk $0xffff, v52  }
0x1d0: {  	v55 =	vor.u32 s13, v18;
	v49 =	vld.idx.msk [tilespmem:v41+s31+$0x0], $0xffff;
	[tilespmem:v16+s2+$0x9D0 ss:$0x1] =	vst.idx.msk $0xffff, v26  }
0x1d1: {  	v57 =	vor.u32 s16, v18;
	v23 =	vld.idx.msk [tilespmem:v58+s31+$0x0], $0xffff;
	[tilespmem:v16+s2+$0xAC0 ss:$0x1] =	vst.idx.msk $0xffff, v27  }
0x1d2: {  	v59 =	vor.u32 s19, v18;
	v36 =	vld.idx.msk [tilespmem:v61+s31+$0x0], $0xffff;
	[tilespmem:v16+s2+$0x150 ss:$0x1] =	vst.idx.msk $0xffff, v21  }
0x1d3: {  	v63 =	vor.u32 s4, v18;
	v28 =	vld.idx.msk [tilespmem:v46+s31+$0x0], $0xffff;
	[tilespmem:v16+s2+$0x50 ss:$0x1] =	vst.idx.msk $0xffff, v19  }
0x1d4: {  	v33 =	vor.u32 s5, v18;
	v27 =	vld.idx.msk [tilespmem:v50+s31+$0x0], $0xffff;
	[tilespmem:v16+s2+$0x3E0 ss:$0x1] =	vst.idx.msk $0xffff, v34  }
0x1d5: {  	v25 =	vld.idx.msk [tilespmem:v55+s31+$0x0], $0xffff;
	[tilespmem:v16+s2+$0x8D0 ss:$0x1] =	vst.idx.msk $0xffff, v49  }
0x1d6: {  	v54 =	vor.u32 s7, v18;
	v21 =	vld.idx.msk [tilespmem:v57+s31+$0x0], $0xffff;
	[tilespmem:v16+s2+$0x2E0 ss:$0x1] =	vst.idx.msk $0xffff, v23  }
0x1d7: {  	v40 =	vor.u32 s12, v18;
	v32 =	vld.idx.msk [tilespmem:v59+s31+$0x0], $0xffff;
	[tilespmem:v16+s2+$0x860 ss:$0x1] =	vst.idx.msk $0xffff, v36  }
0x1d8: {  	v62 =	vor.u32 s3, v18;
	v41 =	vld.idx.msk [tilespmem:v63+s31+$0x0], $0xffff;
	[tilespmem:v16+s2+$0xA50 ss:$0x1] =	vst.idx.msk $0xffff, v28  }
0x1d9: {  	v42 =	vor.u32 s10, v17;
	v24 =	vld.idx.msk [tilespmem:v33+s31+$0x0], $0xffff;
	[tilespmem:v16+s2+$0xB50 ss:$0x1] =	vst.idx.msk $0xffff, v27  }
0x1da: {  	v50 =	vor.u32 s23, v17;
	v56 =	vld.idx.msk [tilespmem:v48+s31+$0x0], $0xffff;
	[tilespmem:v16+s2+$0x1E0 ss:$0x1] =	vst.idx.msk $0xffff, v25  }
0x1db: {  	v35 =	vor.u32 s6, v18;
	v20 =	vld.idx.msk [tilespmem:v54+s31+$0x0], $0xffff;
	[tilespmem:v16+s2+$0x260 ss:$0x1] =	vst.idx.msk $0xffff, v21  }
0x1dc: {  	v37 =	vor.u32 s9, v18;
	v39 =	vor.u32 s25, v18;
	v18 =	vld.idx.msk [tilespmem:v40+s31+$0x0], $0xffff;
	[tilespmem:v16+s2+$0x360 ss:$0x1] =	vst.idx.msk $0xffff, v32  }
0x1dd: {  	v44 =	vor.u32 s13, v17;
	v38 =	vld.idx.msk [tilespmem:v62+s31+$0x0], $0xffff;
	[tilespmem:v16+s2+$0x960 ss:$0x1] =	vst.idx.msk $0xffff, v41  }
0x1de: {  	v46 =	vor.u32 s16, v17;
	v23 =	vld.idx.msk [tilespmem:v42+s31+$0x0], $0xffff;
	[tilespmem:v16+s2+$0x9E0 ss:$0x1] =	vst.idx.msk $0xffff, v24  }
0x1df: {  	v48 =	vor.u32 s22, v17;
	v24 =	vld.idx.msk [tilespmem:v50+s31+$0x0], $0xffff;
	[tilespmem:v16+s2+$0xAD0 ss:$0x1] =	vst.idx.msk $0xffff, v56  }
0x1e0: {  	v51 =	vor.u32 s24, v17;
	[tilespmem:v16+s2+$0x160 ss:$0x1] =	vst.idx.msk $0xffff, v20;
	v26 =	vld.idx.msk [tilespmem:v35+s31+$0x0], $0xffff  }
0x1e1: {  	v53 =	vor.u32 s4, v17;
	v47 =	vld.idx.msk [tilespmem:v39+s31+$0x0], $0xffff;
	[tilespmem:v16+s2+$0x60 ss:$0x1] =	vst.idx.msk $0xffff, v18  }
0x1e2: {  	v54 =	vor.u32 s5, v17;
	v22 =	vld.idx.msk [tilespmem:v44+s31+$0x0], $0xffff;
	[tilespmem:v16+s2+$0x8E0 ss:$0x1] =	vst.idx.msk $0xffff, v38  }
0x1e3: {  	v20 =	vld.idx.msk [tilespmem:v46+s31+$0x0], $0xffff;
	[tilespmem:v16+s2+$0xF0 ss:$0x1] =	vst.idx.msk $0xffff, v23  }
0x1e4: {  	v43 =	vor.u32 s7, v17;
	v25 =	vld.idx.msk [tilespmem:v48+s31+$0x0], $0xffff;
	[tilespmem:v16+s2+$0x3F0 ss:$0x1] =	vst.idx.msk $0xffff, v24  }
0x1e5: {  	v49 =	vor.u32 s19, v17;
	v56 =	vld.idx.msk [tilespmem:v51+s31+$0x0], $0xffff;
	[tilespmem:v16+s2+$0xA60 ss:$0x1] =	vst.idx.msk $0xffff, v26  }
0x1e6: {  	v52 =	vor.u32 s3, v17;
	v60 =	vld.idx.msk [tilespmem:v53+s31+$0x0], $0xffff;
	[tilespmem:v16+s2+$0xB60 ss:$0x1] =	vst.idx.msk $0xffff, v47  }
0x1e7: {  	v55 =	vor.u32 s6, v17;
	v57 =	vor.u32 s9, v17;
	v18 =	vld.idx.msk [tilespmem:v54+s31+$0x0], $0xffff;
	[tilespmem:v16+s2+$0x1F0 ss:$0x1] =	vst.idx.msk $0xffff, v22  }
0x1e8: {  	v59 =	vor.u32 s25, v17;
	v17 =	vor.u32 s12, v17;
	v45 =	vld.idx.msk [tilespmem:v37+s31+$0x0], $0xffff;
	[tilespmem:v16+s2+$0x270 ss:$0x1] =	vst.idx.msk $0xffff, v20  }
0x1e9: {  	v19 =	vld.idx.msk [tilespmem:v43+s31+$0x0], $0xffff;
	[tilespmem:v16+s2+$0x2F0 ss:$0x1] =	vst.idx.msk $0xffff, v25  }
0x1ea: {  	v21 =	vld.idx.msk [tilespmem:v49+s31+$0x0], $0xffff;
	[tilespmem:v16+s2+$0x870 ss:$0x1] =	vst.idx.msk $0xffff, v56  }
0x1eb: {  	v58 =	vld.idx.msk [tilespmem:v52+s31+$0x0], $0xffff;
	[tilespmem:v16+s2+$0x970 ss:$0x1] =	vst.idx.msk $0xffff, v60  }
0x1ec: {  	[tilespmem:v16+s2+$0x9F0 ss:$0x1] =	vst.idx.msk $0xffff, v18  }
0x1ed: {  	v17 =	vld.idx.msk [tilespmem:v17+s31+$0x0], $0xffff;
	[tilespmem:v16+s2+$0xAE0 ss:$0x1] =	vst.idx.msk $0xffff, v45  }
0x1ee: {  	[tilespmem:v16+s2+$0x170 ss:$0x1] =	vst.idx.msk $0xffff, v19;
	v61 =	vld.idx.msk [tilespmem:v55+s31+$0x0], $0xffff  }
0x1ef: {  	v63 =	vld.idx.msk [tilespmem:v59+s31+$0x0], $0xffff;
	[tilespmem:v16+s2+$0x370 ss:$0x1] =	vst.idx.msk $0xffff, v21  }
0x1f0: {  	v62 =	vld.idx.msk [tilespmem:v57+s31+$0x0], $0xffff;
	[tilespmem:v16+s2+$0x8F0 ss:$0x1] =	vst.idx.msk $0xffff, v58  }
0x1f1: {  	s22 =	rddreg [dreg:$0x4]  }
0x1f2: {  	[tilespmem:v16+s2+$0x70 ss:$0x1] =	vst.idx.msk $0xffff, v17;
	s3 =	sadd.s32 s22, s28  }
0x1f3: {  	[tilespmem:v16+s2+$0xA70 ss:$0x1] =	vst.idx.msk $0xffff, v61;
	s23 =	sshll.u32 s3, $0x7  }
0x1f4: {  	s25 =	rddreg [dreg:$0x2];
	[tilespmem:v16+s2+$0xB70 ss:$0x1] =	vst.idx.msk $0xffff, v63;
	s24 =	sshll.u32 s3, $0xA;
	s4 =	sand.u32 $0x3F80, s23  }
0x1f5: {  	s7 =	simm.s32 $0x0;
	[tilespmem:v16+s2+$0xAF0 ss:$0x1] =	vst.idx.msk $0xffff, v62;
	s5 =	sand.u32 $0xFFE0000, s24;
	s4 =	sadd.s32 s25, s4  }
0x1f6: {  	s2 =	sadd.s32 $0x7, s1;
	s26 =	rddreg [dreg:$0xc];
	s4 =	sadd.s32 s5, s4  }
0x1f7: {  	[hbm4b:s4+s7] =	stream.linear.scatter [tilespmem:s26], [sflag:s2], $0x400, $0x38;
	[tilespmem:$0x18400] =	vst v63  }
0x1f8: {  	s6 =	sadd.s32 $0xCC00, s0;
	s9 =	sadd.s32 $0x4000, s4  }
0x1f9: {  	[hbm4b:s9+s7] =	stream.linear.scatter [tilespmem:s6], [sflag:s2], $0x400, $0x38;
	[tilespmem:$0x18400] =	vst v63  }
0x1fa: {  	s10 =	sadd.s32 $0xD400, s0;
	s12 =	sadd.s32 $0x8000, s4  }
0x1fb: {  	[hbm4b:s12+s7] =	stream.linear.scatter [tilespmem:s10], [sflag:s2], $0x400, $0x38;
	[tilespmem:$0x18400] =	vst v63  }
0x1fc: {  	s13 =	sadd.s32 $0xDC00, s0;
	s14 =	sadd.s32 $0xC000, s4  }
0x1fd: {  	[hbm4b:s14+s7] =	stream.linear.scatter [tilespmem:s13], [sflag:s2], $0x400, $0x38;
	[tilespmem:$0x18400] =	vst v63  }
0x1fe: {  	s16 =	sadd.s32 $0xE400, s0;
	s19 =	sadd.s32 $0x10000, s4  }
0x1ff: {  	[hbm4b:s19+s7] =	stream.linear.scatter [tilespmem:s16], [sflag:s2], $0x400, $0x38;
	[tilespmem:$0x18400] =	vst v63  }
0x200: {  	s22 =	sadd.s32 $0xEC00, s0;
	s23 =	sadd.s32 $0x14000, s4  }
0x201: {  	[hbm4b:s23+s7] =	stream.linear.scatter [tilespmem:s22], [sflag:s2], $0x400, $0x38;
	[tilespmem:$0x18400] =	vst v63  }
0x202: {  	p0 =	sgt.u32 s28, $0xC4;
	s24 =	sadd.s32 $0xF400, s0;
	s25 =	sadd.s32 $0x18000, s4  }
0x203: {  	[hbm4b:s25+s7] =	stream.linear.scatter [tilespmem:s24], [sflag:s2], $0x400, $0x38;
	[tilespmem:$0x18400] =	vst v63  }
0x204: {  	s26 =	sadd.s32 $0xFC00, s0;
	s4 =	sadd.s32 $0x1C000, s4;
	s0 =	sadd.s32 @!p0 $0x3, s3  }
0x205: {  	[hbm4b:s4+s7] =	stream.linear.scatter [tilespmem:s26], [sflag:s2], $0x400, $0x38;
	[tilespmem:$0x18400] =	vst v63  }
0x206: {  	s2 =	sshll.u32 @!p0 s0, $0xA  }
0x207: {  	s3 =	sshll.u32 @!p0 s0, $0x7;
	s0 =	sand.u32 @!p0 $0x380, s0;
	s2 =	sand.u32 @!p0 $0x1FC00, s2  }
0x208: {  	s0 =	sor.u32 @!p0 s0, s2;
	s2 =	sand.u32 @!p0 $0x7FFE0000, s3  }
0x209: {  	s0 =	sor.u32 @!p0 s2, s0  }
0x20a: {  	s2 =	rddreg [dreg:$0x0];
	s0 =	sshrl.u32 @!p0 s0, $0x3  }
0x20b: {  	s1 =	sadd.s32 @!p0 $0x1, s1;
	s0 =	sadd.s32 @!p0 s2, s0;
	s2 =	simm.s32 @!p0 $0x0  }
0x20c: {  	[tilespmem:s30], [sflag:s1] =	stream.linear.gather @!p0 [hbm4b:s0+s2], $0x80, $0x38;
	[tilespmem:$0x18400] =	vst v63  }
0x20d: {  	_ =	swait.ge @!p0 [sflag:s1], $0x80  }
0x20e: {  	[sflag:s1] =	ssyncset.done @!p0 $0x0  }
0x20f: {  	[sflag:s1] =	ssyncadd.s32 @!p0 $0xFFFFFF80  }
0x210: {  	v16 =	vld @!p0 [tilespmem:s30+$0x0];
	_ =	sdelay $0x4  }
0x211: {  	vm0 =	vgt.s32 @!p0 v16, $0x79FFF;
	v17 =	vadd.s32 @!p0 $0xFFF86000, v16  }
0x212: {  	v16 =	vsel @!p0 vm0, v17, v16  }
0x213: {  	[tilespmem:s30+$0x200] =	vst @!p0 v16  }
0x214: {  	v16 =	vld @!p0 [tilespmem:s8+$0x0];
	_ =	sdelay $0x4  }
0x215: {  	vm0 =	vgt.s32 @!p0 v16, $0x79FFF;
	v17 =	vadd.s32 @!p0 $0xFFF86000, v16  }
0x216: {  	v16 =	vsel @!p0 vm0, v17, v16  }
0x217: {  	[tilespmem:s8+$0x200] =	vst @!p0 v16  }
0x218: {  	v16 =	vld @!p0 [tilespmem:s21+$0x0];
	_ =	sdelay $0x4  }
0x219: {  	vm0 =	vgt.s32 @!p0 v16, $0x79FFF;
	v17 =	vadd.s32 @!p0 $0xFFF86000, v16  }
0x21a: {  	v16 =	vsel @!p0 vm0, v17, v16  }
0x21b: {  	[tilespmem:s21+$0x200] =	vst @!p0 v16  }
0x21c: {  	v16 =	vld @!p0 [tilespmem:s20+$0x0];
	_ =	sdelay $0x4  }
0x21d: {  	vm0 =	vgt.s32 @!p0 v16, $0x79FFF;
	v17 =	vadd.s32 @!p0 $0xFFF86000, v16  }
0x21e: {  	v16 =	vsel @!p0 vm0, v17, v16  }
0x21f: {  	[tilespmem:s20+$0x200] =	vst @!p0 v16  }
0x220: {  	v16 =	vld @!p0 [tilespmem:s18+$0x0];
	_ =	sdelay $0x4  }
0x221: {  	vm0 =	vgt.s32 @!p0 v16, $0x79FFF;
	v17 =	vadd.s32 @!p0 $0xFFF86000, v16  }
0x222: {  	v16 =	vsel @!p0 vm0, v17, v16  }
0x223: {  	[tilespmem:s18+$0x200] =	vst @!p0 v16  }
0x224: {  	v16 =	vld @!p0 [tilespmem:s17+$0x0];
	_ =	sdelay $0x4  }
0x225: {  	vm0 =	vgt.s32 @!p0 v16, $0x79FFF;
	v17 =	vadd.s32 @!p0 $0xFFF86000, v16  }
0x226: {  	v16 =	vsel @!p0 vm0, v17, v16  }
0x227: {  	s0 =	rddreg [dreg:$0xb];
	[tilespmem:s17+$0x200] =	vst @!p0 v16  }
0x228: {  	v16 =	vld @!p0 [tilespmem:s0+$0x0];
	_ =	sdelay $0x4  }
0x229: {  	vm0 =	vgt.s32 @!p0 v16, $0x79FFF;
	v17 =	vadd.s32 @!p0 $0xFFF86000, v16  }
0x22a: {  	v16 =	vsel @!p0 vm0, v17, v16  }
0x22b: {  	[tilespmem:s0+$0x200] =	vst @!p0 v16  }
0x22c: {  	v16 =	vld @!p0 [tilespmem:s15+$0x0];
	_ =	sdelay $0x4  }
0x22d: {  	vm0 =	vgt.s32 @!p0 v16, $0x79FFF;
	v17 =	vadd.s32 @!p0 $0xFFF86000, v16  }
0x22e: {  	s28 =	sadd.s32 $0x1, s28;
	v16 =	vsel @!p0 vm0, v17, v16  }
0x22f: {  	s2 =	rddreg [dreg:$0x5];
	s1 =	simm.s32 @!p0 $0x80;
	s0 =	sadd.s32 @!p0 $0x200, s30;
	[tilespmem:s15+$0x200] =	vst @!p0 v16  }
0x230: {  	[tilespmem:s31], [sflag:s29] =	stream.indirect.gather @!p0 [hbm4b:s2+s1], $0x80, s0, s1, $0xb8;
	[tilespmem:$0x18400] =	vst v63  }
0x231: {  	p0 =	sne.s32 s28, $0xC8  }
.Ltmp1:
0x232: {  	_ = 	snop;
	(pc) =	sbr.rel @p0 .LBB2_2-.Ltmp1, $2  }
0x233: {  	_ =	sdelay $0x2  }
0x234: {  	s11 =	sadd.s32 $0x4000, s11  }
0x235: {  	s0 =	simm.s32 $0x7  }
0x236: {  	_ =	swait.ge [sflag:s0], $0x2000  }
0x237: {  	[sflag:s0] =	ssyncset.done $0x0  }
0x238: {  	s30 =	simm.s32 $0x8;
	[sflag:s0] =	ssyncadd.s32 $0xFFFFE000  }
0x239: {  	_ =	swait.ge [sflag:s30], $0x2000  }
0x23a: {  	[sflag:s30] =	ssyncset.done $0x0  }
0x23b: {  	s1 =	simm.s32 $0x9;
	[sflag:s30] =	ssyncadd.s32 $0xFFFFE000  }
0x23c: {  	_ =	swait.ge [sflag:s1], $0x2000  }
0x23d: {  	s2 =	rddreg [dreg:$0xa]  }
0x23e: {  	s31 =	rddreg [dreg:$0x9];
	s2 =	sadd.s32 $0x1, s2  }
0x23f: {  	p0 =	sne.s32 s2, s31  }
.Ltmp2:
0x240: {  	_ = 	snop;
	(pc) =	sbr.rel @p0 .LBB2_1-.Ltmp2, $3  }
0x241: {  	_ =	sdelay $0x1  }
0x242: {  	[sflag:s1] =	ssyncset.done $0x0  }
0x243: {  	[sflag:s1] =	ssyncadd.s32 $0xFFFFE000  }
0x244: {  	_ =	sfence.sel $0x180000  }
0x245: {  	[bflag:$0x0] =	sbarrier.arrive $0xFFFF  }
0x246: {  	_ =	strace $0x90000047  }
0x247: {  	s0 =	stileid.u32;
	[bflag:$0x2] =	sbarrier.arrive $0xFFFF  }
0x248: {  	p0 =	sne.s32 s0, $0x0;
	s0 =	rddreg [dreg:$0x3]  }
0x249: {  	s0 =	sadd.s32 @!p0 $0x100000, s0  }
0x24a: {  	[sflag:s0] =	ssyncadd.tile.s32 @!p0 $0x1;
	_ =	shalt  }
.Lfunc_end2:
_tile_overlayer_lowered:
.L_overlay_start_2:
0x24b: {  	(tag) =	ssettag $0x2  }
0x24c: {  	s0 =	rddreg [dreg:$0x0];
	s2 =	stileid.u32  }
0x24d: {  	s1 =	rddreg [dreg:$0x1];
	p0 =	sne.s32 s2, $0x0  }
0x24e: {  	s3 =	rddreg [dreg:$0x2];
	[bflag:$0x3] =	sbarrier.arrive $0xFFFF;
	s2 =	simm.s32 @!p0 $0x1C0A  }
0x24f: {  	[timem:s3], [sflag:s2] =	dma.local @!p0 [hbm:s0], s1  }
0x250: {  	s0 =	simm.s32 @!p0 $0xA  }
0x251: {  	_ =	swait.ge @!p0 [sflag:s0], s1  }
0x252: {  	s1 =	ssub.s32 @!p0 $0x0, s1;
	[sflag:s0] =	ssyncset.done @!p0 $0x0  }
0x253: {  	[sflag:s0] =	ssyncadd.s32 @!p0 s1  }
0x254: {  	[bflag:$0x3] =	sbarrier.arrive $0xFFFF  }
0x255: {  	_ =	shalt  }

</sc_bundles>
